<compile_context>
chip_gen: v7x
topology: tpu7x:2x2x1
jax: 0.10.2.dev20260603
libtpu: 0.0.44.dev20260713+nightly
codegen_flags: <defaults>
</compile_context>

<pallas_src>
import functools

import jax
import jax.numpy as jnp
from jax import lax
from jax.experimental import pallas as pl
from jax.experimental.pallas import tpu as pltpu
from jax.experimental.pallas import tpu_sc as plsc

N_NODES = 100000
IN_DIM = 60
BATCH = 16384
FANOUT = 6
DIMS = 20
TD = 24
HD = 128

NC, NS = 2, 16
NW = NC * NS
BPW = BATCH // NW
CH = 32
NCHUNK = BPW // CH
IDX_TILE = 128


def _table_body(x_ref, w1a_ref, w1b_ref, b1_ref, f1_ref, f2_ref):
    x = x_ref[...]
    f1_ref[...] = (jnp.dot(x, w1a_ref[...], preferred_element_type=jnp.float32)
                   + b1_ref[...])
    f2_ref[...] = jnp.dot(x, w1b_ref[...], preferred_element_type=jnp.float32)


def _make_tables(features, W1, b1):
    rows = features.shape[0]
    blk = 8192
    grid = (rows + blk - 1) // blk
    return pl.pallas_call(
        _table_body,
        grid=(grid,),
        in_specs=[
            pl.BlockSpec((blk, IN_DIM), lambda i: (i, 0)),
            pl.BlockSpec((IN_DIM, TD), lambda i: (0, 0)),
            pl.BlockSpec((IN_DIM, TD), lambda i: (0, 0)),
            pl.BlockSpec((1, TD), lambda i: (0, 0)),
        ],
        out_specs=[
            pl.BlockSpec((blk, TD), lambda i: (i, 0)),
            pl.BlockSpec((blk, TD), lambda i: (i, 0)),
        ],
        out_shape=[
            jax.ShapeDtypeStruct((rows, TD), jnp.float32),
            jax.ShapeDtypeStruct((rows, TD), jnp.float32),
        ],
    )(features,
      jnp.pad(W1[:IN_DIM], ((0, 0), (0, TD - DIMS))),
      jnp.pad(W1[IN_DIM:], ((0, 0), (0, TD - DIMS))),
      jnp.pad(b1, (0, TD - DIMS)).reshape(1, TD))


def _head_body(h_ref, w2_ref, b2_ref, o_ref):
    h = h_ref[...][:, :2 * DIMS]
    acc = jnp.dot(h, w2_ref[...], preferred_element_type=jnp.float32)
    o_ref[...] = jnp.maximum(acc + b2_ref[...], 0.0)


def _head(H, W2, b2):
    blk = 2048
    return pl.pallas_call(
        _head_body,
        grid=(BATCH // blk,),
        in_specs=[
            pl.BlockSpec((blk, HD), lambda i: (i, 0)),

            pl.BlockSpec((2 * DIMS, DIMS), lambda i: (0, 0)),
            pl.BlockSpec((1, DIMS), lambda i: (0, 0)),
        ],
        out_specs=pl.BlockSpec((blk, DIMS), lambda i: (i, 0)),
        out_shape=jax.ShapeDtypeStruct((BATCH, DIMS), jnp.float32),
    )(H, W2, b2.reshape(1, DIMS))


def _fire(ci, f1_hbm, f2_hbm, idxv, n1v, n2v, rs, rn1a, rn1b, rn2, sem):
    pltpu.async_copy(f1_hbm.at[idxv.at[pl.ds(ci * CH, CH)]], rs, sem)
    n1o = ci * CH * FANOUT
    pltpu.async_copy(f1_hbm.at[n1v.at[pl.ds(n1o, 128)]],
                     rn1a.at[pl.ds(0, 128)], sem)
    pltpu.async_copy(f1_hbm.at[n1v.at[pl.ds(n1o + 128, 64)]],
                     rn1a.at[pl.ds(128, 64)], sem)
    pltpu.async_copy(f2_hbm.at[n1v.at[pl.ds(n1o, 128)]],
                     rn1b.at[pl.ds(0, 128)], sem)
    pltpu.async_copy(f2_hbm.at[n1v.at[pl.ds(n1o + 128, 64)]],
                     rn1b.at[pl.ds(128, 64)], sem)
    n2o = ci * CH * FANOUT * FANOUT
    for k in range(CH * FANOUT * FANOUT // IDX_TILE):
        pltpu.async_copy(f2_hbm.at[n2v.at[pl.ds(n2o + k * IDX_TILE, IDX_TILE)]],
                         rn2.at[pl.ds(k * IDX_TILE, IDX_TILE)], sem)


def _drain(f1_hbm, f2_hbm, idxv, n1v, n2v, rs, rn1a, rn1b, rn2, sem):
    pltpu.make_async_copy(f1_hbm.at[idxv.at[pl.ds(0, CH)]], rs, sem).wait()
    pltpu.make_async_copy(f1_hbm.at[n1v.at[pl.ds(0, 128)]],
                          rn1a.at[pl.ds(0, 128)], sem).wait()
    pltpu.make_async_copy(f1_hbm.at[n1v.at[pl.ds(0, 64)]],
                          rn1a.at[pl.ds(128, 64)], sem).wait()
    pltpu.make_async_copy(f2_hbm.at[n1v.at[pl.ds(0, 128)]],
                          rn1b.at[pl.ds(0, 128)], sem).wait()
    pltpu.make_async_copy(f2_hbm.at[n1v.at[pl.ds(0, 64)]],
                          rn1b.at[pl.ds(128, 64)], sem).wait()
    for k in range(CH * FANOUT * FANOUT // IDX_TILE):
        pltpu.make_async_copy(
            f2_hbm.at[n2v.at[pl.ds(0, IDX_TILE)]],
            rn2.at[pl.ds(k * IDX_TILE, IDX_TILE)], sem).wait()


def _compute(ci, base, rs, rn1a, rn1b, rn2, hb, out_hbm):
    sixth = jnp.float32(1.0 / FANOUT)
    cb = base + ci * CH

    @pl.loop(0, CH)
    def elem(e):
        zero = jnp.zeros((16,), jnp.float32)
        acc0 = zero
        acc1 = zero
        sb0 = zero
        sb1 = zero
        for i in range(FANOUT):
            g = e * FANOUT + i
            s0 = zero
            s1 = zero
            for j in range(FANOUT):
                r = g * FANOUT + j
                s0 = s0 + rn2[r, pl.ds(0, 16)]
                s1 = s1 + rn2[r, pl.ds(4, 16)]
            q0 = jnp.maximum(rn1a[g, pl.ds(0, 16)] + sixth * s0, 0.0)
            q1 = jnp.maximum(rn1a[g, pl.ds(4, 16)] + sixth * s1, 0.0)
            acc0 = acc0 + q0
            acc1 = acc1 + q1
            sb0 = sb0 + rn1b[g, pl.ds(0, 16)]
            sb1 = sb1 + rn1b[g, pl.ds(4, 16)]
        hs0 = jnp.maximum(rs[e, pl.ds(0, 16)] + sixth * sb0, 0.0)
        hs1 = jnp.maximum(rs[e, pl.ds(4, 16)] + sixth * sb1, 0.0)
        hb[e, pl.ds(0, 16)] = hs0
        hb[e, pl.ds(4, 16)] = hs1
        hb[e, pl.ds(20, 16)] = sixth * acc0
        hb[e, pl.ds(24, 16)] = sixth * acc1

    pltpu.sync_copy(hb, out_hbm.at[pl.ds(cb, CH)])


def _gather_body(f1_hbm, f2_hbm, idx_hbm, n1_hbm, n2_hbm, out_hbm,
                 idxv, n1v, n2v,
                 rsA, rn1aA, rn1bA, rn2A,
                 rsB, rn1aB, rn1bB, rn2B,
                 hb, semA, semB):
    wid = lax.axis_index("s") * NC + lax.axis_index("c")
    base = wid * BPW
    pltpu.sync_copy(idx_hbm.at[pl.ds(base, BPW)], idxv)
    pltpu.sync_copy(n1_hbm.at[pl.ds(base * FANOUT, BPW * FANOUT)], n1v)
    pltpu.sync_copy(n2_hbm.at[pl.ds(base * FANOUT * FANOUT,
                                    BPW * FANOUT * FANOUT)], n2v)

    bufA = (rsA, rn1aA, rn1bA, rn2A)
    bufB = (rsB, rn1aB, rn1bB, rn2B)
    _fire(0, f1_hbm, f2_hbm, idxv, n1v, n2v, *bufA, semA)

    @pl.loop(0, NCHUNK // 2)
    def step(h):
        ci0 = 2 * h
        _fire(ci0 + 1, f1_hbm, f2_hbm, idxv, n1v, n2v, *bufB, semB)
        _drain(f1_hbm, f2_hbm, idxv, n1v, n2v, *bufA, semA)
        _compute(ci0, base, *bufA, hb, out_hbm)

        @pl.when(h + 1 < NCHUNK // 2)
        def _():
            _fire(ci0 + 2, f1_hbm, f2_hbm, idxv, n1v, n2v, *bufA, semA)

        _drain(f1_hbm, f2_hbm, idxv, n1v, n2v, *bufB, semB)
        _compute(ci0 + 1, base, *bufB, hb, out_hbm)


def _gather_kernel(F1, F2, idx, n1f, n2f):
    mesh = plsc.VectorSubcoreMesh(core_axis_name="c", subcore_axis_name="s")
    run = functools.partial(
        pl.kernel,
        out_type=jax.ShapeDtypeStruct((BATCH, HD), jnp.float32),
        mesh=mesh,
        compiler_params=pltpu.CompilerParams(use_tc_tiling_on_sc=False, needs_layout_passes=False),
        scratch_types=[
            pltpu.VMEM((BPW,), jnp.int32),
            pltpu.VMEM((BPW * FANOUT,), jnp.int32),
            pltpu.VMEM((BPW * FANOUT * FANOUT,), jnp.int32),
            pltpu.VMEM((CH, TD), jnp.float32),
            pltpu.VMEM((CH * FANOUT, TD), jnp.float32),
            pltpu.VMEM((CH * FANOUT, TD), jnp.float32),
            pltpu.VMEM((CH * FANOUT * FANOUT, TD), jnp.float32),
            pltpu.VMEM((CH, TD), jnp.float32),
            pltpu.VMEM((CH * FANOUT, TD), jnp.float32),
            pltpu.VMEM((CH * FANOUT, TD), jnp.float32),
            pltpu.VMEM((CH * FANOUT * FANOUT, TD), jnp.float32),
            pltpu.VMEM((CH, HD), jnp.float32),
            pltpu.SemaphoreType.DMA,
            pltpu.SemaphoreType.DMA,
        ],
    )(_gather_body)
    return run(F1, F2, idx, n1f, n2f)


def kernel(features, idx, first_order_neighs, second_order_neighs,
           W1, b1, W2, b2):
    F1, F2 = _make_tables(features, W1, b1)
    H = _gather_kernel(F1, F2, idx, first_order_neighs.reshape(-1),
                       second_order_neighs.reshape(-1))
    return _head(H, W2, b2)

# --- scband reference (transcript-rebuilt; emitter-appended) ---
"""Pipeline reference for scband-graph-sage-sup-31628139168014 (READ-ONLY COPY).

The authoritative reference and input builder live on the scoring server;
editing this copy changes nothing except your own understanding.
"""

import jax, jax.numpy as jnp
import numpy as np

N_NODES = 100000
IN_DIM = 60
BATCH = 16384
FANOUT = 6  # sample_num=5 neighbors + self (gcn=True)
DIMS = 20


def setup_inputs(seed: int = 0) -> dict:
    key = jax.random.key(seed)
    ks = jax.random.split(key, 8)
    features = jax.random.normal(ks[0], (N_NODES, IN_DIM), dtype=jnp.float32)
    idx = jax.random.randint(ks[1], (BATCH,), 0, N_NODES)
    first_order_neighs = jax.random.randint(ks[2], (BATCH, FANOUT), 0, N_NODES)
    second_order_neighs = jax.random.randint(ks[3], (BATCH, FANOUT, FANOUT), 0, N_NODES)
    W1 = jax.random.normal(ks[4], (2 * IN_DIM, DIMS), dtype=jnp.float32) * (1.0 / np.sqrt(2 * IN_DIM))
    b1 = jnp.zeros((DIMS,), dtype=jnp.float32)
    W2 = jax.random.normal(ks[5], (2 * DIMS, DIMS), dtype=jnp.float32) * (1.0 / np.sqrt(2 * DIMS))
    b2 = jnp.zeros((DIMS,), dtype=jnp.float32)
    return {
        'features': features,
        'idx': idx,
        'first_order_neighs': first_order_neighs,
        'second_order_neighs': second_order_neighs,
        'W1': W1, 'b1': b1, 'W2': W2, 'b2': b2,
    }


def _sage_layer(h_self, h_neigh, W, b):
    # GraphSAGE mean aggregator with concat=True: concat(self, mean(neighbors)) @ W + b -> relu
    agg = jnp.mean(h_neigh, axis=-2)
    cat = jnp.concatenate([h_self, agg], axis=-1)
    return jax.nn.relu(cat @ W + b)


def reference(features, idx, first_order_neighs, second_order_neighs, W1, b1, W2, b2):
    # depth-2 sampled GraphSAGE (sample_num=5, gcn=True self-loop included in samples, concat=True)
    h0_self = jnp.take(features, idx, axis=0)                       # [B, 60]
    h0_n1 = jnp.take(features, first_order_neighs, axis=0)          # [B, 6, 60]
    h0_n2 = jnp.take(features, second_order_neighs, axis=0)         # [B, 6, 6, 60]
    # layer 1 applied to first-order neighbor nodes (using their second-order samples)
    h1_n1 = _sage_layer(h0_n1, h0_n2, W1, b1)                       # [B, 6, 20]
    # layer 1 applied to target nodes (using first-order samples)
    h1_self = _sage_layer(h0_self, h0_n1, W1, b1)                   # [B, 20]
    # layer 2 applied to target nodes
    out = _sage_layer(h1_self, h1_n1, W2, b2)                       # [B, 20]
    return out

if __name__ == "__main__":
    import jax
    _d = setup_inputs()
    print(jax.jit(kernel)(*tuple(_d.values())))

</pallas_src>

<mosaic_0001>
#map = affine_map<(d0, d1) -> (0, 0)>
#map1 = affine_map<(d0, d1) -> (0)>
module attributes {stable_mosaic.version = 14 : i64} {
  func.func @_gather_body(%arg0: i32, %arg1: i32, %arg2: memref<100000x24xf32, #tpu.memory_space<hbm>>, %arg3: memref<100000x24xf32, #tpu.memory_space<hbm>>, %arg4: memref<16384xi32, #tpu.memory_space<hbm>>, %arg5: memref<98304xi32, #tpu.memory_space<hbm>>, %arg6: memref<589824xi32, #tpu.memory_space<hbm>>, %arg7: memref<16384x128xf32, #tpu.memory_space<hbm>>, %arg8: memref<512xi32, #tpu.memory_space<vmem>>, %arg9: memref<3072xi32, #tpu.memory_space<vmem>>, %arg10: memref<18432xi32, #tpu.memory_space<vmem>>, %arg11: memref<32x24xf32, #tpu.memory_space<vmem>>, %arg12: memref<192x24xf32, #tpu.memory_space<vmem>>, %arg13: memref<192x24xf32, #tpu.memory_space<vmem>>, %arg14: memref<1152x24xf32, #tpu.memory_space<vmem>>, %arg15: memref<32x24xf32, #tpu.memory_space<vmem>>, %arg16: memref<192x24xf32, #tpu.memory_space<vmem>>, %arg17: memref<192x24xf32, #tpu.memory_space<vmem>>, %arg18: memref<1152x24xf32, #tpu.memory_space<vmem>>, %arg19: memref<32x128xf32, #tpu.memory_space<vmem>>, %arg20: memref<!tpu.dma_semaphore, #tpu.memory_space<semaphore_mem>>, %arg21: memref<!tpu.dma_semaphore, #tpu.memory_space<semaphore_mem>>) attributes {dimension_semantics = [#tpu.dimension_semantics<core_parallel>, #tpu.dimension_semantics<subcore_parallel>], iteration_bounds = array<i64: 2, 16>, scalar_prefetch = 0 : i64, scratch_operands = 14 : i64, tpu.core_type = #tpu.core_type<sc_vector_subcore>, window_params = [{transform_indices = #map}, {transform_indices = #map}, {transform_indices = #map1}, {transform_indices = #map1}, {transform_indices = #map1}, {transform_indices = #map}]} {
    %mul3A = arith.constant 2 : i32
    %mul3A_0 = arith.muli %arg1, %mul3A : i32
    %add3A = arith.addi %mul3A_0, %arg0 : i32
    %mul3A_1 = arith.constant 512 : i32
    %mul3A_2 = arith.muli %add3A, %mul3A_1 : i32
    "tpu.region"() ({
      %run_scoped3A = tpu.sem_alloc : memref<!tpu.dma_semaphore, #tpu.memory_space<semaphore_mem>>
      %dma_start3A_121 = tpu.memref_slice %arg4[%mul3A_2] : memref<16384xi32, #tpu.memory_space<hbm>> -> memref<512xi32, #tpu.memory_space<hbm>>
      %dma_start3A_122 = tpu.memref_slice %arg4[%mul3A_2] : memref<16384xi32, #tpu.memory_space<hbm>> -> memref<512xi32, #tpu.memory_space<hbm>>
      tpu.enqueue_dma source(%dma_start3A_122 : memref<512xi32, #tpu.memory_space<hbm>>) target(%arg8 : memref<512xi32, #tpu.memory_space<vmem>>) target_semaphore(%run_scoped3A : memref<!tpu.dma_semaphore, #tpu.memory_space<semaphore_mem>>)
      %dma_wait3A = tpu.memref_slice %arg4[%mul3A_2] : memref<16384xi32, #tpu.memory_space<hbm>> -> memref<512xi32, #tpu.memory_space<hbm>>
      %dma_wait3A_123 = tpu.memref_slice %arg4[%mul3A_2] : memref<16384xi32, #tpu.memory_space<hbm>> -> memref<512xi32, #tpu.memory_space<hbm>>
      tpu.wait_dma2 semaphore(%run_scoped3A : memref<!tpu.dma_semaphore, #tpu.memory_space<semaphore_mem>>) src(%dma_wait3A_123 : memref<512xi32, #tpu.memory_space<hbm>>) dst(%arg8 : memref<512xi32, #tpu.memory_space<vmem>>)
      tpu.yield
    }) : () -> ()
    %mul3A_3 = arith.constant 6 : i32
    %mul3A_4 = arith.muli %mul3A_2, %mul3A_3 : i32
    "tpu.region"() ({
      %run_scoped3A = tpu.sem_alloc : memref<!tpu.dma_semaphore, #tpu.memory_space<semaphore_mem>>
      %dma_start3A_121 = tpu.memref_slice %arg5[%mul3A_4] : memref<98304xi32, #tpu.memory_space<hbm>> -> memref<3072xi32, #tpu.memory_space<hbm>>
      %dma_start3A_122 = tpu.memref_slice %arg5[%mul3A_4] : memref<98304xi32, #tpu.memory_space<hbm>> -> memref<3072xi32, #tpu.memory_space<hbm>>
      tpu.enqueue_dma source(%dma_start3A_122 : memref<3072xi32, #tpu.memory_space<hbm>>) target(%arg9 : memref<3072xi32, #tpu.memory_space<vmem>>) target_semaphore(%run_scoped3A : memref<!tpu.dma_semaphore, #tpu.memory_space<semaphore_mem>>)
      %dma_wait3A = tpu.memref_slice %arg5[%mul3A_4] : memref<98304xi32, #tpu.memory_space<hbm>> -> memref<3072xi32, #tpu.memory_space<hbm>>
      %dma_wait3A_123 = tpu.memref_slice %arg5[%mul3A_4] : memref<98304xi32, #tpu.memory_space<hbm>> -> memref<3072xi32, #tpu.memory_space<hbm>>
      tpu.wait_dma2 semaphore(%run_scoped3A : memref<!tpu.dma_semaphore, #tpu.memory_space<semaphore_mem>>) src(%dma_wait3A_123 : memref<3072xi32, #tpu.memory_space<hbm>>) dst(%arg9 : memref<3072xi32, #tpu.memory_space<vmem>>)
      tpu.yield
    }) : () -> ()
    %mul3A_5 = arith.constant 6 : i32
    %mul3A_6 = arith.muli %mul3A_2, %mul3A_5 : i32
    %mul3A_7 = arith.constant 6 : i32
    %mul3A_8 = arith.muli %mul3A_6, %mul3A_7 : i32
    "tpu.region"() ({
      %run_scoped3A = tpu.sem_alloc : memref<!tpu.dma_semaphore, #tpu.memory_space<semaphore_mem>>
      %dma_start3A_121 = tpu.memref_slice %arg6[%mul3A_8] : memref<589824xi32, #tpu.memory_space<hbm>> -> memref<18432xi32, #tpu.memory_space<hbm>>
      %dma_start3A_122 = tpu.memref_slice %arg6[%mul3A_8] : memref<589824xi32, #tpu.memory_space<hbm>> -> memref<18432xi32, #tpu.memory_space<hbm>>
      tpu.enqueue_dma source(%dma_start3A_122 : memref<18432xi32, #tpu.memory_space<hbm>>) target(%arg10 : memref<18432xi32, #tpu.memory_space<vmem>>) target_semaphore(%run_scoped3A : memref<!tpu.dma_semaphore, #tpu.memory_space<semaphore_mem>>)
      %dma_wait3A = tpu.memref_slice %arg6[%mul3A_8] : memref<589824xi32, #tpu.memory_space<hbm>> -> memref<18432xi32, #tpu.memory_space<hbm>>
      %dma_wait3A_123 = tpu.memref_slice %arg6[%mul3A_8] : memref<589824xi32, #tpu.memory_space<hbm>> -> memref<18432xi32, #tpu.memory_space<hbm>>
      tpu.wait_dma2 semaphore(%run_scoped3A : memref<!tpu.dma_semaphore, #tpu.memory_space<semaphore_mem>>) src(%dma_wait3A_123 : memref<18432xi32, #tpu.memory_space<hbm>>) dst(%arg10 : memref<18432xi32, #tpu.memory_space<vmem>>)
      tpu.yield
    }) : () -> ()
    %dma_start3A = arith.constant 0 : i32
    %dma_start3A_9 = tpu.memref_slice %arg8[%dma_start3A] : memref<512xi32, #tpu.memory_space<vmem>> -> memref<32xi32, #tpu.memory_space<vmem>>
    %dma_start3A_10 = arith.constant 0 : i32
    %dma_start3A_11 = arith.constant 0 : i32
    %dma_start3A_12 = tpu.memref_slice %arg2[%dma_start3A_10, %dma_start3A_11] : memref<100000x24xf32, #tpu.memory_space<hbm>> -> memref<100000x24xf32, #tpu.memory_space<hbm>>
    tpu.enqueue_indirect_dma source(%dma_start3A_12 : memref<100000x24xf32, #tpu.memory_space<hbm>>) target(%arg11 : memref<32x24xf32, #tpu.memory_space<vmem>>) offsets(%dma_start3A_9 : memref<32xi32, #tpu.memory_space<vmem>>) semaphore(%arg20 : memref<!tpu.dma_semaphore, #tpu.memory_space<semaphore_mem>>)
    %dma_start3A_13 = arith.constant 0 : i32
    %dma_start3A_14 = arith.constant 0 : i32
    %dma_start3A_15 = tpu.memref_slice %arg12[%dma_start3A_13, %dma_start3A_14] : memref<192x24xf32, #tpu.memory_space<vmem>> -> memref<128x24xf32, #tpu.memory_space<vmem>>
    %dma_start3A_16 = arith.constant 0 : i32
    %dma_start3A_17 = tpu.memref_slice %arg9[%dma_start3A_16] : memref<3072xi32, #tpu.memory_space<vmem>> -> memref<128xi32, #tpu.memory_space<vmem>>
    %dma_start3A_18 = arith.constant 0 : i32
    %dma_start3A_19 = arith.constant 0 : i32
    %dma_start3A_20 = tpu.memref_slice %arg2[%dma_start3A_18, %dma_start3A_19] : memref<100000x24xf32, #tpu.memory_space<hbm>> -> memref<100000x24xf32, #tpu.memory_space<hbm>>
    tpu.enqueue_indirect_dma source(%dma_start3A_20 : memref<100000x24xf32, #tpu.memory_space<hbm>>) target(%dma_start3A_15 : memref<128x24xf32, #tpu.memory_space<vmem>>) offsets(%dma_start3A_17 : memref<128xi32, #tpu.memory_space<vmem>>) semaphore(%arg20 : memref<!tpu.dma_semaphore, #tpu.memory_space<semaphore_mem>>)
    %dma_start3A_21 = arith.constant 128 : i32
    %dma_start3A_22 = arith.constant 0 : i32
    %dma_start3A_23 = tpu.memref_slice %arg12[%dma_start3A_21, %dma_start3A_22] : memref<192x24xf32, #tpu.memory_space<vmem>> -> memref<64x24xf32, #tpu.memory_space<vmem>>
    %dma_start3A_24 = arith.constant 128 : i32
    %dma_start3A_25 = tpu.memref_slice %arg9[%dma_start3A_24] : memref<3072xi32, #tpu.memory_space<vmem>> -> memref<64xi32, #tpu.memory_space<vmem>>
    %dma_start3A_26 = arith.constant 0 : i32
    %dma_start3A_27 = arith.constant 0 : i32
    %dma_start3A_28 = tpu.memref_slice %arg2[%dma_start3A_26, %dma_start3A_27] : memref<100000x24xf32, #tpu.memory_space<hbm>> -> memref<100000x24xf32, #tpu.memory_space<hbm>>
    tpu.enqueue_indirect_dma source(%dma_start3A_28 : memref<100000x24xf32, #tpu.memory_space<hbm>>) target(%dma_start3A_23 : memref<64x24xf32, #tpu.memory_space<vmem>>) offsets(%dma_start3A_25 : memref<64xi32, #tpu.memory_space<vmem>>) semaphore(%arg20 : memref<!tpu.dma_semaphore, #tpu.memory_space<semaphore_mem>>)
    %dma_start3A_29 = arith.constant 0 : i32
    %dma_start3A_30 = arith.constant 0 : i32
    %dma_start3A_31 = tpu.memref_slice %arg13[%dma_start3A_29, %dma_start3A_30] : memref<192x24xf32, #tpu.memory_space<vmem>> -> memref<128x24xf32, #tpu.memory_space<vmem>>
    %dma_start3A_32 = arith.constant 0 : i32
    %dma_start3A_33 = tpu.memref_slice %arg9[%dma_start3A_32] : memref<3072xi32, #tpu.memory_space<vmem>> -> memref<128xi32, #tpu.memory_space<vmem>>
    %dma_start3A_34 = arith.constant 0 : i32
    %dma_start3A_35 = arith.constant 0 : i32
    %dma_start3A_36 = tpu.memref_slice %arg3[%dma_start3A_34, %dma_start3A_35] : memref<100000x24xf32, #tpu.memory_space<hbm>> -> memref<100000x24xf32, #tpu.memory_space<hbm>>
    tpu.enqueue_indirect_dma source(%dma_start3A_36 : memref<100000x24xf32, #tpu.memory_space<hbm>>) target(%dma_start3A_31 : memref<128x24xf32, #tpu.memory_space<vmem>>) offsets(%dma_start3A_33 : memref<128xi32, #tpu.memory_space<vmem>>) semaphore(%arg20 : memref<!tpu.dma_semaphore, #tpu.memory_space<semaphore_mem>>)
    %dma_start3A_37 = arith.constant 128 : i32
    %dma_start3A_38 = arith.constant 0 : i32
    %dma_start3A_39 = tpu.memref_slice %arg13[%dma_start3A_37, %dma_start3A_38] : memref<192x24xf32, #tpu.memory_space<vmem>> -> memref<64x24xf32, #tpu.memory_space<vmem>>
    %dma_start3A_40 = arith.constant 128 : i32
    %dma_start3A_41 = tpu.memref_slice %arg9[%dma_start3A_40] : memref<3072xi32, #tpu.memory_space<vmem>> -> memref<64xi32, #tpu.memory_space<vmem>>
    %dma_start3A_42 = arith.constant 0 : i32
    %dma_start3A_43 = arith.constant 0 : i32
    %dma_start3A_44 = tpu.memref_slice %arg3[%dma_start3A_42, %dma_start3A_43] : memref<100000x24xf32, #tpu.memory_space<hbm>> -> memref<100000x24xf32, #tpu.memory_space<hbm>>
    tpu.enqueue_indirect_dma source(%dma_start3A_44 : memref<100000x24xf32, #tpu.memory_space<hbm>>) target(%dma_start3A_39 : memref<64x24xf32, #tpu.memory_space<vmem>>) offsets(%dma_start3A_41 : memref<64xi32, #tpu.memory_space<vmem>>) semaphore(%arg20 : memref<!tpu.dma_semaphore, #tpu.memory_space<semaphore_mem>>)
    %dma_start3A_45 = arith.constant 0 : i32
    %dma_start3A_46 = arith.constant 0 : i32
    %dma_start3A_47 = tpu.memref_slice %arg14[%dma_start3A_45, %dma_start3A_46] : memref<1152x24xf32, #tpu.memory_space<vmem>> -> memref<128x24xf32, #tpu.memory_space<vmem>>
    %dma_start3A_48 = arith.constant 0 : i32
    %dma_start3A_49 = tpu.memref_slice %arg10[%dma_start3A_48] : memref<18432xi32, #tpu.memory_space<vmem>> -> memref<128xi32, #tpu.memory_space<vmem>>
    %dma_start3A_50 = arith.constant 0 : i32
    %dma_start3A_51 = arith.constant 0 : i32
    %dma_start3A_52 = tpu.memref_slice %arg3[%dma_start3A_50, %dma_start3A_51] : memref<100000x24xf32, #tpu.memory_space<hbm>> -> memref<100000x24xf32, #tpu.memory_space<hbm>>
    tpu.enqueue_indirect_dma source(%dma_start3A_52 : memref<100000x24xf32, #tpu.memory_space<hbm>>) target(%dma_start3A_47 : memref<128x24xf32, #tpu.memory_space<vmem>>) offsets(%dma_start3A_49 : memref<128xi32, #tpu.memory_space<vmem>>) semaphore(%arg20 : memref<!tpu.dma_semaphore, #tpu.memory_space<semaphore_mem>>)
    %dma_start3A_53 = arith.constant 128 : i32
    %dma_start3A_54 = arith.constant 0 : i32
    %dma_start3A_55 = tpu.memref_slice %arg14[%dma_start3A_53, %dma_start3A_54] : memref<1152x24xf32, #tpu.memory_space<vmem>> -> memref<128x24xf32, #tpu.memory_space<vmem>>
    %dma_start3A_56 = arith.constant 128 : i32
    %dma_start3A_57 = tpu.memref_slice %arg10[%dma_start3A_56] : memref<18432xi32, #tpu.memory_space<vmem>> -> memref<128xi32, #tpu.memory_space<vmem>>
    %dma_start3A_58 = arith.constant 0 : i32
    %dma_start3A_59 = arith.constant 0 : i32
    %dma_start3A_60 = tpu.memref_slice %arg3[%dma_start3A_58, %dma_start3A_59] : memref<100000x24xf32, #tpu.memory_space<hbm>> -> memref<100000x24xf32, #tpu.memory_space<hbm>>
    tpu.enqueue_indirect_dma source(%dma_start3A_60 : memref<100000x24xf32, #tpu.memory_space<hbm>>) target(%dma_start3A_55 : memref<128x24xf32, #tpu.memory_space<vmem>>) offsets(%dma_start3A_57 : memref<128xi32, #tpu.memory_space<vmem>>) semaphore(%arg20 : memref<!tpu.dma_semaphore, #tpu.memory_space<semaphore_mem>>)
    %dma_start3A_61 = arith.constant 256 : i32
    %dma_start3A_62 = arith.constant 0 : i32
    %dma_start3A_63 = tpu.memref_slice %arg14[%dma_start3A_61, %dma_start3A_62] : memref<1152x24xf32, #tpu.memory_space<vmem>> -> memref<128x24xf32, #tpu.memory_space<vmem>>
    %dma_start3A_64 = arith.constant 256 : i32
    %dma_start3A_65 = tpu.memref_slice %arg10[%dma_start3A_64] : memref<18432xi32, #tpu.memory_space<vmem>> -> memref<128xi32, #tpu.memory_space<vmem>>
    %dma_start3A_66 = arith.constant 0 : i32
    %dma_start3A_67 = arith.constant 0 : i32
    %dma_start3A_68 = tpu.memref_slice %arg3[%dma_start3A_66, %dma_start3A_67] : memref<100000x24xf32, #tpu.memory_space<hbm>> -> memref<100000x24xf32, #tpu.memory_space<hbm>>
    tpu.enqueue_indirect_dma source(%dma_start3A_68 : memref<100000x24xf32, #tpu.memory_space<hbm>>) target(%dma_start3A_63 : memref<128x24xf32, #tpu.memory_space<vmem>>) offsets(%dma_start3A_65 : memref<128xi32, #tpu.memory_space<vmem>>) semaphore(%arg20 : memref<!tpu.dma_semaphore, #tpu.memory_space<semaphore_mem>>)
    %dma_start3A_69 = arith.constant 384 : i32
    %dma_start3A_70 = arith.constant 0 : i32
    %dma_start3A_71 = tpu.memref_slice %arg14[%dma_start3A_69, %dma_start3A_70] : memref<1152x24xf32, #tpu.memory_space<vmem>> -> memref<128x24xf32, #tpu.memory_space<vmem>>
    %dma_start3A_72 = arith.constant 384 : i32
    %dma_start3A_73 = tpu.memref_slice %arg10[%dma_start3A_72] : memref<18432xi32, #tpu.memory_space<vmem>> -> memref<128xi32, #tpu.memory_space<vmem>>
    %dma_start3A_74 = arith.constant 0 : i32
    %dma_start3A_75 = arith.constant 0 : i32
    %dma_start3A_76 = tpu.memref_slice %arg3[%dma_start3A_74, %dma_start3A_75] : memref<100000x24xf32, #tpu.memory_space<hbm>> -> memref<100000x24xf32, #tpu.memory_space<hbm>>
    tpu.enqueue_indirect_dma source(%dma_start3A_76 : memref<100000x24xf32, #tpu.memory_space<hbm>>) target(%dma_start3A_71 : memref<128x24xf32, #tpu.memory_space<vmem>>) offsets(%dma_start3A_73 : memref<128xi32, #tpu.memory_space<vmem>>) semaphore(%arg20 : memref<!tpu.dma_semaphore, #tpu.memory_space<semaphore_mem>>)
    %dma_start3A_77 = arith.constant 512 : i32
    %dma_start3A_78 = arith.constant 0 : i32
    %dma_start3A_79 = tpu.memref_slice %arg14[%dma_start3A_77, %dma_start3A_78] : memref<1152x24xf32, #tpu.memory_space<vmem>> -> memref<128x24xf32, #tpu.memory_space<vmem>>
    %dma_start3A_80 = arith.constant 512 : i32
    %dma_start3A_81 = tpu.memref_slice %arg10[%dma_start3A_80] : memref<18432xi32, #tpu.memory_space<vmem>> -> memref<128xi32, #tpu.memory_space<vmem>>
    %dma_start3A_82 = arith.constant 0 : i32
    %dma_start3A_83 = arith.constant 0 : i32
    %dma_start3A_84 = tpu.memref_slice %arg3[%dma_start3A_82, %dma_start3A_83] : memref<100000x24xf32, #tpu.memory_space<hbm>> -> memref<100000x24xf32, #tpu.memory_space<hbm>>
    tpu.enqueue_indirect_dma source(%dma_start3A_84 : memref<100000x24xf32, #tpu.memory_space<hbm>>) target(%dma_start3A_79 : memref<128x24xf32, #tpu.memory_space<vmem>>) offsets(%dma_start3A_81 : memref<128xi32, #tpu.memory_space<vmem>>) semaphore(%arg20 : memref<!tpu.dma_semaphore, #tpu.memory_space<semaphore_mem>>)
    %dma_start3A_85 = arith.constant 640 : i32
    %dma_start3A_86 = arith.constant 0 : i32
    %dma_start3A_87 = tpu.memref_slice %arg14[%dma_start3A_85, %dma_start3A_86] : memref<1152x24xf32, #tpu.memory_space<vmem>> -> memref<128x24xf32, #tpu.memory_space<vmem>>
    %dma_start3A_88 = arith.constant 640 : i32
    %dma_start3A_89 = tpu.memref_slice %arg10[%dma_start3A_88] : memref<18432xi32, #tpu.memory_space<vmem>> -> memref<128xi32, #tpu.memory_space<vmem>>
    %dma_start3A_90 = arith.constant 0 : i32
    %dma_start3A_91 = arith.constant 0 : i32
    %dma_start3A_92 = tpu.memref_slice %arg3[%dma_start3A_90, %dma_start3A_91] : memref<100000x24xf32, #tpu.memory_space<hbm>> -> memref<100000x24xf32, #tpu.memory_space<hbm>>
    tpu.enqueue_indirect_dma source(%dma_start3A_92 : memref<100000x24xf32, #tpu.memory_space<hbm>>) target(%dma_start3A_87 : memref<128x24xf32, #tpu.memory_space<vmem>>) offsets(%dma_start3A_89 : memref<128xi32, #tpu.memory_space<vmem>>) semaphore(%arg20 : memref<!tpu.dma_semaphore, #tpu.memory_space<semaphore_mem>>)
    %dma_start3A_93 = arith.constant 768 : i32
    %dma_start3A_94 = arith.constant 0 : i32
    %dma_start3A_95 = tpu.memref_slice %arg14[%dma_start3A_93, %dma_start3A_94] : memref<1152x24xf32, #tpu.memory_space<vmem>> -> memref<128x24xf32, #tpu.memory_space<vmem>>
    %dma_start3A_96 = arith.constant 768 : i32
    %dma_start3A_97 = tpu.memref_slice %arg10[%dma_start3A_96] : memref<18432xi32, #tpu.memory_space<vmem>> -> memref<128xi32, #tpu.memory_space<vmem>>
    %dma_start3A_98 = arith.constant 0 : i32
    %dma_start3A_99 = arith.constant 0 : i32
    %dma_start3A_100 = tpu.memref_slice %arg3[%dma_start3A_98, %dma_start3A_99] : memref<100000x24xf32, #tpu.memory_space<hbm>> -> memref<100000x24xf32, #tpu.memory_space<hbm>>
    tpu.enqueue_indirect_dma source(%dma_start3A_100 : memref<100000x24xf32, #tpu.memory_space<hbm>>) target(%dma_start3A_95 : memref<128x24xf32, #tpu.memory_space<vmem>>) offsets(%dma_start3A_97 : memref<128xi32, #tpu.memory_space<vmem>>) semaphore(%arg20 : memref<!tpu.dma_semaphore, #tpu.memory_space<semaphore_mem>>)
    %dma_start3A_101 = arith.constant 896 : i32
    %dma_start3A_102 = arith.constant 0 : i32
    %dma_start3A_103 = tpu.memref_slice %arg14[%dma_start3A_101, %dma_start3A_102] : memref<1152x24xf32, #tpu.memory_space<vmem>> -> memref<128x24xf32, #tpu.memory_space<vmem>>
    %dma_start3A_104 = arith.constant 896 : i32
    %dma_start3A_105 = tpu.memref_slice %arg10[%dma_start3A_104] : memref<18432xi32, #tpu.memory_space<vmem>> -> memref<128xi32, #tpu.memory_space<vmem>>
    %dma_start3A_106 = arith.constant 0 : i32
    %dma_start3A_107 = arith.constant 0 : i32
    %dma_start3A_108 = tpu.memref_slice %arg3[%dma_start3A_106, %dma_start3A_107] : memref<100000x24xf32, #tpu.memory_space<hbm>> -> memref<100000x24xf32, #tpu.memory_space<hbm>>
    tpu.enqueue_indirect_dma source(%dma_start3A_108 : memref<100000x24xf32, #tpu.memory_space<hbm>>) target(%dma_start3A_103 : memref<128x24xf32, #tpu.memory_space<vmem>>) offsets(%dma_start3A_105 : memref<128xi32, #tpu.memory_space<vmem>>) semaphore(%arg20 : memref<!tpu.dma_semaphore, #tpu.memory_space<semaphore_mem>>)
    %dma_start3A_109 = arith.constant 1024 : i32
    %dma_start3A_110 = arith.constant 0 : i32
    %dma_start3A_111 = tpu.memref_slice %arg14[%dma_start3A_109, %dma_start3A_110] : memref<1152x24xf32, #tpu.memory_space<vmem>> -> memref<128x24xf32, #tpu.memory_space<vmem>>
    %dma_start3A_112 = arith.constant 1024 : i32
    %dma_start3A_113 = tpu.memref_slice %arg10[%dma_start3A_112] : memref<18432xi32, #tpu.memory_space<vmem>> -> memref<128xi32, #tpu.memory_space<vmem>>
    %dma_start3A_114 = arith.constant 0 : i32
    %dma_start3A_115 = arith.constant 0 : i32
    %dma_start3A_116 = tpu.memref_slice %arg3[%dma_start3A_114, %dma_start3A_115] : memref<100000x24xf32, #tpu.memory_space<hbm>> -> memref<100000x24xf32, #tpu.memory_space<hbm>>
    tpu.enqueue_indirect_dma source(%dma_start3A_116 : memref<100000x24xf32, #tpu.memory_space<hbm>>) target(%dma_start3A_111 : memref<128x24xf32, #tpu.memory_space<vmem>>) offsets(%dma_start3A_113 : memref<128xi32, #tpu.memory_space<vmem>>) semaphore(%arg20 : memref<!tpu.dma_semaphore, #tpu.memory_space<semaphore_mem>>)
    %scan3A = arith.constant 0 : i32
    %scan3A_117 = arith.constant 8 : i32
    %scan3A_118 = arith.addi %scan3A, %scan3A_117 : i32
    %scan3A_119 = arith.constant 1 : i32
    scf.for %scan3A_121 = %scan3A to %scan3A_118 step %scan3A_119  : i32 {
      %mul3A_122 = arith.constant 1 : i32
      %mul3A_123 = arith.muli %scan3A_121, %mul3A_122 : i32
      %add3A_124 = arith.constant 0 : i32
      %add3A_125 = arith.addi %add3A_124, %mul3A_123 : i32
      %mul3A_126 = arith.constant 2 : i32
      %mul3A_127 = arith.muli %mul3A_126, %add3A_125 : i32
      %add3A_128 = arith.constant 1 : i32
      %add3A_129 = arith.addi %mul3A_127, %add3A_128 : i32
      %mul3A_130 = arith.constant 32 : i32
      %mul3A_131 = arith.muli %add3A_129, %mul3A_130 : i32
      %dma_start3A_132 = tpu.memref_slice %arg8[%mul3A_131] : memref<512xi32, #tpu.memory_space<vmem>> -> memref<32xi32, #tpu.memory_space<vmem>>
      %dma_start3A_133 = arith.constant 0 : i32
      %dma_start3A_134 = arith.constant 0 : i32
      %dma_start3A_135 = tpu.memref_slice %arg2[%dma_start3A_133, %dma_start3A_134] : memref<100000x24xf32, #tpu.memory_space<hbm>> -> memref<100000x24xf32, #tpu.memory_space<hbm>>
      tpu.enqueue_indirect_dma source(%dma_start3A_135 : memref<100000x24xf32, #tpu.memory_space<hbm>>) target(%arg15 : memref<32x24xf32, #tpu.memory_space<vmem>>) offsets(%dma_start3A_132 : memref<32xi32, #tpu.memory_space<vmem>>) semaphore(%arg21 : memref<!tpu.dma_semaphore, #tpu.memory_space<semaphore_mem>>)
      %mul3A_136 = arith.constant 32 : i32
      %mul3A_137 = arith.muli %add3A_129, %mul3A_136 : i32
      %mul3A_138 = arith.constant 6 : i32
      %mul3A_139 = arith.muli %mul3A_137, %mul3A_138 : i32
      %dma_start3A_140 = arith.constant 0 : i32
      %dma_start3A_141 = arith.constant 0 : i32
      %dma_start3A_142 = tpu.memref_slice %arg16[%dma_start3A_140, %dma_start3A_141] : memref<192x24xf32, #tpu.memory_space<vmem>> -> memref<128x24xf32, #tpu.memory_space<vmem>>
      %dma_start3A_143 = tpu.memref_slice %arg9[%mul3A_139] : memref<3072xi32, #tpu.memory_space<vmem>> -> memref<128xi32, #tpu.memory_space<vmem>>
      %dma_start3A_144 = arith.constant 0 : i32
      %dma_start3A_145 = arith.constant 0 : i32
      %dma_start3A_146 = tpu.memref_slice %arg2[%dma_start3A_144, %dma_start3A_145] : memref<100000x24xf32, #tpu.memory_space<hbm>> -> memref<100000x24xf32, #tpu.memory_space<hbm>>
      tpu.enqueue_indirect_dma source(%dma_start3A_146 : memref<100000x24xf32, #tpu.memory_space<hbm>>) target(%dma_start3A_142 : memref<128x24xf32, #tpu.memory_space<vmem>>) offsets(%dma_start3A_143 : memref<128xi32, #tpu.memory_space<vmem>>) semaphore(%arg21 : memref<!tpu.dma_semaphore, #tpu.memory_space<semaphore_mem>>)
      %add3A_147 = arith.constant 128 : i32
      %add3A_148 = arith.addi %mul3A_139, %add3A_147 : i32
      %dma_start3A_149 = arith.constant 128 : i32
      %dma_start3A_150 = arith.constant 0 : i32
      %dma_start3A_151 = tpu.memref_slice %arg16[%dma_start3A_149, %dma_start3A_150] : memref<192x24xf32, #tpu.memory_space<vmem>> -> memref<64x24xf32, #tpu.memory_space<vmem>>
      %dma_start3A_152 = tpu.memref_slice %arg9[%add3A_148] : memref<3072xi32, #tpu.memory_space<vmem>> -> memref<64xi32, #tpu.memory_space<vmem>>
      %dma_start3A_153 = arith.constant 0 : i32
      %dma_start3A_154 = arith.constant 0 : i32
      %dma_start3A_155 = tpu.memref_slice %arg2[%dma_start3A_153, %dma_start3A_154] : memref<100000x24xf32, #tpu.memory_space<hbm>> -> memref<100000x24xf32, #tpu.memory_space<hbm>>
      tpu.enqueue_indirect_dma source(%dma_start3A_155 : memref<100000x24xf32, #tpu.memory_space<hbm>>) target(%dma_start3A_151 : memref<64x24xf32, #tpu.memory_space<vmem>>) offsets(%dma_start3A_152 : memref<64xi32, #tpu.memory_space<vmem>>) semaphore(%arg21 : memref<!tpu.dma_semaphore, #tpu.memory_space<semaphore_mem>>)
      %dma_start3A_156 = arith.constant 0 : i32
      %dma_start3A_157 = arith.constant 0 : i32
      %dma_start3A_158 = tpu.memref_slice %arg17[%dma_start3A_156, %dma_start3A_157] : memref<192x24xf32, #tpu.memory_space<vmem>> -> memref<128x24xf32, #tpu.memory_space<vmem>>
      %dma_start3A_159 = tpu.memref_slice %arg9[%mul3A_139] : memref<3072xi32, #tpu.memory_space<vmem>> -> memref<128xi32, #tpu.memory_space<vmem>>
      %dma_start3A_160 = arith.constant 0 : i32
      %dma_start3A_161 = arith.constant 0 : i32
      %dma_start3A_162 = tpu.memref_slice %arg3[%dma_start3A_160, %dma_start3A_161] : memref<100000x24xf32, #tpu.memory_space<hbm>> -> memref<100000x24xf32, #tpu.memory_space<hbm>>
      tpu.enqueue_indirect_dma source(%dma_start3A_162 : memref<100000x24xf32, #tpu.memory_space<hbm>>) target(%dma_start3A_158 : memref<128x24xf32, #tpu.memory_space<vmem>>) offsets(%dma_start3A_159 : memref<128xi32, #tpu.memory_space<vmem>>) semaphore(%arg21 : memref<!tpu.dma_semaphore, #tpu.memory_space<semaphore_mem>>)
      %add3A_163 = arith.constant 128 : i32
      %add3A_164 = arith.addi %mul3A_139, %add3A_163 : i32
      %dma_start3A_165 = arith.constant 128 : i32
      %dma_start3A_166 = arith.constant 0 : i32
      %dma_start3A_167 = tpu.memref_slice %arg17[%dma_start3A_165, %dma_start3A_166] : memref<192x24xf32, #tpu.memory_space<vmem>> -> memref<64x24xf32, #tpu.memory_space<vmem>>
      %dma_start3A_168 = tpu.memref_slice %arg9[%add3A_164] : memref<3072xi32, #tpu.memory_space<vmem>> -> memref<64xi32, #tpu.memory_space<vmem>>
      %dma_start3A_169 = arith.constant 0 : i32
      %dma_start3A_170 = arith.constant 0 : i32
      %dma_start3A_171 = tpu.memref_slice %arg3[%dma_start3A_169, %dma_start3A_170] : memref<100000x24xf32, #tpu.memory_space<hbm>> -> memref<100000x24xf32, #tpu.memory_space<hbm>>
      tpu.enqueue_indirect_dma source(%dma_start3A_171 : memref<100000x24xf32, #tpu.memory_space<hbm>>) target(%dma_start3A_167 : memref<64x24xf32, #tpu.memory_space<vmem>>) offsets(%dma_start3A_168 : memref<64xi32, #tpu.memory_space<vmem>>) semaphore(%arg21 : memref<!tpu.dma_semaphore, #tpu.memory_space<semaphore_mem>>)
      %mul3A_172 = arith.constant 32 : i32
      %mul3A_173 = arith.muli %add3A_129, %mul3A_172 : i32
      %mul3A_174 = arith.constant 6 : i32
      %mul3A_175 = arith.muli %mul3A_173, %mul3A_174 : i32
      %mul3A_176 = arith.constant 6 : i32
      %mul3A_177 = arith.muli %mul3A_175, %mul3A_176 : i32
      %add3A_178 = arith.constant 0 : i32
      %add3A_179 = arith.addi %mul3A_177, %add3A_178 : i32
      %dma_start3A_180 = arith.constant 0 : i32
      %dma_start3A_181 = arith.constant 0 : i32
      %dma_start3A_182 = tpu.memref_slice %arg18[%dma_start3A_180, %dma_start3A_181] : memref<1152x24xf32, #tpu.memory_space<vmem>> -> memref<128x24xf32, #tpu.memory_space<vmem>>
      %dma_start3A_183 = tpu.memref_slice %arg10[%add3A_179] : memref<18432xi32, #tpu.memory_space<vmem>> -> memref<128xi32, #tpu.memory_space<vmem>>
      %dma_start3A_184 = arith.constant 0 : i32
      %dma_start3A_185 = arith.constant 0 : i32
      %dma_start3A_186 = tpu.memref_slice %arg3[%dma_start3A_184, %dma_start3A_185] : memref<100000x24xf32, #tpu.memory_space<hbm>> -> memref<100000x24xf32, #tpu.memory_space<hbm>>
      tpu.enqueue_indirect_dma source(%dma_start3A_186 : memref<100000x24xf32, #tpu.memory_space<hbm>>) target(%dma_start3A_182 : memref<128x24xf32, #tpu.memory_space<vmem>>) offsets(%dma_start3A_183 : memref<128xi32, #tpu.memory_space<vmem>>) semaphore(%arg21 : memref<!tpu.dma_semaphore, #tpu.memory_space<semaphore_mem>>)
      %add3A_187 = arith.constant 128 : i32
      %add3A_188 = arith.addi %mul3A_177, %add3A_187 : i32
      %dma_start3A_189 = arith.constant 128 : i32
      %dma_start3A_190 = arith.constant 0 : i32
      %dma_start3A_191 = tpu.memref_slice %arg18[%dma_start3A_189, %dma_start3A_190] : memref<1152x24xf32, #tpu.memory_space<vmem>> -> memref<128x24xf32, #tpu.memory_space<vmem>>
      %dma_start3A_192 = tpu.memref_slice %arg10[%add3A_188] : memref<18432xi32, #tpu.memory_space<vmem>> -> memref<128xi32, #tpu.memory_space<vmem>>
      %dma_start3A_193 = arith.constant 0 : i32
      %dma_start3A_194 = arith.constant 0 : i32
      %dma_start3A_195 = tpu.memref_slice %arg3[%dma_start3A_193, %dma_start3A_194] : memref<100000x24xf32, #tpu.memory_space<hbm>> -> memref<100000x24xf32, #tpu.memory_space<hbm>>
      tpu.enqueue_indirect_dma source(%dma_start3A_195 : memref<100000x24xf32, #tpu.memory_space<hbm>>) target(%dma_start3A_191 : memref<128x24xf32, #tpu.memory_space<vmem>>) offsets(%dma_start3A_192 : memref<128xi32, #tpu.memory_space<vmem>>) semaphore(%arg21 : memref<!tpu.dma_semaphore, #tpu.memory_space<semaphore_mem>>)
      %add3A_196 = arith.constant 256 : i32
      %add3A_197 = arith.addi %mul3A_177, %add3A_196 : i32
      %dma_start3A_198 = arith.constant 256 : i32
      %dma_start3A_199 = arith.constant 0 : i32
      %dma_start3A_200 = tpu.memref_slice %arg18[%dma_start3A_198, %dma_start3A_199] : memref<1152x24xf32, #tpu.memory_space<vmem>> -> memref<128x24xf32, #tpu.memory_space<vmem>>
      %dma_start3A_201 = tpu.memref_slice %arg10[%add3A_197] : memref<18432xi32, #tpu.memory_space<vmem>> -> memref<128xi32, #tpu.memory_space<vmem>>
      %dma_start3A_202 = arith.constant 0 : i32
      %dma_start3A_203 = arith.constant 0 : i32
      %dma_start3A_204 = tpu.memref_slice %arg3[%dma_start3A_202, %dma_start3A_203] : memref<100000x24xf32, #tpu.memory_space<hbm>> -> memref<100000x24xf32, #tpu.memory_space<hbm>>
      tpu.enqueue_indirect_dma source(%dma_start3A_204 : memref<100000x24xf32, #tpu.memory_space<hbm>>) target(%dma_start3A_200 : memref<128x24xf32, #tpu.memory_space<vmem>>) offsets(%dma_start3A_201 : memref<128xi32, #tpu.memory_space<vmem>>) semaphore(%arg21 : memref<!tpu.dma_semaphore, #tpu.memory_space<semaphore_mem>>)
      %add3A_205 = arith.constant 384 : i32
      %add3A_206 = arith.addi %mul3A_177, %add3A_205 : i32
      %dma_start3A_207 = arith.constant 384 : i32
      %dma_start3A_208 = arith.constant 0 : i32
      %dma_start3A_209 = tpu.memref_slice %arg18[%dma_start3A_207, %dma_start3A_208] : memref<1152x24xf32, #tpu.memory_space<vmem>> -> memref<128x24xf32, #tpu.memory_space<vmem>>
      %dma_start3A_210 = tpu.memref_slice %arg10[%add3A_206] : memref<18432xi32, #tpu.memory_space<vmem>> -> memref<128xi32, #tpu.memory_space<vmem>>
      %dma_start3A_211 = arith.constant 0 : i32
      %dma_start3A_212 = arith.constant 0 : i32
      %dma_start3A_213 = tpu.memref_slice %arg3[%dma_start3A_211, %dma_start3A_212] : memref<100000x24xf32, #tpu.memory_space<hbm>> -> memref<100000x24xf32, #tpu.memory_space<hbm>>
      tpu.enqueue_indirect_dma source(%dma_start3A_213 : memref<100000x24xf32, #tpu.memory_space<hbm>>) target(%dma_start3A_209 : memref<128x24xf32, #tpu.memory_space<vmem>>) offsets(%dma_start3A_210 : memref<128xi32, #tpu.memory_space<vmem>>) semaphore(%arg21 : memref<!tpu.dma_semaphore, #tpu.memory_space<semaphore_mem>>)
      %add3A_214 = arith.constant 512 : i32
      %add3A_215 = arith.addi %mul3A_177, %add3A_214 : i32
      %dma_start3A_216 = arith.constant 512 : i32
      %dma_start3A_217 = arith.constant 0 : i32
      %dma_start3A_218 = tpu.memref_slice %arg18[%dma_start3A_216, %dma_start3A_217] : memref<1152x24xf32, #tpu.memory_space<vmem>> -> memref<128x24xf32, #tpu.memory_space<vmem>>
      %dma_start3A_219 = tpu.memref_slice %arg10[%add3A_215] : memref<18432xi32, #tpu.memory_space<vmem>> -> memref<128xi32, #tpu.memory_space<vmem>>
      %dma_start3A_220 = arith.constant 0 : i32
      %dma_start3A_221 = arith.constant 0 : i32
      %dma_start3A_222 = tpu.memref_slice %arg3[%dma_start3A_220, %dma_start3A_221] : memref<100000x24xf32, #tpu.memory_space<hbm>> -> memref<100000x24xf32, #tpu.memory_space<hbm>>
      tpu.enqueue_indirect_dma source(%dma_start3A_222 : memref<100000x24xf32, #tpu.memory_space<hbm>>) target(%dma_start3A_218 : memref<128x24xf32, #tpu.memory_space<vmem>>) offsets(%dma_start3A_219 : memref<128xi32, #tpu.memory_space<vmem>>) semaphore(%arg21 : memref<!tpu.dma_semaphore, #tpu.memory_space<semaphore_mem>>)
      %add3A_223 = arith.constant 640 : i32
      %add3A_224 = arith.addi %mul3A_177, %add3A_223 : i32
      %dma_start3A_225 = arith.constant 640 : i32
      %dma_start3A_226 = arith.constant 0 : i32
      %dma_start3A_227 = tpu.memref_slice %arg18[%dma_start3A_225, %dma_start3A_226] : memref<1152x24xf32, #tpu.memory_space<vmem>> -> memref<128x24xf32, #tpu.memory_space<vmem>>
      %dma_start3A_228 = tpu.memref_slice %arg10[%add3A_224] : memref<18432xi32, #tpu.memory_space<vmem>> -> memref<128xi32, #tpu.memory_space<vmem>>
      %dma_start3A_229 = arith.constant 0 : i32
      %dma_start3A_230 = arith.constant 0 : i32
      %dma_start3A_231 = tpu.memref_slice %arg3[%dma_start3A_229, %dma_start3A_230] : memref<100000x24xf32, #tpu.memory_space<hbm>> -> memref<100000x24xf32, #tpu.memory_space<hbm>>
      tpu.enqueue_indirect_dma source(%dma_start3A_231 : memref<100000x24xf32, #tpu.memory_space<hbm>>) target(%dma_start3A_227 : memref<128x24xf32, #tpu.memory_space<vmem>>) offsets(%dma_start3A_228 : memref<128xi32, #tpu.memory_space<vmem>>) semaphore(%arg21 : memref<!tpu.dma_semaphore, #tpu.memory_space<semaphore_mem>>)
      %add3A_232 = arith.constant 768 : i32
      %add3A_233 = arith.addi %mul3A_177, %add3A_232 : i32
      %dma_start3A_234 = arith.constant 768 : i32
      %dma_start3A_235 = arith.constant 0 : i32
      %dma_start3A_236 = tpu.memref_slice %arg18[%dma_start3A_234, %dma_start3A_235] : memref<1152x24xf32, #tpu.memory_space<vmem>> -> memref<128x24xf32, #tpu.memory_space<vmem>>
      %dma_start3A_237 = tpu.memref_slice %arg10[%add3A_233] : memref<18432xi32, #tpu.memory_space<vmem>> -> memref<128xi32, #tpu.memory_space<vmem>>
      %dma_start3A_238 = arith.constant 0 : i32
      %dma_start3A_239 = arith.constant 0 : i32
      %dma_start3A_240 = tpu.memref_slice %arg3[%dma_start3A_238, %dma_start3A_239] : memref<100000x24xf32, #tpu.memory_space<hbm>> -> memref<100000x24xf32, #tpu.memory_space<hbm>>
      tpu.enqueue_indirect_dma source(%dma_start3A_240 : memref<100000x24xf32, #tpu.memory_space<hbm>>) target(%dma_start3A_236 : memref<128x24xf32, #tpu.memory_space<vmem>>) offsets(%dma_start3A_237 : memref<128xi32, #tpu.memory_space<vmem>>) semaphore(%arg21 : memref<!tpu.dma_semaphore, #tpu.memory_space<semaphore_mem>>)
      %add3A_241 = arith.constant 896 : i32
      %add3A_242 = arith.addi %mul3A_177, %add3A_241 : i32
      %dma_start3A_243 = arith.constant 896 : i32
      %dma_start3A_244 = arith.constant 0 : i32
      %dma_start3A_245 = tpu.memref_slice %arg18[%dma_start3A_243, %dma_start3A_244] : memref<1152x24xf32, #tpu.memory_space<vmem>> -> memref<128x24xf32, #tpu.memory_space<vmem>>
      %dma_start3A_246 = tpu.memref_slice %arg10[%add3A_242] : memref<18432xi32, #tpu.memory_space<vmem>> -> memref<128xi32, #tpu.memory_space<vmem>>
      %dma_start3A_247 = arith.constant 0 : i32
      %dma_start3A_248 = arith.constant 0 : i32
      %dma_start3A_249 = tpu.memref_slice %arg3[%dma_start3A_247, %dma_start3A_248] : memref<100000x24xf32, #tpu.memory_space<hbm>> -> memref<100000x24xf32, #tpu.memory_space<hbm>>
      tpu.enqueue_indirect_dma source(%dma_start3A_249 : memref<100000x24xf32, #tpu.memory_space<hbm>>) target(%dma_start3A_245 : memref<128x24xf32, #tpu.memory_space<vmem>>) offsets(%dma_start3A_246 : memref<128xi32, #tpu.memory_space<vmem>>) semaphore(%arg21 : memref<!tpu.dma_semaphore, #tpu.memory_space<semaphore_mem>>)
      %add3A_250 = arith.constant 1024 : i32
      %add3A_251 = arith.addi %mul3A_177, %add3A_250 : i32
      %dma_start3A_252 = arith.constant 1024 : i32
      %dma_start3A_253 = arith.constant 0 : i32
      %dma_start3A_254 = tpu.memref_slice %arg18[%dma_start3A_252, %dma_start3A_253] : memref<1152x24xf32, #tpu.memory_space<vmem>> -> memref<128x24xf32, #tpu.memory_space<vmem>>
      %dma_start3A_255 = tpu.memref_slice %arg10[%add3A_251] : memref<18432xi32, #tpu.memory_space<vmem>> -> memref<128xi32, #tpu.memory_space<vmem>>
      %dma_start3A_256 = arith.constant 0 : i32
      %dma_start3A_257 = arith.constant 0 : i32
      %dma_start3A_258 = tpu.memref_slice %arg3[%dma_start3A_256, %dma_start3A_257] : memref<100000x24xf32, #tpu.memory_space<hbm>> -> memref<100000x24xf32, #tpu.memory_space<hbm>>
      tpu.enqueue_indirect_dma source(%dma_start3A_258 : memref<100000x24xf32, #tpu.memory_space<hbm>>) target(%dma_start3A_254 : memref<128x24xf32, #tpu.memory_space<vmem>>) offsets(%dma_start3A_255 : memref<128xi32, #tpu.memory_space<vmem>>) semaphore(%arg21 : memref<!tpu.dma_semaphore, #tpu.memory_space<semaphore_mem>>)
      %dma_wait3A = arith.constant 0 : i32
      %dma_wait3A_259 = tpu.memref_slice %arg8[%dma_wait3A] : memref<512xi32, #tpu.memory_space<vmem>> -> memref<32xi32, #tpu.memory_space<vmem>>
      %dma_wait3A_260 = arith.constant 0 : i32
      %dma_wait3A_261 = arith.constant 0 : i32
      %dma_wait3A_262 = tpu.memref_slice %arg2[%dma_wait3A_260, %dma_wait3A_261] : memref<100000x24xf32, #tpu.memory_space<hbm>> -> memref<100000x24xf32, #tpu.memory_space<hbm>>
      tpu.wait_indirect_dma semaphore(%arg20 : memref<!tpu.dma_semaphore, #tpu.memory_space<semaphore_mem>>) src(%dma_wait3A_262 : memref<100000x24xf32, #tpu.memory_space<hbm>>) dst(%arg11 : memref<32x24xf32, #tpu.memory_space<vmem>>)
      %dma_wait3A_263 = arith.constant 0 : i32
      %dma_wait3A_264 = arith.constant 0 : i32
      %dma_wait3A_265 = tpu.memref_slice %arg12[%dma_wait3A_263, %dma_wait3A_264] : memref<192x24xf32, #tpu.memory_space<vmem>> -> memref<128x24xf32, #tpu.memory_space<vmem>>
      %dma_wait3A_266 = arith.constant 0 : i32
      %dma_wait3A_267 = tpu.memref_slice %arg9[%dma_wait3A_266] : memref<3072xi32, #tpu.memory_space<vmem>> -> memref<128xi32, #tpu.memory_space<vmem>>
      %dma_wait3A_268 = arith.constant 0 : i32
      %dma_wait3A_269 = arith.constant 0 : i32
      %dma_wait3A_270 = tpu.memref_slice %arg2[%dma_wait3A_268, %dma_wait3A_269] : memref<100000x24xf32, #tpu.memory_space<hbm>> -> memref<100000x24xf32, #tpu.memory_space<hbm>>
      tpu.wait_indirect_dma semaphore(%arg20 : memref<!tpu.dma_semaphore, #tpu.memory_space<semaphore_mem>>) src(%dma_wait3A_270 : memref<100000x24xf32, #tpu.memory_space<hbm>>) dst(%dma_wait3A_265 : memref<128x24xf32, #tpu.memory_space<vmem>>)
      %dma_wait3A_271 = arith.constant 128 : i32
      %dma_wait3A_272 = arith.constant 0 : i32
      %dma_wait3A_273 = tpu.memref_slice %arg12[%dma_wait3A_271, %dma_wait3A_272] : memref<192x24xf32, #tpu.memory_space<vmem>> -> memref<64x24xf32, #tpu.memory_space<vmem>>
      %dma_wait3A_274 = arith.constant 0 : i32
      %dma_wait3A_275 = tpu.memref_slice %arg9[%dma_wait3A_274] : memref<3072xi32, #tpu.memory_space<vmem>> -> memref<64xi32, #tpu.memory_space<vmem>>
      %dma_wait3A_276 = arith.constant 0 : i32
      %dma_wait3A_277 = arith.constant 0 : i32
      %dma_wait3A_278 = tpu.memref_slice %arg2[%dma_wait3A_276, %dma_wait3A_277] : memref<100000x24xf32, #tpu.memory_space<hbm>> -> memref<100000x24xf32, #tpu.memory_space<hbm>>
      tpu.wait_indirect_dma semaphore(%arg20 : memref<!tpu.dma_semaphore, #tpu.memory_space<semaphore_mem>>) src(%dma_wait3A_278 : memref<100000x24xf32, #tpu.memory_space<hbm>>) dst(%dma_wait3A_273 : memref<64x24xf32, #tpu.memory_space<vmem>>)
      %dma_wait3A_279 = arith.constant 0 : i32
      %dma_wait3A_280 = arith.constant 0 : i32
      %dma_wait3A_281 = tpu.memref_slice %arg13[%dma_wait3A_279, %dma_wait3A_280] : memref<192x24xf32, #tpu.memory_space<vmem>> -> memref<128x24xf32, #tpu.memory_space<vmem>>
      %dma_wait3A_282 = arith.constant 0 : i32
      %dma_wait3A_283 = tpu.memref_slice %arg9[%dma_wait3A_282] : memref<3072xi32, #tpu.memory_space<vmem>> -> memref<128xi32, #tpu.memory_space<vmem>>
      %dma_wait3A_284 = arith.constant 0 : i32
      %dma_wait3A_285 = arith.constant 0 : i32
      %dma_wait3A_286 = tpu.memref_slice %arg3[%dma_wait3A_284, %dma_wait3A_285] : memref<100000x24xf32, #tpu.memory_space<hbm>> -> memref<100000x24xf32, #tpu.memory_space<hbm>>
      tpu.wait_indirect_dma semaphore(%arg20 : memref<!tpu.dma_semaphore, #tpu.memory_space<semaphore_mem>>) src(%dma_wait3A_286 : memref<100000x24xf32, #tpu.memory_space<hbm>>) dst(%dma_wait3A_281 : memref<128x24xf32, #tpu.memory_space<vmem>>)
      %dma_wait3A_287 = arith.constant 128 : i32
      %dma_wait3A_288 = arith.constant 0 : i32
      %dma_wait3A_289 = tpu.memref_slice %arg13[%dma_wait3A_287, %dma_wait3A_288] : memref<192x24xf32, #tpu.memory_space<vmem>> -> memref<64x24xf32, #tpu.memory_space<vmem>>
      %dma_wait3A_290 = arith.constant 0 : i32
      %dma_wait3A_291 = tpu.memref_slice %arg9[%dma_wait3A_290] : memref<3072xi32, #tpu.memory_space<vmem>> -> memref<64xi32, #tpu.memory_space<vmem>>
      %dma_wait3A_292 = arith.constant 0 : i32
      %dma_wait3A_293 = arith.constant 0 : i32
      %dma_wait3A_294 = tpu.memref_slice %arg3[%dma_wait3A_292, %dma_wait3A_293] : memref<100000x24xf32, #tpu.memory_space<hbm>> -> memref<100000x24xf32, #tpu.memory_space<hbm>>
      tpu.wait_indirect_dma semaphore(%arg20 : memref<!tpu.dma_semaphore, #tpu.memory_space<semaphore_mem>>) src(%dma_wait3A_294 : memref<100000x24xf32, #tpu.memory_space<hbm>>) dst(%dma_wait3A_289 : memref<64x24xf32, #tpu.memory_space<vmem>>)
      %dma_wait3A_295 = arith.constant 0 : i32
      %dma_wait3A_296 = arith.constant 0 : i32
      %dma_wait3A_297 = tpu.memref_slice %arg14[%dma_wait3A_295, %dma_wait3A_296] : memref<1152x24xf32, #tpu.memory_space<vmem>> -> memref<128x24xf32, #tpu.memory_space<vmem>>
      %dma_wait3A_298 = arith.constant 0 : i32
      %dma_wait3A_299 = tpu.memref_slice %arg10[%dma_wait3A_298] : memref<18432xi32, #tpu.memory_space<vmem>> -> memref<128xi32, #tpu.memory_space<vmem>>
      %dma_wait3A_300 = arith.constant 0 : i32
      %dma_wait3A_301 = arith.constant 0 : i32
      %dma_wait3A_302 = tpu.memref_slice %arg3[%dma_wait3A_300, %dma_wait3A_301] : memref<100000x24xf32, #tpu.memory_space<hbm>> -> memref<100000x24xf32, #tpu.memory_space<hbm>>
      tpu.wait_indirect_dma semaphore(%arg20 : memref<!tpu.dma_semaphore, #tpu.memory_space<semaphore_mem>>) src(%dma_wait3A_302 : memref<100000x24xf32, #tpu.memory_space<hbm>>) dst(%dma_wait3A_297 : memref<128x24xf32, #tpu.memory_space<vmem>>)
      %dma_wait3A_303 = arith.constant 128 : i32
      %dma_wait3A_304 = arith.constant 0 : i32
      %dma_wait3A_305 = tpu.memref_slice %arg14[%dma_wait3A_303, %dma_wait3A_304] : memref<1152x24xf32, #tpu.memory_space<vmem>> -> memref<128x24xf32, #tpu.memory_space<vmem>>
      %dma_wait3A_306 = arith.constant 0 : i32
      %dma_wait3A_307 = tpu.memref_slice %arg10[%dma_wait3A_306] : memref<18432xi32, #tpu.memory_space<vmem>> -> memref<128xi32, #tpu.memory_space<vmem>>
      %dma_wait3A_308 = arith.constant 0 : i32
      %dma_wait3A_309 = arith.constant 0 : i32
      %dma_wait3A_310 = tpu.memref_slice %arg3[%dma_wait3A_308, %dma_wait3A_309] : memref<100000x24xf32, #tpu.memory_space<hbm>> -> memref<100000x24xf32, #tpu.memory_space<hbm>>
      tpu.wait_indirect_dma semaphore(%arg20 : memref<!tpu.dma_semaphore, #tpu.memory_space<semaphore_mem>>) src(%dma_wait3A_310 : memref<100000x24xf32, #tpu.memory_space<hbm>>) dst(%dma_wait3A_305 : memref<128x24xf32, #tpu.memory_space<vmem>>)
      %dma_wait3A_311 = arith.constant 256 : i32
      %dma_wait3A_312 = arith.constant 0 : i32
      %dma_wait3A_313 = tpu.memref_slice %arg14[%dma_wait3A_311, %dma_wait3A_312] : memref<1152x24xf32, #tpu.memory_space<vmem>> -> memref<128x24xf32, #tpu.memory_space<vmem>>
      %dma_wait3A_314 = arith.constant 0 : i32
      %dma_wait3A_315 = tpu.memref_slice %arg10[%dma_wait3A_314] : memref<18432xi32, #tpu.memory_space<vmem>> -> memref<128xi32, #tpu.memory_space<vmem>>
      %dma_wait3A_316 = arith.constant 0 : i32
      %dma_wait3A_317 = arith.constant 0 : i32
      %dma_wait3A_318 = tpu.memref_slice %arg3[%dma_wait3A_316, %dma_wait3A_317] : memref<100000x24xf32, #tpu.memory_space<hbm>> -> memref<100000x24xf32, #tpu.memory_space<hbm>>
      tpu.wait_indirect_dma semaphore(%arg20 : memref<!tpu.dma_semaphore, #tpu.memory_space<semaphore_mem>>) src(%dma_wait3A_318 : memref<100000x24xf32, #tpu.memory_space<hbm>>) dst(%dma_wait3A_313 : memref<128x24xf32, #tpu.memory_space<vmem>>)
      %dma_wait3A_319 = arith.constant 384 : i32
      %dma_wait3A_320 = arith.constant 0 : i32
      %dma_wait3A_321 = tpu.memref_slice %arg14[%dma_wait3A_319, %dma_wait3A_320] : memref<1152x24xf32, #tpu.memory_space<vmem>> -> memref<128x24xf32, #tpu.memory_space<vmem>>
      %dma_wait3A_322 = arith.constant 0 : i32
      %dma_wait3A_323 = tpu.memref_slice %arg10[%dma_wait3A_322] : memref<18432xi32, #tpu.memory_space<vmem>> -> memref<128xi32, #tpu.memory_space<vmem>>
      %dma_wait3A_324 = arith.constant 0 : i32
      %dma_wait3A_325 = arith.constant 0 : i32
      %dma_wait3A_326 = tpu.memref_slice %arg3[%dma_wait3A_324, %dma_wait3A_325] : memref<100000x24xf32, #tpu.memory_space<hbm>> -> memref<100000x24xf32, #tpu.memory_space<hbm>>
      tpu.wait_indirect_dma semaphore(%arg20 : memref<!tpu.dma_semaphore, #tpu.memory_space<semaphore_mem>>) src(%dma_wait3A_326 : memref<100000x24xf32, #tpu.memory_space<hbm>>) dst(%dma_wait3A_321 : memref<128x24xf32, #tpu.memory_space<vmem>>)
      %dma_wait3A_327 = arith.constant 512 : i32
      %dma_wait3A_328 = arith.constant 0 : i32
      %dma_wait3A_329 = tpu.memref_slice %arg14[%dma_wait3A_327, %dma_wait3A_328] : memref<1152x24xf32, #tpu.memory_space<vmem>> -> memref<128x24xf32, #tpu.memory_space<vmem>>
      %dma_wait3A_330 = arith.constant 0 : i32
      %dma_wait3A_331 = tpu.memref_slice %arg10[%dma_wait3A_330] : memref<18432xi32, #tpu.memory_space<vmem>> -> memref<128xi32, #tpu.memory_space<vmem>>
      %dma_wait3A_332 = arith.constant 0 : i32
      %dma_wait3A_333 = arith.constant 0 : i32
      %dma_wait3A_334 = tpu.memref_slice %arg3[%dma_wait3A_332, %dma_wait3A_333] : memref<100000x24xf32, #tpu.memory_space<hbm>> -> memref<100000x24xf32, #tpu.memory_space<hbm>>
      tpu.wait_indirect_dma semaphore(%arg20 : memref<!tpu.dma_semaphore, #tpu.memory_space<semaphore_mem>>) src(%dma_wait3A_334 : memref<100000x24xf32, #tpu.memory_space<hbm>>) dst(%dma_wait3A_329 : memref<128x24xf32, #tpu.memory_space<vmem>>)
      %dma_wait3A_335 = arith.constant 640 : i32
      %dma_wait3A_336 = arith.constant 0 : i32
      %dma_wait3A_337 = tpu.memref_slice %arg14[%dma_wait3A_335, %dma_wait3A_336] : memref<1152x24xf32, #tpu.memory_space<vmem>> -> memref<128x24xf32, #tpu.memory_space<vmem>>
      %dma_wait3A_338 = arith.constant 0 : i32
      %dma_wait3A_339 = tpu.memref_slice %arg10[%dma_wait3A_338] : memref<18432xi32, #tpu.memory_space<vmem>> -> memref<128xi32, #tpu.memory_space<vmem>>
      %dma_wait3A_340 = arith.constant 0 : i32
      %dma_wait3A_341 = arith.constant 0 : i32
      %dma_wait3A_342 = tpu.memref_slice %arg3[%dma_wait3A_340, %dma_wait3A_341] : memref<100000x24xf32, #tpu.memory_space<hbm>> -> memref<100000x24xf32, #tpu.memory_space<hbm>>
      tpu.wait_indirect_dma semaphore(%arg20 : memref<!tpu.dma_semaphore, #tpu.memory_space<semaphore_mem>>) src(%dma_wait3A_342 : memref<100000x24xf32, #tpu.memory_space<hbm>>) dst(%dma_wait3A_337 : memref<128x24xf32, #tpu.memory_space<vmem>>)
      %dma_wait3A_343 = arith.constant 768 : i32
      %dma_wait3A_344 = arith.constant 0 : i32
      %dma_wait3A_345 = tpu.memref_slice %arg14[%dma_wait3A_343, %dma_wait3A_344] : memref<1152x24xf32, #tpu.memory_space<vmem>> -> memref<128x24xf32, #tpu.memory_space<vmem>>
      %dma_wait3A_346 = arith.constant 0 : i32
      %dma_wait3A_347 = tpu.memref_slice %arg10[%dma_wait3A_346] : memref<18432xi32, #tpu.memory_space<vmem>> -> memref<128xi32, #tpu.memory_space<vmem>>
      %dma_wait3A_348 = arith.constant 0 : i32
      %dma_wait3A_349 = arith.constant 0 : i32
      %dma_wait3A_350 = tpu.memref_slice %arg3[%dma_wait3A_348, %dma_wait3A_349] : memref<100000x24xf32, #tpu.memory_space<hbm>> -> memref<100000x24xf32, #tpu.memory_space<hbm>>
      tpu.wait_indirect_dma semaphore(%arg20 : memref<!tpu.dma_semaphore, #tpu.memory_space<semaphore_mem>>) src(%dma_wait3A_350 : memref<100000x24xf32, #tpu.memory_space<hbm>>) dst(%dma_wait3A_345 : memref<128x24xf32, #tpu.memory_space<vmem>>)
      %dma_wait3A_351 = arith.constant 896 : i32
      %dma_wait3A_352 = arith.constant 0 : i32
      %dma_wait3A_353 = tpu.memref_slice %arg14[%dma_wait3A_351, %dma_wait3A_352] : memref<1152x24xf32, #tpu.memory_space<vmem>> -> memref<128x24xf32, #tpu.memory_space<vmem>>
      %dma_wait3A_354 = arith.constant 0 : i32
      %dma_wait3A_355 = tpu.memref_slice %arg10[%dma_wait3A_354] : memref<18432xi32, #tpu.memory_space<vmem>> -> memref<128xi32, #tpu.memory_space<vmem>>
      %dma_wait3A_356 = arith.constant 0 : i32
      %dma_wait3A_357 = arith.constant 0 : i32
      %dma_wait3A_358 = tpu.memref_slice %arg3[%dma_wait3A_356, %dma_wait3A_357] : memref<100000x24xf32, #tpu.memory_space<hbm>> -> memref<100000x24xf32, #tpu.memory_space<hbm>>
      tpu.wait_indirect_dma semaphore(%arg20 : memref<!tpu.dma_semaphore, #tpu.memory_space<semaphore_mem>>) src(%dma_wait3A_358 : memref<100000x24xf32, #tpu.memory_space<hbm>>) dst(%dma_wait3A_353 : memref<128x24xf32, #tpu.memory_space<vmem>>)
      %dma_wait3A_359 = arith.constant 1024 : i32
      %dma_wait3A_360 = arith.constant 0 : i32
      %dma_wait3A_361 = tpu.memref_slice %arg14[%dma_wait3A_359, %dma_wait3A_360] : memref<1152x24xf32, #tpu.memory_space<vmem>> -> memref<128x24xf32, #tpu.memory_space<vmem>>
      %dma_wait3A_362 = arith.constant 0 : i32
      %dma_wait3A_363 = tpu.memref_slice %arg10[%dma_wait3A_362] : memref<18432xi32, #tpu.memory_space<vmem>> -> memref<128xi32, #tpu.memory_space<vmem>>
      %dma_wait3A_364 = arith.constant 0 : i32
      %dma_wait3A_365 = arith.constant 0 : i32
      %dma_wait3A_366 = tpu.memref_slice %arg3[%dma_wait3A_364, %dma_wait3A_365] : memref<100000x24xf32, #tpu.memory_space<hbm>> -> memref<100000x24xf32, #tpu.memory_space<hbm>>
      tpu.wait_indirect_dma semaphore(%arg20 : memref<!tpu.dma_semaphore, #tpu.memory_space<semaphore_mem>>) src(%dma_wait3A_366 : memref<100000x24xf32, #tpu.memory_space<hbm>>) dst(%dma_wait3A_361 : memref<128x24xf32, #tpu.memory_space<vmem>>)
      %mul3A_367 = arith.constant 32 : i32
      %mul3A_368 = arith.muli %mul3A_127, %mul3A_367 : i32
      %add3A_369 = arith.addi %mul3A_2, %mul3A_368 : i32
      %scan3A_370 = arith.constant 0.166666672 : f32
      %scan3A_371 = arith.constant 0 : i32
      %scan3A_372 = arith.constant 32 : i32
      %scan3A_373 = arith.addi %scan3A_371, %scan3A_372 : i32
      %scan3A_374 = arith.constant 1 : i32
      scf.for %scan3A_500 = %scan3A_371 to %scan3A_373 step %scan3A_374  : i32 {
        %mul3A_501 = arith.constant 1 : i32
        %mul3A_502 = arith.muli %scan3A_500, %mul3A_501 : i32
        %add3A_503 = arith.constant 0 : i32
        %add3A_504 = arith.addi %add3A_503, %mul3A_502 : i32
        %broadcast_in_dim3A = arith.constant 0.000000e+00 : f32
        %broadcast_in_dim3A_505 = vector.broadcast %broadcast_in_dim3A : f32 to vector<16xf32>
        %mul3A_506 = arith.constant 6 : i32
        %mul3A_507 = arith.muli %add3A_504, %mul3A_506 : i32
        %add3A_508 = arith.constant 0 : i32
        %add3A_509 = arith.addi %mul3A_507, %add3A_508 : i32
        %mul3A_510 = arith.constant 6 : i32
        %mul3A_511 = arith.muli %add3A_509, %mul3A_510 : i32
        %add3A_512 = arith.constant 0 : i32
        %add3A_513 = arith.addi %mul3A_511, %add3A_512 : i32
        %get3A = arith.index_cast %add3A_513 : i32 to index
        %get3A_514 = arith.constant 0 : index
        %get3A_515 = tpu.vector_load %arg14[%get3A, %get3A_514] {strides = array<i32>} : memref<1152x24xf32, #tpu.memory_space<vmem>>, vector<16xf32>,
        %add3A_516 = arith.addf %broadcast_in_dim3A_505, %get3A_515 : vector<16xf32>
        %get3A_517 = arith.index_cast %add3A_513 : i32 to index
        %get3A_518 = arith.constant 4 : index
        %get3A_519 = tpu.vector_load %arg14[%get3A_517, %get3A_518] {strides = array<i32>} : memref<1152x24xf32, #tpu.memory_space<vmem>>, vector<16xf32>,
        %add3A_520 = arith.addf %broadcast_in_dim3A_505, %get3A_519 : vector<16xf32>
        %mul3A_521 = arith.constant 6 : i32
        %mul3A_522 = arith.muli %add3A_509, %mul3A_521 : i32
        %add3A_523 = arith.constant 1 : i32
        %add3A_524 = arith.addi %mul3A_522, %add3A_523 : i32
        %get3A_525 = arith.index_cast %add3A_524 : i32 to index
        %get3A_526 = arith.constant 0 : index
        %get3A_527 = tpu.vector_load %arg14[%get3A_525, %get3A_526] {strides = array<i32>} : memref<1152x24xf32, #tpu.memory_space<vmem>>, vector<16xf32>,
        %add3A_528 = arith.addf %add3A_516, %get3A_527 : vector<16xf32>
        %get3A_529 = arith.index_cast %add3A_524 : i32 to index
        %get3A_530 = arith.constant 4 : index
        %get3A_531 = tpu.vector_load %arg14[%get3A_529, %get3A_530] {strides = array<i32>} : memref<1152x24xf32, #tpu.memory_space<vmem>>, vector<16xf32>,
        %add3A_532 = arith.addf %add3A_520, %get3A_531 : vector<16xf32>
        %mul3A_533 = arith.constant 6 : i32
        %mul3A_534 = arith.muli %add3A_509, %mul3A_533 : i32
        %add3A_535 = arith.constant 2 : i32
        %add3A_536 = arith.addi %mul3A_534, %add3A_535 : i32
        %get3A_537 = arith.index_cast %add3A_536 : i32 to index
        %get3A_538 = arith.constant 0 : index
        %get3A_539 = tpu.vector_load %arg14[%get3A_537, %get3A_538] {strides = array<i32>} : memref<1152x24xf32, #tpu.memory_space<vmem>>, vector<16xf32>,
        %add3A_540 = arith.addf %add3A_528, %get3A_539 : vector<16xf32>
        %get3A_541 = arith.index_cast %add3A_536 : i32 to index
        %get3A_542 = arith.constant 4 : index
        %get3A_543 = tpu.vector_load %arg14[%get3A_541, %get3A_542] {strides = array<i32>} : memref<1152x24xf32, #tpu.memory_space<vmem>>, vector<16xf32>,
        %add3A_544 = arith.addf %add3A_532, %get3A_543 : vector<16xf32>
        %mul3A_545 = arith.constant 6 : i32
        %mul3A_546 = arith.muli %add3A_509, %mul3A_545 : i32
        %add3A_547 = arith.constant 3 : i32
        %add3A_548 = arith.addi %mul3A_546, %add3A_547 : i32
        %get3A_549 = arith.index_cast %add3A_548 : i32 to index
        %get3A_550 = arith.constant 0 : index
        %get3A_551 = tpu.vector_load %arg14[%get3A_549, %get3A_550] {strides = array<i32>} : memref<1152x24xf32, #tpu.memory_space<vmem>>, vector<16xf32>,
        %add3A_552 = arith.addf %add3A_540, %get3A_551 : vector<16xf32>
        %get3A_553 = arith.index_cast %add3A_548 : i32 to index
        %get3A_554 = arith.constant 4 : index
        %get3A_555 = tpu.vector_load %arg14[%get3A_553, %get3A_554] {strides = array<i32>} : memref<1152x24xf32, #tpu.memory_space<vmem>>, vector<16xf32>,
        %add3A_556 = arith.addf %add3A_544, %get3A_555 : vector<16xf32>
        %mul3A_557 = arith.constant 6 : i32
        %mul3A_558 = arith.muli %add3A_509, %mul3A_557 : i32
        %add3A_559 = arith.constant 4 : i32
        %add3A_560 = arith.addi %mul3A_558, %add3A_559 : i32
        %get3A_561 = arith.index_cast %add3A_560 : i32 to index
        %get3A_562 = arith.constant 0 : index
        %get3A_563 = tpu.vector_load %arg14[%get3A_561, %get3A_562] {strides = array<i32>} : memref<1152x24xf32, #tpu.memory_space<vmem>>, vector<16xf32>,
        %add3A_564 = arith.addf %add3A_552, %get3A_563 : vector<16xf32>
        %get3A_565 = arith.index_cast %add3A_560 : i32 to index
        %get3A_566 = arith.constant 4 : index
        %get3A_567 = tpu.vector_load %arg14[%get3A_565, %get3A_566] {strides = array<i32>} : memref<1152x24xf32, #tpu.memory_space<vmem>>, vector<16xf32>,
        %add3A_568 = arith.addf %add3A_556, %get3A_567 : vector<16xf32>
        %mul3A_569 = arith.constant 6 : i32
        %mul3A_570 = arith.muli %add3A_509, %mul3A_569 : i32
        %add3A_571 = arith.constant 5 : i32
        %add3A_572 = arith.addi %mul3A_570, %add3A_571 : i32
        %get3A_573 = arith.index_cast %add3A_572 : i32 to index
        %get3A_574 = arith.constant 0 : index
        %get3A_575 = tpu.vector_load %arg14[%get3A_573, %get3A_574] {strides = array<i32>} : memref<1152x24xf32, #tpu.memory_space<vmem>>, vector<16xf32>,
        %add3A_576 = arith.addf %add3A_564, %get3A_575 : vector<16xf32>
        %get3A_577 = arith.index_cast %add3A_572 : i32 to index
        %get3A_578 = arith.constant 4 : index
        %get3A_579 = tpu.vector_load %arg14[%get3A_577, %get3A_578] {strides = array<i32>} : memref<1152x24xf32, #tpu.memory_space<vmem>>, vector<16xf32>,
        %add3A_580 = arith.addf %add3A_568, %get3A_579 : vector<16xf32>
        %get3A_581 = arith.index_cast %add3A_509 : i32 to index
        %get3A_582 = arith.constant 0 : index
        %get3A_583 = tpu.vector_load %arg12[%get3A_581, %get3A_582] {strides = array<i32>} : memref<192x24xf32, #tpu.memory_space<vmem>>, vector<16xf32>,
        %mul3A_584 = vector.broadcast %scan3A_370 : f32 to vector<16xf32>
        %mul3A_585 = arith.mulf %mul3A_584, %add3A_576 : vector<16xf32>
        %add3A_586 = arith.addf %get3A_583, %mul3A_585 : vector<16xf32>
        %max3A = arith.constant 0.000000e+00 : f32
        %max3A_587 = vector.broadcast %max3A : f32 to vector<16xf32>
        %max3A_588 = arith.maximumf %add3A_586, %max3A_587 : vector<16xf32>
        %get3A_589 = arith.index_cast %add3A_509 : i32 to index
        %get3A_590 = arith.constant 4 : index
        %get3A_591 = tpu.vector_load %arg12[%get3A_589, %get3A_590] {strides = array<i32>} : memref<192x24xf32, #tpu.memory_space<vmem>>, vector<16xf32>,
        %mul3A_592 = vector.broadcast %scan3A_370 : f32 to vector<16xf32>
        %mul3A_593 = arith.mulf %mul3A_592, %add3A_580 : vector<16xf32>
        %add3A_594 = arith.addf %get3A_591, %mul3A_593 : vector<16xf32>
        %max3A_595 = arith.constant 0.000000e+00 : f32
        %max3A_596 = vector.broadcast %max3A_595 : f32 to vector<16xf32>
        %max3A_597 = arith.maximumf %add3A_594, %max3A_596 : vector<16xf32>
        %add3A_598 = arith.addf %broadcast_in_dim3A_505, %max3A_588 : vector<16xf32>
        %add3A_599 = arith.addf %broadcast_in_dim3A_505, %max3A_597 : vector<16xf32>
        %get3A_600 = arith.index_cast %add3A_509 : i32 to index
        %get3A_601 = arith.constant 0 : index
        %get3A_602 = tpu.vector_load %arg13[%get3A_600, %get3A_601] {strides = array<i32>} : memref<192x24xf32, #tpu.memory_space<vmem>>, vector<16xf32>,
        %add3A_603 = arith.addf %broadcast_in_dim3A_505, %get3A_602 : vector<16xf32>
        %get3A_604 = arith.index_cast %add3A_509 : i32 to index
        %get3A_605 = arith.constant 4 : index
        %get3A_606 = tpu.vector_load %arg13[%get3A_604, %get3A_605] {strides = array<i32>} : memref<192x24xf32, #tpu.memory_space<vmem>>, vector<16xf32>,
        %add3A_607 = arith.addf %broadcast_in_dim3A_505, %get3A_606 : vector<16xf32>
        %mul3A_608 = arith.constant 6 : i32
        %mul3A_609 = arith.muli %add3A_504, %mul3A_608 : i32
        %add3A_610 = arith.constant 1 : i32
        %add3A_611 = arith.addi %mul3A_609, %add3A_610 : i32
        %mul3A_612 = arith.constant 6 : i32
        %mul3A_613 = arith.muli %add3A_611, %mul3A_612 : i32
        %add3A_614 = arith.constant 0 : i32
        %add3A_615 = arith.addi %mul3A_613, %add3A_614 : i32
        %get3A_616 = arith.index_cast %add3A_615 : i32 to index
        %get3A_617 = arith.constant 0 : index
        %get3A_618 = tpu.vector_load %arg14[%get3A_616, %get3A_617] {strides = array<i32>} : memref<1152x24xf32, #tpu.memory_space<vmem>>, vector<16xf32>,
        %add3A_619 = arith.addf %broadcast_in_dim3A_505, %get3A_618 : vector<16xf32>
        %get3A_620 = arith.index_cast %add3A_615 : i32 to index
        %get3A_621 = arith.constant 4 : index
        %get3A_622 = tpu.vector_load %arg14[%get3A_620, %get3A_621] {strides = array<i32>} : memref<1152x24xf32, #tpu.memory_space<vmem>>, vector<16xf32>,
        %add3A_623 = arith.addf %broadcast_in_dim3A_505, %get3A_622 : vector<16xf32>
        %mul3A_624 = arith.constant 6 : i32
        %mul3A_625 = arith.muli %add3A_611, %mul3A_624 : i32
        %add3A_626 = arith.constant 1 : i32
        %add3A_627 = arith.addi %mul3A_625, %add3A_626 : i32
        %get3A_628 = arith.index_cast %add3A_627 : i32 to index
        %get3A_629 = arith.constant 0 : index
        %get3A_630 = tpu.vector_load %arg14[%get3A_628, %get3A_629] {strides = array<i32>} : memref<1152x24xf32, #tpu.memory_space<vmem>>, vector<16xf32>,
        %add3A_631 = arith.addf %add3A_619, %get3A_630 : vector<16xf32>
        %get3A_632 = arith.index_cast %add3A_627 : i32 to index
        %get3A_633 = arith.constant 4 : index
        %get3A_634 = tpu.vector_load %arg14[%get3A_632, %get3A_633] {strides = array<i32>} : memref<1152x24xf32, #tpu.memory_space<vmem>>, vector<16xf32>,
        %add3A_635 = arith.addf %add3A_623, %get3A_634 : vector<16xf32>
        %mul3A_636 = arith.constant 6 : i32
        %mul3A_637 = arith.muli %add3A_611, %mul3A_636 : i32
        %add3A_638 = arith.constant 2 : i32
        %add3A_639 = arith.addi %mul3A_637, %add3A_638 : i32
        %get3A_640 = arith.index_cast %add3A_639 : i32 to index
        %get3A_641 = arith.constant 0 : index
        %get3A_642 = tpu.vector_load %arg14[%get3A_640, %get3A_641] {strides = array<i32>} : memref<1152x24xf32, #tpu.memory_space<vmem>>, vector<16xf32>,
        %add3A_643 = arith.addf %add3A_631, %get3A_642 : vector<16xf32>
        %get3A_644 = arith.index_cast %add3A_639 : i32 to index
        %get3A_645 = arith.constant 4 : index
        %get3A_646 = tpu.vector_load %arg14[%get3A_644, %get3A_645] {strides = array<i32>} : memref<1152x24xf32, #tpu.memory_space<vmem>>, vector<16xf32>,
        %add3A_647 = arith.addf %add3A_635, %get3A_646 : vector<16xf32>
        %mul3A_648 = arith.constant 6 : i32
        %mul3A_649 = arith.muli %add3A_611, %mul3A_648 : i32
        %add3A_650 = arith.constant 3 : i32
        %add3A_651 = arith.addi %mul3A_649, %add3A_650 : i32
        %get3A_652 = arith.index_cast %add3A_651 : i32 to index
        %get3A_653 = arith.constant 0 : index
        %get3A_654 = tpu.vector_load %arg14[%get3A_652, %get3A_653] {strides = array<i32>} : memref<1152x24xf32, #tpu.memory_space<vmem>>, vector<16xf32>,
        %add3A_655 = arith.addf %add3A_643, %get3A_654 : vector<16xf32>
        %get3A_656 = arith.index_cast %add3A_651 : i32 to index
        %get3A_657 = arith.constant 4 : index
        %get3A_658 = tpu.vector_load %arg14[%get3A_656, %get3A_657] {strides = array<i32>} : memref<1152x24xf32, #tpu.memory_space<vmem>>, vector<16xf32>,
        %add3A_659 = arith.addf %add3A_647, %get3A_658 : vector<16xf32>
        %mul3A_660 = arith.constant 6 : i32
        %mul3A_661 = arith.muli %add3A_611, %mul3A_660 : i32
        %add3A_662 = arith.constant 4 : i32
        %add3A_663 = arith.addi %mul3A_661, %add3A_662 : i32
        %get3A_664 = arith.index_cast %add3A_663 : i32 to index
        %get3A_665 = arith.constant 0 : index
        %get3A_666 = tpu.vector_load %arg14[%get3A_664, %get3A_665] {strides = array<i32>} : memref<1152x24xf32, #tpu.memory_space<vmem>>, vector<16xf32>,
        %add3A_667 = arith.addf %add3A_655, %get3A_666 : vector<16xf32>
        %get3A_668 = arith.index_cast %add3A_663 : i32 to index
        %get3A_669 = arith.constant 4 : index
        %get3A_670 = tpu.vector_load %arg14[%get3A_668, %get3A_669] {strides = array<i32>} : memref<1152x24xf32, #tpu.memory_space<vmem>>, vector<16xf32>,
        %add3A_671 = arith.addf %add3A_659, %get3A_670 : vector<16xf32>
        %mul3A_672 = arith.constant 6 : i32
        %mul3A_673 = arith.muli %add3A_611, %mul3A_672 : i32
        %add3A_674 = arith.constant 5 : i32
        %add3A_675 = arith.addi %mul3A_673, %add3A_674 : i32
        %get3A_676 = arith.index_cast %add3A_675 : i32 to index
        %get3A_677 = arith.constant 0 : index
        %get3A_678 = tpu.vector_load %arg14[%get3A_676, %get3A_677] {strides = array<i32>} : memref<1152x24xf32, #tpu.memory_space<vmem>>, vector<16xf32>,
        %add3A_679 = arith.addf %add3A_667, %get3A_678 : vector<16xf32>
        %get3A_680 = arith.index_cast %add3A_675 : i32 to index
        %get3A_681 = arith.constant 4 : index
        %get3A_682 = tpu.vector_load %arg14[%get3A_680, %get3A_681] {strides = array<i32>} : memref<1152x24xf32, #tpu.memory_space<vmem>>, vector<16xf32>,
        %add3A_683 = arith.addf %add3A_671, %get3A_682 : vector<16xf32>
        %get3A_684 = arith.index_cast %add3A_611 : i32 to index
        %get3A_685 = arith.constant 0 : index
        %get3A_686 = tpu.vector_load %arg12[%get3A_684, %get3A_685] {strides = array<i32>} : memref<192x24xf32, #tpu.memory_space<vmem>>, vector<16xf32>,
        %mul3A_687 = vector.broadcast %scan3A_370 : f32 to vector<16xf32>
        %mul3A_688 = arith.mulf %mul3A_687, %add3A_679 : vector<16xf32>
        %add3A_689 = arith.addf %get3A_686, %mul3A_688 : vector<16xf32>
        %max3A_690 = arith.constant 0.000000e+00 : f32
        %max3A_691 = vector.broadcast %max3A_690 : f32 to vector<16xf32>
        %max3A_692 = arith.maximumf %add3A_689, %max3A_691 : vector<16xf32>
        %get3A_693 = arith.index_cast %add3A_611 : i32 to index
        %get3A_694 = arith.constant 4 : index
        %get3A_695 = tpu.vector_load %arg12[%get3A_693, %get3A_694] {strides = array<i32>} : memref<192x24xf32, #tpu.memory_space<vmem>>, vector<16xf32>,
        %mul3A_696 = vector.broadcast %scan3A_370 : f32 to vector<16xf32>
        %mul3A_697 = arith.mulf %mul3A_696, %add3A_683 : vector<16xf32>
        %add3A_698 = arith.addf %get3A_695, %mul3A_697 : vector<16xf32>
        %max3A_699 = arith.constant 0.000000e+00 : f32
        %max3A_700 = vector.broadcast %max3A_699 : f32 to vector<16xf32>
        %max3A_701 = arith.maximumf %add3A_698, %max3A_700 : vector<16xf32>
        %add3A_702 = arith.addf %add3A_598, %max3A_692 : vector<16xf32>
        %add3A_703 = arith.addf %add3A_599, %max3A_701 : vector<16xf32>
        %get3A_704 = arith.index_cast %add3A_611 : i32 to index
        %get3A_705 = arith.constant 0 : index
        %get3A_706 = tpu.vector_load %arg13[%get3A_704, %get3A_705] {strides = array<i32>} : memref<192x24xf32, #tpu.memory_space<vmem>>, vector<16xf32>,
        %add3A_707 = arith.addf %add3A_603, %get3A_706 : vector<16xf32>
        %get3A_708 = arith.index_cast %add3A_611 : i32 to index
        %get3A_709 = arith.constant 4 : index
        %get3A_710 = tpu.vector_load %arg13[%get3A_708, %get3A_709] {strides = array<i32>} : memref<192x24xf32, #tpu.memory_space<vmem>>, vector<16xf32>,
        %add3A_711 = arith.addf %add3A_607, %get3A_710 : vector<16xf32>
        %mul3A_712 = arith.constant 6 : i32
        %mul3A_713 = arith.muli %add3A_504, %mul3A_712 : i32
        %add3A_714 = arith.constant 2 : i32
        %add3A_715 = arith.addi %mul3A_713, %add3A_714 : i32
        %mul3A_716 = arith.constant 6 : i32
        %mul3A_717 = arith.muli %add3A_715, %mul3A_716 : i32
        %add3A_718 = arith.constant 0 : i32
        %add3A_719 = arith.addi %mul3A_717, %add3A_718 : i32
        %get3A_720 = arith.index_cast %add3A_719 : i32 to index
        %get3A_721 = arith.constant 0 : index
        %get3A_722 = tpu.vector_load %arg14[%get3A_720, %get3A_721] {strides = array<i32>} : memref<1152x24xf32, #tpu.memory_space<vmem>>, vector<16xf32>,
        %add3A_723 = arith.addf %broadcast_in_dim3A_505, %get3A_722 : vector<16xf32>
        %get3A_724 = arith.index_cast %add3A_719 : i32 to index
        %get3A_725 = arith.constant 4 : index
        %get3A_726 = tpu.vector_load %arg14[%get3A_724, %get3A_725] {strides = array<i32>} : memref<1152x24xf32, #tpu.memory_space<vmem>>, vector<16xf32>,
        %add3A_727 = arith.addf %broadcast_in_dim3A_505, %get3A_726 : vector<16xf32>
        %mul3A_728 = arith.constant 6 : i32
        %mul3A_729 = arith.muli %add3A_715, %mul3A_728 : i32
        %add3A_730 = arith.constant 1 : i32
        %add3A_731 = arith.addi %mul3A_729, %add3A_730 : i32
        %get3A_732 = arith.index_cast %add3A_731 : i32 to index
        %get3A_733 = arith.constant 0 : index
        %get3A_734 = tpu.vector_load %arg14[%get3A_732, %get3A_733] {strides = array<i32>} : memref<1152x24xf32, #tpu.memory_space<vmem>>, vector<16xf32>,
        %add3A_735 = arith.addf %add3A_723, %get3A_734 : vector<16xf32>
        %get3A_736 = arith.index_cast %add3A_731 : i32 to index
        %get3A_737 = arith.constant 4 : index
        %get3A_738 = tpu.vector_load %arg14[%get3A_736, %get3A_737] {strides = array<i32>} : memref<1152x24xf32, #tpu.memory_space<vmem>>, vector<16xf32>,
        %add3A_739 = arith.addf %add3A_727, %get3A_738 : vector<16xf32>
        %mul3A_740 = arith.constant 6 : i32
        %mul3A_741 = arith.muli %add3A_715, %mul3A_740 : i32
        %add3A_742 = arith.constant 2 : i32
        %add3A_743 = arith.addi %mul3A_741, %add3A_742 : i32
        %get3A_744 = arith.index_cast %add3A_743 : i32 to index
        %get3A_745 = arith.constant 0 : index
        %get3A_746 = tpu.vector_load %arg14[%get3A_744, %get3A_745] {strides = array<i32>} : memref<1152x24xf32, #tpu.memory_space<vmem>>, vector<16xf32>,
        %add3A_747 = arith.addf %add3A_735, %get3A_746 : vector<16xf32>
        %get3A_748 = arith.index_cast %add3A_743 : i32 to index
        %get3A_749 = arith.constant 4 : index
        %get3A_750 = tpu.vector_load %arg14[%get3A_748, %get3A_749] {strides = array<i32>} : memref<1152x24xf32, #tpu.memory_space<vmem>>, vector<16xf32>,
        %add3A_751 = arith.addf %add3A_739, %get3A_750 : vector<16xf32>
        %mul3A_752 = arith.constant 6 : i32
        %mul3A_753 = arith.muli %add3A_715, %mul3A_752 : i32
        %add3A_754 = arith.constant 3 : i32
        %add3A_755 = arith.addi %mul3A_753, %add3A_754 : i32
        %get3A_756 = arith.index_cast %add3A_755 : i32 to index
        %get3A_757 = arith.constant 0 : index
        %get3A_758 = tpu.vector_load %arg14[%get3A_756, %get3A_757] {strides = array<i32>} : memref<1152x24xf32, #tpu.memory_space<vmem>>, vector<16xf32>,
        %add3A_759 = arith.addf %add3A_747, %get3A_758 : vector<16xf32>
        %get3A_760 = arith.index_cast %add3A_755 : i32 to index
        %get3A_761 = arith.constant 4 : index
        %get3A_762 = tpu.vector_load %arg14[%get3A_760, %get3A_761] {strides = array<i32>} : memref<1152x24xf32, #tpu.memory_space<vmem>>, vector<16xf32>,
        %add3A_763 = arith.addf %add3A_751, %get3A_762 : vector<16xf32>
        %mul3A_764 = arith.constant 6 : i32
        %mul3A_765 = arith.muli %add3A_715, %mul3A_764 : i32
        %add3A_766 = arith.constant 4 : i32
        %add3A_767 = arith.addi %mul3A_765, %add3A_766 : i32
        %get3A_768 = arith.index_cast %add3A_767 : i32 to index
        %get3A_769 = arith.constant 0 : index
        %get3A_770 = tpu.vector_load %arg14[%get3A_768, %get3A_769] {strides = array<i32>} : memref<1152x24xf32, #tpu.memory_space<vmem>>, vector<16xf32>,
        %add3A_771 = arith.addf %add3A_759, %get3A_770 : vector<16xf32>
        %get3A_772 = arith.index_cast %add3A_767 : i32 to index
        %get3A_773 = arith.constant 4 : index
        %get3A_774 = tpu.vector_load %arg14[%get3A_772, %get3A_773] {strides = array<i32>} : memref<1152x24xf32, #tpu.memory_space<vmem>>, vector<16xf32>,
        %add3A_775 = arith.addf %add3A_763, %get3A_774 : vector<16xf32>
        %mul3A_776 = arith.constant 6 : i32
        %mul3A_777 = arith.muli %add3A_715, %mul3A_776 : i32
        %add3A_778 = arith.constant 5 : i32
        %add3A_779 = arith.addi %mul3A_777, %add3A_778 : i32
        %get3A_780 = arith.index_cast %add3A_779 : i32 to index
        %get3A_781 = arith.constant 0 : index
        %get3A_782 = tpu.vector_load %arg14[%get3A_780, %get3A_781] {strides = array<i32>} : memref<1152x24xf32, #tpu.memory_space<vmem>>, vector<16xf32>,
        %add3A_783 = arith.addf %add3A_771, %get3A_782 : vector<16xf32>
        %get3A_784 = arith.index_cast %add3A_779 : i32 to index
        %get3A_785 = arith.constant 4 : index
        %get3A_786 = tpu.vector_load %arg14[%get3A_784, %get3A_785] {strides = array<i32>} : memref<1152x24xf32, #tpu.memory_space<vmem>>, vector<16xf32>,
        %add3A_787 = arith.addf %add3A_775, %get3A_786 : vector<16xf32>
        %get3A_788 = arith.index_cast %add3A_715 : i32 to index
        %get3A_789 = arith.constant 0 : index
        %get3A_790 = tpu.vector_load %arg12[%get3A_788, %get3A_789] {strides = array<i32>} : memref<192x24xf32, #tpu.memory_space<vmem>>, vector<16xf32>,
        %mul3A_791 = vector.broadcast %scan3A_370 : f32 to vector<16xf32>
        %mul3A_792 = arith.mulf %mul3A_791, %add3A_783 : vector<16xf32>
        %add3A_793 = arith.addf %get3A_790, %mul3A_792 : vector<16xf32>
        %max3A_794 = arith.constant 0.000000e+00 : f32
        %max3A_795 = vector.broadcast %max3A_794 : f32 to vector<16xf32>
        %max3A_796 = arith.maximumf %add3A_793, %max3A_795 : vector<16xf32>
        %get3A_797 = arith.index_cast %add3A_715 : i32 to index
        %get3A_798 = arith.constant 4 : index
        %get3A_799 = tpu.vector_load %arg12[%get3A_797, %get3A_798] {strides = array<i32>} : memref<192x24xf32, #tpu.memory_space<vmem>>, vector<16xf32>,
        %mul3A_800 = vector.broadcast %scan3A_370 : f32 to vector<16xf32>
        %mul3A_801 = arith.mulf %mul3A_800, %add3A_787 : vector<16xf32>
        %add3A_802 = arith.addf %get3A_799, %mul3A_801 : vector<16xf32>
        %max3A_803 = arith.constant 0.000000e+00 : f32
        %max3A_804 = vector.broadcast %max3A_803 : f32 to vector<16xf32>
        %max3A_805 = arith.maximumf %add3A_802, %max3A_804 : vector<16xf32>
        %add3A_806 = arith.addf %add3A_702, %max3A_796 : vector<16xf32>
        %add3A_807 = arith.addf %add3A_703, %max3A_805 : vector<16xf32>
        %get3A_808 = arith.index_cast %add3A_715 : i32 to index
        %get3A_809 = arith.constant 0 : index
        %get3A_810 = tpu.vector_load %arg13[%get3A_808, %get3A_809] {strides = array<i32>} : memref<192x24xf32, #tpu.memory_space<vmem>>, vector<16xf32>,
        %add3A_811 = arith.addf %add3A_707, %get3A_810 : vector<16xf32>
        %get3A_812 = arith.index_cast %add3A_715 : i32 to index
        %get3A_813 = arith.constant 4 : index
        %get3A_814 = tpu.vector_load %arg13[%get3A_812, %get3A_813] {strides = array<i32>} : memref<192x24xf32, #tpu.memory_space<vmem>>, vector<16xf32>,
        %add3A_815 = arith.addf %add3A_711, %get3A_814 : vector<16xf32>
        %mul3A_816 = arith.constant 6 : i32
        %mul3A_817 = arith.muli %add3A_504, %mul3A_816 : i32
        %add3A_818 = arith.constant 3 : i32
        %add3A_819 = arith.addi %mul3A_817, %add3A_818 : i32
        %mul3A_820 = arith.constant 6 : i32
        %mul3A_821 = arith.muli %add3A_819, %mul3A_820 : i32
        %add3A_822 = arith.constant 0 : i32
        %add3A_823 = arith.addi %mul3A_821, %add3A_822 : i32
        %get3A_824 = arith.index_cast %add3A_823 : i32 to index
        %get3A_825 = arith.constant 0 : index
        %get3A_826 = tpu.vector_load %arg14[%get3A_824, %get3A_825] {strides = array<i32>} : memref<1152x24xf32, #tpu.memory_space<vmem>>, vector<16xf32>,
        %add3A_827 = arith.addf %broadcast_in_dim3A_505, %get3A_826 : vector<16xf32>
        %get3A_828 = arith.index_cast %add3A_823 : i32 to index
        %get3A_829 = arith.constant 4 : index
        %get3A_830 = tpu.vector_load %arg14[%get3A_828, %get3A_829] {strides = array<i32>} : memref<1152x24xf32, #tpu.memory_space<vmem>>, vector<16xf32>,
        %add3A_831 = arith.addf %broadcast_in_dim3A_505, %get3A_830 : vector<16xf32>
        %mul3A_832 = arith.constant 6 : i32
        %mul3A_833 = arith.muli %add3A_819, %mul3A_832 : i32
        %add3A_834 = arith.constant 1 : i32
        %add3A_835 = arith.addi %mul3A_833, %add3A_834 : i32
        %get3A_836 = arith.index_cast %add3A_835 : i32 to index
        %get3A_837 = arith.constant 0 : index
        %get3A_838 = tpu.vector_load %arg14[%get3A_836, %get3A_837] {strides = array<i32>} : memref<1152x24xf32, #tpu.memory_space<vmem>>, vector<16xf32>,
        %add3A_839 = arith.addf %add3A_827, %get3A_838 : vector<16xf32>
        %get3A_840 = arith.index_cast %add3A_835 : i32 to index
        %get3A_841 = arith.constant 4 : index
        %get3A_842 = tpu.vector_load %arg14[%get3A_840, %get3A_841] {strides = array<i32>} : memref<1152x24xf32, #tpu.memory_space<vmem>>, vector<16xf32>,
        %add3A_843 = arith.addf %add3A_831, %get3A_842 : vector<16xf32>
        %mul3A_844 = arith.constant 6 : i32
        %mul3A_845 = arith.muli %add3A_819, %mul3A_844 : i32
        %add3A_846 = arith.constant 2 : i32
        %add3A_847 = arith.addi %mul3A_845, %add3A_846 : i32
        %get3A_848 = arith.index_cast %add3A_847 : i32 to index
        %get3A_849 = arith.constant 0 : index
        %get3A_850 = tpu.vector_load %arg14[%get3A_848, %get3A_849] {strides = array<i32>} : memref<1152x24xf32, #tpu.memory_space<vmem>>, vector<16xf32>,
        %add3A_851 = arith.addf %add3A_839, %get3A_850 : vector<16xf32>
        %get3A_852 = arith.index_cast %add3A_847 : i32 to index
        %get3A_853 = arith.constant 4 : index
        %get3A_854 = tpu.vector_load %arg14[%get3A_852, %get3A_853] {strides = array<i32>} : memref<1152x24xf32, #tpu.memory_space<vmem>>, vector<16xf32>,
        %add3A_855 = arith.addf %add3A_843, %get3A_854 : vector<16xf32>
        %mul3A_856 = arith.constant 6 : i32
        %mul3A_857 = arith.muli %add3A_819, %mul3A_856 : i32
        %add3A_858 = arith.constant 3 : i32
        %add3A_859 = arith.addi %mul3A_857, %add3A_858 : i32
        %get3A_860 = arith.index_cast %add3A_859 : i32 to index
        %get3A_861 = arith.constant 0 : index
        %get3A_862 = tpu.vector_load %arg14[%get3A_860, %get3A_861] {strides = array<i32>} : memref<1152x24xf32, #tpu.memory_space<vmem>>, vector<16xf32>,
        %add3A_863 = arith.addf %add3A_851, %get3A_862 : vector<16xf32>
        %get3A_864 = arith.index_cast %add3A_859 : i32 to index
        %get3A_865 = arith.constant 4 : index
        %get3A_866 = tpu.vector_load %arg14[%get3A_864, %get3A_865] {strides = array<i32>} : memref<1152x24xf32, #tpu.memory_space<vmem>>, vector<16xf32>,
        %add3A_867 = arith.addf %add3A_855, %get3A_866 : vector<16xf32>
        %mul3A_868 = arith.constant 6 : i32
        %mul3A_869 = arith.muli %add3A_819, %mul3A_868 : i32
        %add3A_870 = arith.constant 4 : i32
        %add3A_871 = arith.addi %mul3A_869, %add3A_870 : i32
        %get3A_872 = arith.index_cast %add3A_871 : i32 to index
        %get3A_873 = arith.constant 0 : index
        %get3A_874 = tpu.vector_load %arg14[%get3A_872, %get3A_873] {strides = array<i32>} : memref<1152x24xf32, #tpu.memory_space<vmem>>, vector<16xf32>,
        %add3A_875 = arith.addf %add3A_863, %get3A_874 : vector<16xf32>
        %get3A_876 = arith.index_cast %add3A_871 : i32 to index
        %get3A_877 = arith.constant 4 : index
        %get3A_878 = tpu.vector_load %arg14[%get3A_876, %get3A_877] {strides = array<i32>} : memref<1152x24xf32, #tpu.memory_space<vmem>>, vector<16xf32>,
        %add3A_879 = arith.addf %add3A_867, %get3A_878 : vector<16xf32>
        %mul3A_880 = arith.constant 6 : i32
        %mul3A_881 = arith.muli %add3A_819, %mul3A_880 : i32
        %add3A_882 = arith.constant 5 : i32
        %add3A_883 = arith.addi %mul3A_881, %add3A_882 : i32
        %get3A_884 = arith.index_cast %add3A_883 : i32 to index
        %get3A_885 = arith.constant 0 : index
        %get3A_886 = tpu.vector_load %arg14[%get3A_884, %get3A_885] {strides = array<i32>} : memref<1152x24xf32, #tpu.memory_space<vmem>>, vector<16xf32>,
        %add3A_887 = arith.addf %add3A_875, %get3A_886 : vector<16xf32>
        %get3A_888 = arith.index_cast %add3A_883 : i32 to index
        %get3A_889 = arith.constant 4 : index
        %get3A_890 = tpu.vector_load %arg14[%get3A_888, %get3A_889] {strides = array<i32>} : memref<1152x24xf32, #tpu.memory_space<vmem>>, vector<16xf32>,
        %add3A_891 = arith.addf %add3A_879, %get3A_890 : vector<16xf32>
        %get3A_892 = arith.index_cast %add3A_819 : i32 to index
        %get3A_893 = arith.constant 0 : index
        %get3A_894 = tpu.vector_load %arg12[%get3A_892, %get3A_893] {strides = array<i32>} : memref<192x24xf32, #tpu.memory_space<vmem>>, vector<16xf32>,
        %mul3A_895 = vector.broadcast %scan3A_370 : f32 to vector<16xf32>
        %mul3A_896 = arith.mulf %mul3A_895, %add3A_887 : vector<16xf32>
        %add3A_897 = arith.addf %get3A_894, %mul3A_896 : vector<16xf32>
        %max3A_898 = arith.constant 0.000000e+00 : f32
        %max3A_899 = vector.broadcast %max3A_898 : f32 to vector<16xf32>
        %max3A_900 = arith.maximumf %add3A_897, %max3A_899 : vector<16xf32>
        %get3A_901 = arith.index_cast %add3A_819 : i32 to index
        %get3A_902 = arith.constant 4 : index
        %get3A_903 = tpu.vector_load %arg12[%get3A_901, %get3A_902] {strides = array<i32>} : memref<192x24xf32, #tpu.memory_space<vmem>>, vector<16xf32>,
        %mul3A_904 = vector.broadcast %scan3A_370 : f32 to vector<16xf32>
        %mul3A_905 = arith.mulf %mul3A_904, %add3A_891 : vector<16xf32>
        %add3A_906 = arith.addf %get3A_903, %mul3A_905 : vector<16xf32>
        %max3A_907 = arith.constant 0.000000e+00 : f32
        %max3A_908 = vector.broadcast %max3A_907 : f32 to vector<16xf32>
        %max3A_909 = arith.maximumf %add3A_906, %max3A_908 : vector<16xf32>
        %add3A_910 = arith.addf %add3A_806, %max3A_900 : vector<16xf32>
        %add3A_911 = arith.addf %add3A_807, %max3A_909 : vector<16xf32>
        %get3A_912 = arith.index_cast %add3A_819 : i32 to index
        %get3A_913 = arith.constant 0 : index
        %get3A_914 = tpu.vector_load %arg13[%get3A_912, %get3A_913] {strides = array<i32>} : memref<192x24xf32, #tpu.memory_space<vmem>>, vector<16xf32>,
        %add3A_915 = arith.addf %add3A_811, %get3A_914 : vector<16xf32>
        %get3A_916 = arith.index_cast %add3A_819 : i32 to index
        %get3A_917 = arith.constant 4 : index
        %get3A_918 = tpu.vector_load %arg13[%get3A_916, %get3A_917] {strides = array<i32>} : memref<192x24xf32, #tpu.memory_space<vmem>>, vector<16xf32>,
        %add3A_919 = arith.addf %add3A_815, %get3A_918 : vector<16xf32>
        %mul3A_920 = arith.constant 6 : i32
        %mul3A_921 = arith.muli %add3A_504, %mul3A_920 : i32
        %add3A_922 = arith.constant 4 : i32
        %add3A_923 = arith.addi %mul3A_921, %add3A_922 : i32
        %mul3A_924 = arith.constant 6 : i32
        %mul3A_925 = arith.muli %add3A_923, %mul3A_924 : i32
        %add3A_926 = arith.constant 0 : i32
        %add3A_927 = arith.addi %mul3A_925, %add3A_926 : i32
        %get3A_928 = arith.index_cast %add3A_927 : i32 to index
        %get3A_929 = arith.constant 0 : index
        %get3A_930 = tpu.vector_load %arg14[%get3A_928, %get3A_929] {strides = array<i32>} : memref<1152x24xf32, #tpu.memory_space<vmem>>, vector<16xf32>,
        %add3A_931 = arith.addf %broadcast_in_dim3A_505, %get3A_930 : vector<16xf32>
        %get3A_932 = arith.index_cast %add3A_927 : i32 to index
        %get3A_933 = arith.constant 4 : index
        %get3A_934 = tpu.vector_load %arg14[%get3A_932, %get3A_933] {strides = array<i32>} : memref<1152x24xf32, #tpu.memory_space<vmem>>, vector<16xf32>,
        %add3A_935 = arith.addf %broadcast_in_dim3A_505, %get3A_934 : vector<16xf32>
        %mul3A_936 = arith.constant 6 : i32
        %mul3A_937 = arith.muli %add3A_923, %mul3A_936 : i32
        %add3A_938 = arith.constant 1 : i32
        %add3A_939 = arith.addi %mul3A_937, %add3A_938 : i32
        %get3A_940 = arith.index_cast %add3A_939 : i32 to index
        %get3A_941 = arith.constant 0 : index
        %get3A_942 = tpu.vector_load %arg14[%get3A_940, %get3A_941] {strides = array<i32>} : memref<1152x24xf32, #tpu.memory_space<vmem>>, vector<16xf32>,
        %add3A_943 = arith.addf %add3A_931, %get3A_942 : vector<16xf32>
        %get3A_944 = arith.index_cast %add3A_939 : i32 to index
        %get3A_945 = arith.constant 4 : index
        %get3A_946 = tpu.vector_load %arg14[%get3A_944, %get3A_945] {strides = array<i32>} : memref<1152x24xf32, #tpu.memory_space<vmem>>, vector<16xf32>,
        %add3A_947 = arith.addf %add3A_935, %get3A_946 : vector<16xf32>
        %mul3A_948 = arith.constant 6 : i32
        %mul3A_949 = arith.muli %add3A_923, %mul3A_948 : i32
        %add3A_950 = arith.constant 2 : i32
        %add3A_951 = arith.addi %mul3A_949, %add3A_950 : i32
        %get3A_952 = arith.index_cast %add3A_951 : i32 to index
        %get3A_953 = arith.constant 0 : index
        %get3A_954 = tpu.vector_load %arg14[%get3A_952, %get3A_953] {strides = array<i32>} : memref<1152x24xf32, #tpu.memory_space<vmem>>, vector<16xf32>,
        %add3A_955 = arith.addf %add3A_943, %get3A_954 : vector<16xf32>
        %get3A_956 = arith.index_cast %add3A_951 : i32 to index
        %get3A_957 = arith.constant 4 : index
        %get3A_958 = tpu.vector_load %arg14[%get3A_956, %get3A_957] {strides = array<i32>} : memref<1152x24xf32, #tpu.memory_space<vmem>>, vector<16xf32>,
        %add3A_959 = arith.addf %add3A_947, %get3A_958 : vector<16xf32>
        %mul3A_960 = arith.constant 6 : i32
        %mul3A_961 = arith.muli %add3A_923, %mul3A_960 : i32
        %add3A_962 = arith.constant 3 : i32
        %add3A_963 = arith.addi %mul3A_961, %add3A_962 : i32
        %get3A_964 = arith.index_cast %add3A_963 : i32 to index
        %get3A_965 = arith.constant 0 : index
        %get3A_966 = tpu.vector_load %arg14[%get3A_964, %get3A_965] {strides = array<i32>} : memref<1152x24xf32, #tpu.memory_space<vmem>>, vector<16xf32>,
        %add3A_967 = arith.addf %add3A_955, %get3A_966 : vector<16xf32>
        %get3A_968 = arith.index_cast %add3A_963 : i32 to index
        %get3A_969 = arith.constant 4 : index
        %get3A_970 = tpu.vector_load %arg14[%get3A_968, %get3A_969] {strides = array<i32>} : memref<1152x24xf32, #tpu.memory_space<vmem>>, vector<16xf32>,
        %add3A_971 = arith.addf %add3A_959, %get3A_970 : vector<16xf32>
        %mul3A_972 = arith.constant 6 : i32
        %mul3A_973 = arith.muli %add3A_923, %mul3A_972 : i32
        %add3A_974 = arith.constant 4 : i32
        %add3A_975 = arith.addi %mul3A_973, %add3A_974 : i32
        %get3A_976 = arith.index_cast %add3A_975 : i32 to index
        %get3A_977 = arith.constant 0 : index
        %get3A_978 = tpu.vector_load %arg14[%get3A_976, %get3A_977] {strides = array<i32>} : memref<1152x24xf32, #tpu.memory_space<vmem>>, vector<16xf32>,
        %add3A_979 = arith.addf %add3A_967, %get3A_978 : vector<16xf32>
        %get3A_980 = arith.index_cast %add3A_975 : i32 to index
        %get3A_981 = arith.constant 4 : index
        %get3A_982 = tpu.vector_load %arg14[%get3A_980, %get3A_981] {strides = array<i32>} : memref<1152x24xf32, #tpu.memory_space<vmem>>, vector<16xf32>,
        %add3A_983 = arith.addf %add3A_971, %get3A_982 : vector<16xf32>
        %mul3A_984 = arith.constant 6 : i32
        %mul3A_985 = arith.muli %add3A_923, %mul3A_984 : i32
        %add3A_986 = arith.constant 5 : i32
        %add3A_987 = arith.addi %mul3A_985, %add3A_986 : i32
        %get3A_988 = arith.index_cast %add3A_987 : i32 to index
        %get3A_989 = arith.constant 0 : index
        %get3A_990 = tpu.vector_load %arg14[%get3A_988, %get3A_989] {strides = array<i32>} : memref<1152x24xf32, #tpu.memory_space<vmem>>, vector<16xf32>,
        %add3A_991 = arith.addf %add3A_979, %get3A_990 : vector<16xf32>
        %get3A_992 = arith.index_cast %add3A_987 : i32 to index
        %get3A_993 = arith.constant 4 : index
        %get3A_994 = tpu.vector_load %arg14[%get3A_992, %get3A_993] {strides = array<i32>} : memref<1152x24xf32, #tpu.memory_space<vmem>>, vector<16xf32>,
        %add3A_995 = arith.addf %add3A_983, %get3A_994 : vector<16xf32>
        %get3A_996 = arith.index_cast %add3A_923 : i32 to index
        %get3A_997 = arith.constant 0 : index
        %get3A_998 = tpu.vector_load %arg12[%get3A_996, %get3A_997] {strides = array<i32>} : memref<192x24xf32, #tpu.memory_space<vmem>>, vector<16xf32>,
        %mul3A_999 = vector.broadcast %scan3A_370 : f32 to vector<16xf32>
        %mul3A_1000 = arith.mulf %mul3A_999, %add3A_991 : vector<16xf32>
        %add3A_1001 = arith.addf %get3A_998, %mul3A_1000 : vector<16xf32>
        %max3A_1002 = arith.constant 0.000000e+00 : f32
        %max3A_1003 = vector.broadcast %max3A_1002 : f32 to vector<16xf32>
        %max3A_1004 = arith.maximumf %add3A_1001, %max3A_1003 : vector<16xf32>
        %get3A_1005 = arith.index_cast %add3A_923 : i32 to index
        %get3A_1006 = arith.constant 4 : index
        %get3A_1007 = tpu.vector_load %arg12[%get3A_1005, %get3A_1006] {strides = array<i32>} : memref<192x24xf32, #tpu.memory_space<vmem>>, vector<16xf32>,
        %mul3A_1008 = vector.broadcast %scan3A_370 : f32 to vector<16xf32>
        %mul3A_1009 = arith.mulf %mul3A_1008, %add3A_995 : vector<16xf32>
        %add3A_1010 = arith.addf %get3A_1007, %mul3A_1009 : vector<16xf32>
        %max3A_1011 = arith.constant 0.000000e+00 : f32
        %max3A_1012 = vector.broadcast %max3A_1011 : f32 to vector<16xf32>
        %max3A_1013 = arith.maximumf %add3A_1010, %max3A_1012 : vector<16xf32>
        %add3A_1014 = arith.addf %add3A_910, %max3A_1004 : vector<16xf32>
        %add3A_1015 = arith.addf %add3A_911, %max3A_1013 : vector<16xf32>
        %get3A_1016 = arith.index_cast %add3A_923 : i32 to index
        %get3A_1017 = arith.constant 0 : index
        %get3A_1018 = tpu.vector_load %arg13[%get3A_1016, %get3A_1017] {strides = array<i32>} : memref<192x24xf32, #tpu.memory_space<vmem>>, vector<16xf32>,
        %add3A_1019 = arith.addf %add3A_915, %get3A_1018 : vector<16xf32>
        %get3A_1020 = arith.index_cast %add3A_923 : i32 to index
        %get3A_1021 = arith.constant 4 : index
        %get3A_1022 = tpu.vector_load %arg13[%get3A_1020, %get3A_1021] {strides = array<i32>} : memref<192x24xf32, #tpu.memory_space<vmem>>, vector<16xf32>,
        %add3A_1023 = arith.addf %add3A_919, %get3A_1022 : vector<16xf32>
        %mul3A_1024 = arith.constant 6 : i32
        %mul3A_1025 = arith.muli %add3A_504, %mul3A_1024 : i32
        %add3A_1026 = arith.constant 5 : i32
        %add3A_1027 = arith.addi %mul3A_1025, %add3A_1026 : i32
        %mul3A_1028 = arith.constant 6 : i32
        %mul3A_1029 = arith.muli %add3A_1027, %mul3A_1028 : i32
        %add3A_1030 = arith.constant 0 : i32
        %add3A_1031 = arith.addi %mul3A_1029, %add3A_1030 : i32
        %get3A_1032 = arith.index_cast %add3A_1031 : i32 to index
        %get3A_1033 = arith.constant 0 : index
        %get3A_1034 = tpu.vector_load %arg14[%get3A_1032, %get3A_1033] {strides = array<i32>} : memref<1152x24xf32, #tpu.memory_space<vmem>>, vector<16xf32>,
        %add3A_1035 = arith.addf %broadcast_in_dim3A_505, %get3A_1034 : vector<16xf32>
        %get3A_1036 = arith.index_cast %add3A_1031 : i32 to index
        %get3A_1037 = arith.constant 4 : index
        %get3A_1038 = tpu.vector_load %arg14[%get3A_1036, %get3A_1037] {strides = array<i32>} : memref<1152x24xf32, #tpu.memory_space<vmem>>, vector<16xf32>,
        %add3A_1039 = arith.addf %broadcast_in_dim3A_505, %get3A_1038 : vector<16xf32>
        %mul3A_1040 = arith.constant 6 : i32
        %mul3A_1041 = arith.muli %add3A_1027, %mul3A_1040 : i32
        %add3A_1042 = arith.constant 1 : i32
        %add3A_1043 = arith.addi %mul3A_1041, %add3A_1042 : i32
        %get3A_1044 = arith.index_cast %add3A_1043 : i32 to index
        %get3A_1045 = arith.constant 0 : index
        %get3A_1046 = tpu.vector_load %arg14[%get3A_1044, %get3A_1045] {strides = array<i32>} : memref<1152x24xf32, #tpu.memory_space<vmem>>, vector<16xf32>,
        %add3A_1047 = arith.addf %add3A_1035, %get3A_1046 : vector<16xf32>
        %get3A_1048 = arith.index_cast %add3A_1043 : i32 to index
        %get3A_1049 = arith.constant 4 : index
        %get3A_1050 = tpu.vector_load %arg14[%get3A_1048, %get3A_1049] {strides = array<i32>} : memref<1152x24xf32, #tpu.memory_space<vmem>>, vector<16xf32>,
        %add3A_1051 = arith.addf %add3A_1039, %get3A_1050 : vector<16xf32>
        %mul3A_1052 = arith.constant 6 : i32
        %mul3A_1053 = arith.muli %add3A_1027, %mul3A_1052 : i32
        %add3A_1054 = arith.constant 2 : i32
        %add3A_1055 = arith.addi %mul3A_1053, %add3A_1054 : i32
        %get3A_1056 = arith.index_cast %add3A_1055 : i32 to index
        %get3A_1057 = arith.constant 0 : index
        %get3A_1058 = tpu.vector_load %arg14[%get3A_1056, %get3A_1057] {strides = array<i32>} : memref<1152x24xf32, #tpu.memory_space<vmem>>, vector<16xf32>,
        %add3A_1059 = arith.addf %add3A_1047, %get3A_1058 : vector<16xf32>
        %get3A_1060 = arith.index_cast %add3A_1055 : i32 to index
        %get3A_1061 = arith.constant 4 : index
        %get3A_1062 = tpu.vector_load %arg14[%get3A_1060, %get3A_1061] {strides = array<i32>} : memref<1152x24xf32, #tpu.memory_space<vmem>>, vector<16xf32>,
        %add3A_1063 = arith.addf %add3A_1051, %get3A_1062 : vector<16xf32>
        %mul3A_1064 = arith.constant 6 : i32
        %mul3A_1065 = arith.muli %add3A_1027, %mul3A_1064 : i32
        %add3A_1066 = arith.constant 3 : i32
        %add3A_1067 = arith.addi %mul3A_1065, %add3A_1066 : i32
        %get3A_1068 = arith.index_cast %add3A_1067 : i32 to index
        %get3A_1069 = arith.constant 0 : index
        %get3A_1070 = tpu.vector_load %arg14[%get3A_1068, %get3A_1069] {strides = array<i32>} : memref<1152x24xf32, #tpu.memory_space<vmem>>, vector<16xf32>,
        %add3A_1071 = arith.addf %add3A_1059, %get3A_1070 : vector<16xf32>
        %get3A_1072 = arith.index_cast %add3A_1067 : i32 to index
        %get3A_1073 = arith.constant 4 : index
        %get3A_1074 = tpu.vector_load %arg14[%get3A_1072, %get3A_1073] {strides = array<i32>} : memref<1152x24xf32, #tpu.memory_space<vmem>>, vector<16xf32>,
        %add3A_1075 = arith.addf %add3A_1063, %get3A_1074 : vector<16xf32>
        %mul3A_1076 = arith.constant 6 : i32
        %mul3A_1077 = arith.muli %add3A_1027, %mul3A_1076 : i32
        %add3A_1078 = arith.constant 4 : i32
        %add3A_1079 = arith.addi %mul3A_1077, %add3A_1078 : i32
        %get3A_1080 = arith.index_cast %add3A_1079 : i32 to index
        %get3A_1081 = arith.constant 0 : index
        %get3A_1082 = tpu.vector_load %arg14[%get3A_1080, %get3A_1081] {strides = array<i32>} : memref<1152x24xf32, #tpu.memory_space<vmem>>, vector<16xf32>,
        %add3A_1083 = arith.addf %add3A_1071, %get3A_1082 : vector<16xf32>
        %get3A_1084 = arith.index_cast %add3A_1079 : i32 to index
        %get3A_1085 = arith.constant 4 : index
        %get3A_1086 = tpu.vector_load %arg14[%get3A_1084, %get3A_1085] {strides = array<i32>} : memref<1152x24xf32, #tpu.memory_space<vmem>>, vector<16xf32>,
        %add3A_1087 = arith.addf %add3A_1075, %get3A_1086 : vector<16xf32>
        %mul3A_1088 = arith.constant 6 : i32
        %mul3A_1089 = arith.muli %add3A_1027, %mul3A_1088 : i32
        %add3A_1090 = arith.constant 5 : i32
        %add3A_1091 = arith.addi %mul3A_1089, %add3A_1090 : i32
        %get3A_1092 = arith.index_cast %add3A_1091 : i32 to index
        %get3A_1093 = arith.constant 0 : index
        %get3A_1094 = tpu.vector_load %arg14[%get3A_1092, %get3A_1093] {strides = array<i32>} : memref<1152x24xf32, #tpu.memory_space<vmem>>, vector<16xf32>,
        %add3A_1095 = arith.addf %add3A_1083, %get3A_1094 : vector<16xf32>
        %get3A_1096 = arith.index_cast %add3A_1091 : i32 to index
        %get3A_1097 = arith.constant 4 : index
        %get3A_1098 = tpu.vector_load %arg14[%get3A_1096, %get3A_1097] {strides = array<i32>} : memref<1152x24xf32, #tpu.memory_space<vmem>>, vector<16xf32>,
        %add3A_1099 = arith.addf %add3A_1087, %get3A_1098 : vector<16xf32>
        %get3A_1100 = arith.index_cast %add3A_1027 : i32 to index
        %get3A_1101 = arith.constant 0 : index
        %get3A_1102 = tpu.vector_load %arg12[%get3A_1100, %get3A_1101] {strides = array<i32>} : memref<192x24xf32, #tpu.memory_space<vmem>>, vector<16xf32>,
        %mul3A_1103 = vector.broadcast %scan3A_370 : f32 to vector<16xf32>
        %mul3A_1104 = arith.mulf %mul3A_1103, %add3A_1095 : vector<16xf32>
        %add3A_1105 = arith.addf %get3A_1102, %mul3A_1104 : vector<16xf32>
        %max3A_1106 = arith.constant 0.000000e+00 : f32
        %max3A_1107 = vector.broadcast %max3A_1106 : f32 to vector<16xf32>
        %max3A_1108 = arith.maximumf %add3A_1105, %max3A_1107 : vector<16xf32>
        %get3A_1109 = arith.index_cast %add3A_1027 : i32 to index
        %get3A_1110 = arith.constant 4 : index
        %get3A_1111 = tpu.vector_load %arg12[%get3A_1109, %get3A_1110] {strides = array<i32>} : memref<192x24xf32, #tpu.memory_space<vmem>>, vector<16xf32>,
        %mul3A_1112 = vector.broadcast %scan3A_370 : f32 to vector<16xf32>
        %mul3A_1113 = arith.mulf %mul3A_1112, %add3A_1099 : vector<16xf32>
        %add3A_1114 = arith.addf %get3A_1111, %mul3A_1113 : vector<16xf32>
        %max3A_1115 = arith.constant 0.000000e+00 : f32
        %max3A_1116 = vector.broadcast %max3A_1115 : f32 to vector<16xf32>
        %max3A_1117 = arith.maximumf %add3A_1114, %max3A_1116 : vector<16xf32>
        %add3A_1118 = arith.addf %add3A_1014, %max3A_1108 : vector<16xf32>
        %add3A_1119 = arith.addf %add3A_1015, %max3A_1117 : vector<16xf32>
        %get3A_1120 = arith.index_cast %add3A_1027 : i32 to index
        %get3A_1121 = arith.constant 0 : index
        %get3A_1122 = tpu.vector_load %arg13[%get3A_1120, %get3A_1121] {strides = array<i32>} : memref<192x24xf32, #tpu.memory_space<vmem>>, vector<16xf32>,
        %add3A_1123 = arith.addf %add3A_1019, %get3A_1122 : vector<16xf32>
        %get3A_1124 = arith.index_cast %add3A_1027 : i32 to index
        %get3A_1125 = arith.constant 4 : index
        %get3A_1126 = tpu.vector_load %arg13[%get3A_1124, %get3A_1125] {strides = array<i32>} : memref<192x24xf32, #tpu.memory_space<vmem>>, vector<16xf32>,
        %add3A_1127 = arith.addf %add3A_1023, %get3A_1126 : vector<16xf32>
        %get3A_1128 = arith.index_cast %add3A_504 : i32 to index
        %get3A_1129 = arith.constant 0 : index
        %get3A_1130 = tpu.vector_load %arg11[%get3A_1128, %get3A_1129] {strides = array<i32>} : memref<32x24xf32, #tpu.memory_space<vmem>>, vector<16xf32>,
        %mul3A_1131 = vector.broadcast %scan3A_370 : f32 to vector<16xf32>
        %mul3A_1132 = arith.mulf %mul3A_1131, %add3A_1123 : vector<16xf32>
        %add3A_1133 = arith.addf %get3A_1130, %mul3A_1132 : vector<16xf32>
        %max3A_1134 = arith.constant 0.000000e+00 : f32
        %max3A_1135 = vector.broadcast %max3A_1134 : f32 to vector<16xf32>
        %max3A_1136 = arith.maximumf %add3A_1133, %max3A_1135 : vector<16xf32>
        %get3A_1137 = arith.index_cast %add3A_504 : i32 to index
        %get3A_1138 = arith.constant 4 : index
        %get3A_1139 = tpu.vector_load %arg11[%get3A_1137, %get3A_1138] {strides = array<i32>} : memref<32x24xf32, #tpu.memory_space<vmem>>, vector<16xf32>,
        %mul3A_1140 = vector.broadcast %scan3A_370 : f32 to vector<16xf32>
        %mul3A_1141 = arith.mulf %mul3A_1140, %add3A_1127 : vector<16xf32>
        %add3A_1142 = arith.addf %get3A_1139, %mul3A_1141 : vector<16xf32>
        %max3A_1143 = arith.constant 0.000000e+00 : f32
        %max3A_1144 = vector.broadcast %max3A_1143 : f32 to vector<16xf32>
        %max3A_1145 = arith.maximumf %add3A_1142, %max3A_1144 : vector<16xf32>
        %swap3A = arith.index_cast %add3A_504 : i32 to index
        %swap3A_1146 = arith.constant 0 : index
        %swap3A_1147 = tpu.vector_load %arg19[%swap3A, %swap3A_1146] {strides = array<i32>} : memref<32x128xf32, #tpu.memory_space<vmem>>, vector<16xf32>,
        tpu.vector_store %arg19[%swap3A, %swap3A_1146], %max3A_1136 {strides = array<i32>} : memref<32x128xf32, #tpu.memory_space<vmem>>, vector<16xf32>,
        %swap3A_1148 = arith.index_cast %add3A_504 : i32 to index
        %swap3A_1149 = arith.constant 4 : index
        %swap3A_1150 = tpu.vector_load %arg19[%swap3A_1148, %swap3A_1149] {strides = array<i32>} : memref<32x128xf32, #tpu.memory_space<vmem>>, vector<16xf32>,
        tpu.vector_store %arg19[%swap3A_1148, %swap3A_1149], %max3A_1145 {strides = array<i32>} : memref<32x128xf32, #tpu.memory_space<vmem>>, vector<16xf32>,
        %mul3A_1151 = vector.broadcast %scan3A_370 : f32 to vector<16xf32>
        %mul3A_1152 = arith.mulf %mul3A_1151, %add3A_1118 : vector<16xf32>
        %swap3A_1153 = arith.index_cast %add3A_504 : i32 to index
        %swap3A_1154 = arith.constant 20 : index
        %swap3A_1155 = tpu.vector_load %arg19[%swap3A_1153, %swap3A_1154] {strides = array<i32>} : memref<32x128xf32, #tpu.memory_space<vmem>>, vector<16xf32>,
        tpu.vector_store %arg19[%swap3A_1153, %swap3A_1154], %mul3A_1152 {strides = array<i32>} : memref<32x128xf32, #tpu.memory_space<vmem>>, vector<16xf32>,
        %mul3A_1156 = vector.broadcast %scan3A_370 : f32 to vector<16xf32>
        %mul3A_1157 = arith.mulf %mul3A_1156, %add3A_1119 : vector<16xf32>
        %swap3A_1158 = arith.index_cast %add3A_504 : i32 to index
        %swap3A_1159 = arith.constant 24 : index
        %swap3A_1160 = tpu.vector_load %arg19[%swap3A_1158, %swap3A_1159] {strides = array<i32>} : memref<32x128xf32, #tpu.memory_space<vmem>>, vector<16xf32>,
        tpu.vector_store %arg19[%swap3A_1158, %swap3A_1159], %mul3A_1157 {strides = array<i32>} : memref<32x128xf32, #tpu.memory_space<vmem>>, vector<16xf32>,
      }
      %scan3A_375 = arith.constant 32 : i32
      "tpu.region"() ({
        %run_scoped3A = tpu.sem_alloc : memref<!tpu.dma_semaphore, #tpu.memory_space<semaphore_mem>>
        %dma_start3A_500 = arith.constant 0 : i32
        %dma_start3A_501 = tpu.memref_slice %arg7[%add3A_369, %dma_start3A_500] : memref<16384x128xf32, #tpu.memory_space<hbm>> -> memref<32x128xf32, #tpu.memory_space<hbm>>
        %dma_start3A_502 = arith.constant 0 : i32
        %dma_start3A_503 = tpu.memref_slice %arg7[%add3A_369, %dma_start3A_502] : memref<16384x128xf32, #tpu.memory_space<hbm>> -> memref<32x128xf32, #tpu.memory_space<hbm>>
        tpu.enqueue_dma source(%arg19 : memref<32x128xf32, #tpu.memory_space<vmem>>) target(%dma_start3A_503 : memref<32x128xf32, #tpu.memory_space<hbm>>) target_semaphore(%run_scoped3A : memref<!tpu.dma_semaphore, #tpu.memory_space<semaphore_mem>>)
        %dma_wait3A_504 = arith.constant 0 : i32
        %dma_wait3A_505 = tpu.memref_slice %arg7[%add3A_369, %dma_wait3A_504] : memref<16384x128xf32, #tpu.memory_space<hbm>> -> memref<32x128xf32, #tpu.memory_space<hbm>>
        %dma_wait3A_506 = arith.constant 0 : i32
        %dma_wait3A_507 = tpu.memref_slice %arg7[%add3A_369, %dma_wait3A_506] : memref<16384x128xf32, #tpu.memory_space<hbm>> -> memref<32x128xf32, #tpu.memory_space<hbm>>
        tpu.wait_dma2 semaphore(%run_scoped3A : memref<!tpu.dma_semaphore, #tpu.memory_space<semaphore_mem>>) src(%arg19 : memref<32x128xf32, #tpu.memory_space<vmem>>) dst(%dma_wait3A_507 : memref<32x128xf32, #tpu.memory_space<hbm>>)
        tpu.yield
      }) : () -> ()
      %add3A_376 = arith.constant 1 : i32
      %add3A_377 = arith.addi %add3A_125, %add3A_376 : i32
      %lt3A = arith.constant 8 : i32
      %lt3A_378 = arith.cmpi slt, %add3A_377, %lt3A : i32
      %convert_element_type3A = arith.extui %lt3A_378 : i1 to i32
      %cond3A = arith.constant 0 : i32
      %cond3A_379 = arith.cmpi ne, %convert_element_type3A, %cond3A : i32
      scf.if %cond3A_379 {
        %add3A_500 = arith.constant 2 : i32
        %add3A_501 = arith.addi %mul3A_127, %add3A_500 : i32
        %mul3A_502 = arith.constant 32 : i32
        %mul3A_503 = arith.muli %add3A_501, %mul3A_502 : i32
        %dma_start3A_504 = tpu.memref_slice %arg8[%mul3A_503] : memref<512xi32, #tpu.memory_space<vmem>> -> memref<32xi32, #tpu.memory_space<vmem>>
        %dma_start3A_505 = arith.constant 0 : i32
        %dma_start3A_506 = arith.constant 0 : i32
        %dma_start3A_507 = tpu.memref_slice %arg2[%dma_start3A_505, %dma_start3A_506] : memref<100000x24xf32, #tpu.memory_space<hbm>> -> memref<100000x24xf32, #tpu.memory_space<hbm>>
        tpu.enqueue_indirect_dma source(%dma_start3A_507 : memref<100000x24xf32, #tpu.memory_space<hbm>>) target(%arg11 : memref<32x24xf32, #tpu.memory_space<vmem>>) offsets(%dma_start3A_504 : memref<32xi32, #tpu.memory_space<vmem>>) semaphore(%arg20 : memref<!tpu.dma_semaphore, #tpu.memory_space<semaphore_mem>>)
        %mul3A_508 = arith.constant 32 : i32
        %mul3A_509 = arith.muli %add3A_501, %mul3A_508 : i32
        %mul3A_510 = arith.constant 6 : i32
        %mul3A_511 = arith.muli %mul3A_509, %mul3A_510 : i32
        %dma_start3A_512 = arith.constant 0 : i32
        %dma_start3A_513 = arith.constant 0 : i32
        %dma_start3A_514 = tpu.memref_slice %arg12[%dma_start3A_512, %dma_start3A_513] : memref<192x24xf32, #tpu.memory_space<vmem>> -> memref<128x24xf32, #tpu.memory_space<vmem>>
        %dma_start3A_515 = tpu.memref_slice %arg9[%mul3A_511] : memref<3072xi32, #tpu.memory_space<vmem>> -> memref<128xi32, #tpu.memory_space<vmem>>
        %dma_start3A_516 = arith.constant 0 : i32
        %dma_start3A_517 = arith.constant 0 : i32
        %dma_start3A_518 = tpu.memref_slice %arg2[%dma_start3A_516, %dma_start3A_517] : memref<100000x24xf32, #tpu.memory_space<hbm>> -> memref<100000x24xf32, #tpu.memory_space<hbm>>
        tpu.enqueue_indirect_dma source(%dma_start3A_518 : memref<100000x24xf32, #tpu.memory_space<hbm>>) target(%dma_start3A_514 : memref<128x24xf32, #tpu.memory_space<vmem>>) offsets(%dma_start3A_515 : memref<128xi32, #tpu.memory_space<vmem>>) semaphore(%arg20 : memref<!tpu.dma_semaphore, #tpu.memory_space<semaphore_mem>>)
        %add3A_519 = arith.constant 128 : i32
        %add3A_520 = arith.addi %mul3A_511, %add3A_519 : i32
        %dma_start3A_521 = arith.constant 128 : i32
        %dma_start3A_522 = arith.constant 0 : i32
        %dma_start3A_523 = tpu.memref_slice %arg12[%dma_start3A_521, %dma_start3A_522] : memref<192x24xf32, #tpu.memory_space<vmem>> -> memref<64x24xf32, #tpu.memory_space<vmem>>
        %dma_start3A_524 = tpu.memref_slice %arg9[%add3A_520] : memref<3072xi32, #tpu.memory_space<vmem>> -> memref<64xi32, #tpu.memory_space<vmem>>
        %dma_start3A_525 = arith.constant 0 : i32
        %dma_start3A_526 = arith.constant 0 : i32
        %dma_start3A_527 = tpu.memref_slice %arg2[%dma_start3A_525, %dma_start3A_526] : memref<100000x24xf32, #tpu.memory_space<hbm>> -> memref<100000x24xf32, #tpu.memory_space<hbm>>
        tpu.enqueue_indirect_dma source(%dma_start3A_527 : memref<100000x24xf32, #tpu.memory_space<hbm>>) target(%dma_start3A_523 : memref<64x24xf32, #tpu.memory_space<vmem>>) offsets(%dma_start3A_524 : memref<64xi32, #tpu.memory_space<vmem>>) semaphore(%arg20 : memref<!tpu.dma_semaphore, #tpu.memory_space<semaphore_mem>>)
        %dma_start3A_528 = arith.constant 0 : i32
        %dma_start3A_529 = arith.constant 0 : i32
        %dma_start3A_530 = tpu.memref_slice %arg13[%dma_start3A_528, %dma_start3A_529] : memref<192x24xf32, #tpu.memory_space<vmem>> -> memref<128x24xf32, #tpu.memory_space<vmem>>
        %dma_start3A_531 = tpu.memref_slice %arg9[%mul3A_511] : memref<3072xi32, #tpu.memory_space<vmem>> -> memref<128xi32, #tpu.memory_space<vmem>>
        %dma_start3A_532 = arith.constant 0 : i32
        %dma_start3A_533 = arith.constant 0 : i32
        %dma_start3A_534 = tpu.memref_slice %arg3[%dma_start3A_532, %dma_start3A_533] : memref<100000x24xf32, #tpu.memory_space<hbm>> -> memref<100000x24xf32, #tpu.memory_space<hbm>>
        tpu.enqueue_indirect_dma source(%dma_start3A_534 : memref<100000x24xf32, #tpu.memory_space<hbm>>) target(%dma_start3A_530 : memref<128x24xf32, #tpu.memory_space<vmem>>) offsets(%dma_start3A_531 : memref<128xi32, #tpu.memory_space<vmem>>) semaphore(%arg20 : memref<!tpu.dma_semaphore, #tpu.memory_space<semaphore_mem>>)
        %add3A_535 = arith.constant 128 : i32
        %add3A_536 = arith.addi %mul3A_511, %add3A_535 : i32
        %dma_start3A_537 = arith.constant 128 : i32
        %dma_start3A_538 = arith.constant 0 : i32
        %dma_start3A_539 = tpu.memref_slice %arg13[%dma_start3A_537, %dma_start3A_538] : memref<192x24xf32, #tpu.memory_space<vmem>> -> memref<64x24xf32, #tpu.memory_space<vmem>>
        %dma_start3A_540 = tpu.memref_slice %arg9[%add3A_536] : memref<3072xi32, #tpu.memory_space<vmem>> -> memref<64xi32, #tpu.memory_space<vmem>>
        %dma_start3A_541 = arith.constant 0 : i32
        %dma_start3A_542 = arith.constant 0 : i32
        %dma_start3A_543 = tpu.memref_slice %arg3[%dma_start3A_541, %dma_start3A_542] : memref<100000x24xf32, #tpu.memory_space<hbm>> -> memref<100000x24xf32, #tpu.memory_space<hbm>>
        tpu.enqueue_indirect_dma source(%dma_start3A_543 : memref<100000x24xf32, #tpu.memory_space<hbm>>) target(%dma_start3A_539 : memref<64x24xf32, #tpu.memory_space<vmem>>) offsets(%dma_start3A_540 : memref<64xi32, #tpu.memory_space<vmem>>) semaphore(%arg20 : memref<!tpu.dma_semaphore, #tpu.memory_space<semaphore_mem>>)
        %mul3A_544 = arith.constant 32 : i32
        %mul3A_545 = arith.muli %add3A_501, %mul3A_544 : i32
        %mul3A_546 = arith.constant 6 : i32
        %mul3A_547 = arith.muli %mul3A_545, %mul3A_546 : i32
        %mul3A_548 = arith.constant 6 : i32
        %mul3A_549 = arith.muli %mul3A_547, %mul3A_548 : i32
        %add3A_550 = arith.constant 0 : i32
        %add3A_551 = arith.addi %mul3A_549, %add3A_550 : i32
        %dma_start3A_552 = arith.constant 0 : i32
        %dma_start3A_553 = arith.constant 0 : i32
        %dma_start3A_554 = tpu.memref_slice %arg14[%dma_start3A_552, %dma_start3A_553] : memref<1152x24xf32, #tpu.memory_space<vmem>> -> memref<128x24xf32, #tpu.memory_space<vmem>>
        %dma_start3A_555 = tpu.memref_slice %arg10[%add3A_551] : memref<18432xi32, #tpu.memory_space<vmem>> -> memref<128xi32, #tpu.memory_space<vmem>>
        %dma_start3A_556 = arith.constant 0 : i32
        %dma_start3A_557 = arith.constant 0 : i32
        %dma_start3A_558 = tpu.memref_slice %arg3[%dma_start3A_556, %dma_start3A_557] : memref<100000x24xf32, #tpu.memory_space<hbm>> -> memref<100000x24xf32, #tpu.memory_space<hbm>>
        tpu.enqueue_indirect_dma source(%dma_start3A_558 : memref<100000x24xf32, #tpu.memory_space<hbm>>) target(%dma_start3A_554 : memref<128x24xf32, #tpu.memory_space<vmem>>) offsets(%dma_start3A_555 : memref<128xi32, #tpu.memory_space<vmem>>) semaphore(%arg20 : memref<!tpu.dma_semaphore, #tpu.memory_space<semaphore_mem>>)
        %add3A_559 = arith.constant 128 : i32
        %add3A_560 = arith.addi %mul3A_549, %add3A_559 : i32
        %dma_start3A_561 = arith.constant 128 : i32
        %dma_start3A_562 = arith.constant 0 : i32
        %dma_start3A_563 = tpu.memref_slice %arg14[%dma_start3A_561, %dma_start3A_562] : memref<1152x24xf32, #tpu.memory_space<vmem>> -> memref<128x24xf32, #tpu.memory_space<vmem>>
        %dma_start3A_564 = tpu.memref_slice %arg10[%add3A_560] : memref<18432xi32, #tpu.memory_space<vmem>> -> memref<128xi32, #tpu.memory_space<vmem>>
        %dma_start3A_565 = arith.constant 0 : i32
        %dma_start3A_566 = arith.constant 0 : i32
        %dma_start3A_567 = tpu.memref_slice %arg3[%dma_start3A_565, %dma_start3A_566] : memref<100000x24xf32, #tpu.memory_space<hbm>> -> memref<100000x24xf32, #tpu.memory_space<hbm>>
        tpu.enqueue_indirect_dma source(%dma_start3A_567 : memref<100000x24xf32, #tpu.memory_space<hbm>>) target(%dma_start3A_563 : memref<128x24xf32, #tpu.memory_space<vmem>>) offsets(%dma_start3A_564 : memref<128xi32, #tpu.memory_space<vmem>>) semaphore(%arg20 : memref<!tpu.dma_semaphore, #tpu.memory_space<semaphore_mem>>)
        %add3A_568 = arith.constant 256 : i32
        %add3A_569 = arith.addi %mul3A_549, %add3A_568 : i32
        %dma_start3A_570 = arith.constant 256 : i32
        %dma_start3A_571 = arith.constant 0 : i32
        %dma_start3A_572 = tpu.memref_slice %arg14[%dma_start3A_570, %dma_start3A_571] : memref<1152x24xf32, #tpu.memory_space<vmem>> -> memref<128x24xf32, #tpu.memory_space<vmem>>
        %dma_start3A_573 = tpu.memref_slice %arg10[%add3A_569] : memref<18432xi32, #tpu.memory_space<vmem>> -> memref<128xi32, #tpu.memory_space<vmem>>
        %dma_start3A_574 = arith.constant 0 : i32
        %dma_start3A_575 = arith.constant 0 : i32
        %dma_start3A_576 = tpu.memref_slice %arg3[%dma_start3A_574, %dma_start3A_575] : memref<100000x24xf32, #tpu.memory_space<hbm>> -> memref<100000x24xf32, #tpu.memory_space<hbm>>
        tpu.enqueue_indirect_dma source(%dma_start3A_576 : memref<100000x24xf32, #tpu.memory_space<hbm>>) target(%dma_start3A_572 : memref<128x24xf32, #tpu.memory_space<vmem>>) offsets(%dma_start3A_573 : memref<128xi32, #tpu.memory_space<vmem>>) semaphore(%arg20 : memref<!tpu.dma_semaphore, #tpu.memory_space<semaphore_mem>>)
        %add3A_577 = arith.constant 384 : i32
        %add3A_578 = arith.addi %mul3A_549, %add3A_577 : i32
        %dma_start3A_579 = arith.constant 384 : i32
        %dma_start3A_580 = arith.constant 0 : i32
        %dma_start3A_581 = tpu.memref_slice %arg14[%dma_start3A_579, %dma_start3A_580] : memref<1152x24xf32, #tpu.memory_space<vmem>> -> memref<128x24xf32, #tpu.memory_space<vmem>>
        %dma_start3A_582 = tpu.memref_slice %arg10[%add3A_578] : memref<18432xi32, #tpu.memory_space<vmem>> -> memref<128xi32, #tpu.memory_space<vmem>>
        %dma_start3A_583 = arith.constant 0 : i32
        %dma_start3A_584 = arith.constant 0 : i32
        %dma_start3A_585 = tpu.memref_slice %arg3[%dma_start3A_583, %dma_start3A_584] : memref<100000x24xf32, #tpu.memory_space<hbm>> -> memref<100000x24xf32, #tpu.memory_space<hbm>>
        tpu.enqueue_indirect_dma source(%dma_start3A_585 : memref<100000x24xf32, #tpu.memory_space<hbm>>) target(%dma_start3A_581 : memref<128x24xf32, #tpu.memory_space<vmem>>) offsets(%dma_start3A_582 : memref<128xi32, #tpu.memory_space<vmem>>) semaphore(%arg20 : memref<!tpu.dma_semaphore, #tpu.memory_space<semaphore_mem>>)
        %add3A_586 = arith.constant 512 : i32
        %add3A_587 = arith.addi %mul3A_549, %add3A_586 : i32
        %dma_start3A_588 = arith.constant 512 : i32
        %dma_start3A_589 = arith.constant 0 : i32
        %dma_start3A_590 = tpu.memref_slice %arg14[%dma_start3A_588, %dma_start3A_589] : memref<1152x24xf32, #tpu.memory_space<vmem>> -> memref<128x24xf32, #tpu.memory_space<vmem>>
        %dma_start3A_591 = tpu.memref_slice %arg10[%add3A_587] : memref<18432xi32, #tpu.memory_space<vmem>> -> memref<128xi32, #tpu.memory_space<vmem>>
        %dma_start3A_592 = arith.constant 0 : i32
        %dma_start3A_593 = arith.constant 0 : i32
        %dma_start3A_594 = tpu.memref_slice %arg3[%dma_start3A_592, %dma_start3A_593] : memref<100000x24xf32, #tpu.memory_space<hbm>> -> memref<100000x24xf32, #tpu.memory_space<hbm>>
        tpu.enqueue_indirect_dma source(%dma_start3A_594 : memref<100000x24xf32, #tpu.memory_space<hbm>>) target(%dma_start3A_590 : memref<128x24xf32, #tpu.memory_space<vmem>>) offsets(%dma_start3A_591 : memref<128xi32, #tpu.memory_space<vmem>>) semaphore(%arg20 : memref<!tpu.dma_semaphore, #tpu.memory_space<semaphore_mem>>)
        %add3A_595 = arith.constant 640 : i32
        %add3A_596 = arith.addi %mul3A_549, %add3A_595 : i32
        %dma_start3A_597 = arith.constant 640 : i32
        %dma_start3A_598 = arith.constant 0 : i32
        %dma_start3A_599 = tpu.memref_slice %arg14[%dma_start3A_597, %dma_start3A_598] : memref<1152x24xf32, #tpu.memory_space<vmem>> -> memref<128x24xf32, #tpu.memory_space<vmem>>
        %dma_start3A_600 = tpu.memref_slice %arg10[%add3A_596] : memref<18432xi32, #tpu.memory_space<vmem>> -> memref<128xi32, #tpu.memory_space<vmem>>
        %dma_start3A_601 = arith.constant 0 : i32
        %dma_start3A_602 = arith.constant 0 : i32
        %dma_start3A_603 = tpu.memref_slice %arg3[%dma_start3A_601, %dma_start3A_602] : memref<100000x24xf32, #tpu.memory_space<hbm>> -> memref<100000x24xf32, #tpu.memory_space<hbm>>
        tpu.enqueue_indirect_dma source(%dma_start3A_603 : memref<100000x24xf32, #tpu.memory_space<hbm>>) target(%dma_start3A_599 : memref<128x24xf32, #tpu.memory_space<vmem>>) offsets(%dma_start3A_600 : memref<128xi32, #tpu.memory_space<vmem>>) semaphore(%arg20 : memref<!tpu.dma_semaphore, #tpu.memory_space<semaphore_mem>>)
        %add3A_604 = arith.constant 768 : i32
        %add3A_605 = arith.addi %mul3A_549, %add3A_604 : i32
        %dma_start3A_606 = arith.constant 768 : i32
        %dma_start3A_607 = arith.constant 0 : i32
        %dma_start3A_608 = tpu.memref_slice %arg14[%dma_start3A_606, %dma_start3A_607] : memref<1152x24xf32, #tpu.memory_space<vmem>> -> memref<128x24xf32, #tpu.memory_space<vmem>>
        %dma_start3A_609 = tpu.memref_slice %arg10[%add3A_605] : memref<18432xi32, #tpu.memory_space<vmem>> -> memref<128xi32, #tpu.memory_space<vmem>>
        %dma_start3A_610 = arith.constant 0 : i32
        %dma_start3A_611 = arith.constant 0 : i32
        %dma_start3A_612 = tpu.memref_slice %arg3[%dma_start3A_610, %dma_start3A_611] : memref<100000x24xf32, #tpu.memory_space<hbm>> -> memref<100000x24xf32, #tpu.memory_space<hbm>>
        tpu.enqueue_indirect_dma source(%dma_start3A_612 : memref<100000x24xf32, #tpu.memory_space<hbm>>) target(%dma_start3A_608 : memref<128x24xf32, #tpu.memory_space<vmem>>) offsets(%dma_start3A_609 : memref<128xi32, #tpu.memory_space<vmem>>) semaphore(%arg20 : memref<!tpu.dma_semaphore, #tpu.memory_space<semaphore_mem>>)
        %add3A_613 = arith.constant 896 : i32
        %add3A_614 = arith.addi %mul3A_549, %add3A_613 : i32
        %dma_start3A_615 = arith.constant 896 : i32
        %dma_start3A_616 = arith.constant 0 : i32
        %dma_start3A_617 = tpu.memref_slice %arg14[%dma_start3A_615, %dma_start3A_616] : memref<1152x24xf32, #tpu.memory_space<vmem>> -> memref<128x24xf32, #tpu.memory_space<vmem>>
        %dma_start3A_618 = tpu.memref_slice %arg10[%add3A_614] : memref<18432xi32, #tpu.memory_space<vmem>> -> memref<128xi32, #tpu.memory_space<vmem>>
        %dma_start3A_619 = arith.constant 0 : i32
        %dma_start3A_620 = arith.constant 0 : i32
        %dma_start3A_621 = tpu.memref_slice %arg3[%dma_start3A_619, %dma_start3A_620] : memref<100000x24xf32, #tpu.memory_space<hbm>> -> memref<100000x24xf32, #tpu.memory_space<hbm>>
        tpu.enqueue_indirect_dma source(%dma_start3A_621 : memref<100000x24xf32, #tpu.memory_space<hbm>>) target(%dma_start3A_617 : memref<128x24xf32, #tpu.memory_space<vmem>>) offsets(%dma_start3A_618 : memref<128xi32, #tpu.memory_space<vmem>>) semaphore(%arg20 : memref<!tpu.dma_semaphore, #tpu.memory_space<semaphore_mem>>)
        %add3A_622 = arith.constant 1024 : i32
        %add3A_623 = arith.addi %mul3A_549, %add3A_622 : i32
        %dma_start3A_624 = arith.constant 1024 : i32
        %dma_start3A_625 = arith.constant 0 : i32
        %dma_start3A_626 = tpu.memref_slice %arg14[%dma_start3A_624, %dma_start3A_625] : memref<1152x24xf32, #tpu.memory_space<vmem>> -> memref<128x24xf32, #tpu.memory_space<vmem>>
        %dma_start3A_627 = tpu.memref_slice %arg10[%add3A_623] : memref<18432xi32, #tpu.memory_space<vmem>> -> memref<128xi32, #tpu.memory_space<vmem>>
        %dma_start3A_628 = arith.constant 0 : i32
        %dma_start3A_629 = arith.constant 0 : i32
        %dma_start3A_630 = tpu.memref_slice %arg3[%dma_start3A_628, %dma_start3A_629] : memref<100000x24xf32, #tpu.memory_space<hbm>> -> memref<100000x24xf32, #tpu.memory_space<hbm>>
        tpu.enqueue_indirect_dma source(%dma_start3A_630 : memref<100000x24xf32, #tpu.memory_space<hbm>>) target(%dma_start3A_626 : memref<128x24xf32, #tpu.memory_space<vmem>>) offsets(%dma_start3A_627 : memref<128xi32, #tpu.memory_space<vmem>>) semaphore(%arg20 : memref<!tpu.dma_semaphore, #tpu.memory_space<semaphore_mem>>)
      } else {
      }
      %dma_wait3A_380 = arith.constant 0 : i32
      %dma_wait3A_381 = tpu.memref_slice %arg8[%dma_wait3A_380] : memref<512xi32, #tpu.memory_space<vmem>> -> memref<32xi32, #tpu.memory_space<vmem>>
      %dma_wait3A_382 = arith.constant 0 : i32
      %dma_wait3A_383 = arith.constant 0 : i32
      %dma_wait3A_384 = tpu.memref_slice %arg2[%dma_wait3A_382, %dma_wait3A_383] : memref<100000x24xf32, #tpu.memory_space<hbm>> -> memref<100000x24xf32, #tpu.memory_space<hbm>>
      tpu.wait_indirect_dma semaphore(%arg21 : memref<!tpu.dma_semaphore, #tpu.memory_space<semaphore_mem>>) src(%dma_wait3A_384 : memref<100000x24xf32, #tpu.memory_space<hbm>>) dst(%arg15 : memref<32x24xf32, #tpu.memory_space<vmem>>)
      %dma_wait3A_385 = arith.constant 0 : i32
      %dma_wait3A_386 = arith.constant 0 : i32
      %dma_wait3A_387 = tpu.memref_slice %arg16[%dma_wait3A_385, %dma_wait3A_386] : memref<192x24xf32, #tpu.memory_space<vmem>> -> memref<128x24xf32, #tpu.memory_space<vmem>>
      %dma_wait3A_388 = arith.constant 0 : i32
      %dma_wait3A_389 = tpu.memref_slice %arg9[%dma_wait3A_388] : memref<3072xi32, #tpu.memory_space<vmem>> -> memref<128xi32, #tpu.memory_space<vmem>>
      %dma_wait3A_390 = arith.constant 0 : i32
      %dma_wait3A_391 = arith.constant 0 : i32
      %dma_wait3A_392 = tpu.memref_slice %arg2[%dma_wait3A_390, %dma_wait3A_391] : memref<100000x24xf32, #tpu.memory_space<hbm>> -> memref<100000x24xf32, #tpu.memory_space<hbm>>
      tpu.wait_indirect_dma semaphore(%arg21 : memref<!tpu.dma_semaphore, #tpu.memory_space<semaphore_mem>>) src(%dma_wait3A_392 : memref<100000x24xf32, #tpu.memory_space<hbm>>) dst(%dma_wait3A_387 : memref<128x24xf32, #tpu.memory_space<vmem>>)
      %dma_wait3A_393 = arith.constant 128 : i32
      %dma_wait3A_394 = arith.constant 0 : i32
      %dma_wait3A_395 = tpu.memref_slice %arg16[%dma_wait3A_393, %dma_wait3A_394] : memref<192x24xf32, #tpu.memory_space<vmem>> -> memref<64x24xf32, #tpu.memory_space<vmem>>
      %dma_wait3A_396 = arith.constant 0 : i32
      %dma_wait3A_397 = tpu.memref_slice %arg9[%dma_wait3A_396] : memref<3072xi32, #tpu.memory_space<vmem>> -> memref<64xi32, #tpu.memory_space<vmem>>
      %dma_wait3A_398 = arith.constant 0 : i32
      %dma_wait3A_399 = arith.constant 0 : i32
      %dma_wait3A_400 = tpu.memref_slice %arg2[%dma_wait3A_398, %dma_wait3A_399] : memref<100000x24xf32, #tpu.memory_space<hbm>> -> memref<100000x24xf32, #tpu.memory_space<hbm>>
      tpu.wait_indirect_dma semaphore(%arg21 : memref<!tpu.dma_semaphore, #tpu.memory_space<semaphore_mem>>) src(%dma_wait3A_400 : memref<100000x24xf32, #tpu.memory_space<hbm>>) dst(%dma_wait3A_395 : memref<64x24xf32, #tpu.memory_space<vmem>>)
      %dma_wait3A_401 = arith.constant 0 : i32
      %dma_wait3A_402 = arith.constant 0 : i32
      %dma_wait3A_403 = tpu.memref_slice %arg17[%dma_wait3A_401, %dma_wait3A_402] : memref<192x24xf32, #tpu.memory_space<vmem>> -> memref<128x24xf32, #tpu.memory_space<vmem>>
      %dma_wait3A_404 = arith.constant 0 : i32
      %dma_wait3A_405 = tpu.memref_slice %arg9[%dma_wait3A_404] : memref<3072xi32, #tpu.memory_space<vmem>> -> memref<128xi32, #tpu.memory_space<vmem>>
      %dma_wait3A_406 = arith.constant 0 : i32
      %dma_wait3A_407 = arith.constant 0 : i32
      %dma_wait3A_408 = tpu.memref_slice %arg3[%dma_wait3A_406, %dma_wait3A_407] : memref<100000x24xf32, #tpu.memory_space<hbm>> -> memref<100000x24xf32, #tpu.memory_space<hbm>>
      tpu.wait_indirect_dma semaphore(%arg21 : memref<!tpu.dma_semaphore, #tpu.memory_space<semaphore_mem>>) src(%dma_wait3A_408 : memref<100000x24xf32, #tpu.memory_space<hbm>>) dst(%dma_wait3A_403 : memref<128x24xf32, #tpu.memory_space<vmem>>)
      %dma_wait3A_409 = arith.constant 128 : i32
      %dma_wait3A_410 = arith.constant 0 : i32
      %dma_wait3A_411 = tpu.memref_slice %arg17[%dma_wait3A_409, %dma_wait3A_410] : memref<192x24xf32, #tpu.memory_space<vmem>> -> memref<64x24xf32, #tpu.memory_space<vmem>>
      %dma_wait3A_412 = arith.constant 0 : i32
      %dma_wait3A_413 = tpu.memref_slice %arg9[%dma_wait3A_412] : memref<3072xi32, #tpu.memory_space<vmem>> -> memref<64xi32, #tpu.memory_space<vmem>>
      %dma_wait3A_414 = arith.constant 0 : i32
      %dma_wait3A_415 = arith.constant 0 : i32
      %dma_wait3A_416 = tpu.memref_slice %arg3[%dma_wait3A_414, %dma_wait3A_415] : memref<100000x24xf32, #tpu.memory_space<hbm>> -> memref<100000x24xf32, #tpu.memory_space<hbm>>
      tpu.wait_indirect_dma semaphore(%arg21 : memref<!tpu.dma_semaphore, #tpu.memory_space<semaphore_mem>>) src(%dma_wait3A_416 : memref<100000x24xf32, #tpu.memory_space<hbm>>) dst(%dma_wait3A_411 : memref<64x24xf32, #tpu.memory_space<vmem>>)
      %dma_wait3A_417 = arith.constant 0 : i32
      %dma_wait3A_418 = arith.constant 0 : i32
      %dma_wait3A_419 = tpu.memref_slice %arg18[%dma_wait3A_417, %dma_wait3A_418] : memref<1152x24xf32, #tpu.memory_space<vmem>> -> memref<128x24xf32, #tpu.memory_space<vmem>>
      %dma_wait3A_420 = arith.constant 0 : i32
      %dma_wait3A_421 = tpu.memref_slice %arg10[%dma_wait3A_420] : memref<18432xi32, #tpu.memory_space<vmem>> -> memref<128xi32, #tpu.memory_space<vmem>>
      %dma_wait3A_422 = arith.constant 0 : i32
      %dma_wait3A_423 = arith.constant 0 : i32
      %dma_wait3A_424 = tpu.memref_slice %arg3[%dma_wait3A_422, %dma_wait3A_423] : memref<100000x24xf32, #tpu.memory_space<hbm>> -> memref<100000x24xf32, #tpu.memory_space<hbm>>
      tpu.wait_indirect_dma semaphore(%arg21 : memref<!tpu.dma_semaphore, #tpu.memory_space<semaphore_mem>>) src(%dma_wait3A_424 : memref<100000x24xf32, #tpu.memory_space<hbm>>) dst(%dma_wait3A_419 : memref<128x24xf32, #tpu.memory_space<vmem>>)
      %dma_wait3A_425 = arith.constant 128 : i32
      %dma_wait3A_426 = arith.constant 0 : i32
      %dma_wait3A_427 = tpu.memref_slice %arg18[%dma_wait3A_425, %dma_wait3A_426] : memref<1152x24xf32, #tpu.memory_space<vmem>> -> memref<128x24xf32, #tpu.memory_space<vmem>>
      %dma_wait3A_428 = arith.constant 0 : i32
      %dma_wait3A_429 = tpu.memref_slice %arg10[%dma_wait3A_428] : memref<18432xi32, #tpu.memory_space<vmem>> -> memref<128xi32, #tpu.memory_space<vmem>>
      %dma_wait3A_430 = arith.constant 0 : i32
      %dma_wait3A_431 = arith.constant 0 : i32
      %dma_wait3A_432 = tpu.memref_slice %arg3[%dma_wait3A_430, %dma_wait3A_431] : memref<100000x24xf32, #tpu.memory_space<hbm>> -> memref<100000x24xf32, #tpu.memory_space<hbm>>
      tpu.wait_indirect_dma semaphore(%arg21 : memref<!tpu.dma_semaphore, #tpu.memory_space<semaphore_mem>>) src(%dma_wait3A_432 : memref<100000x24xf32, #tpu.memory_space<hbm>>) dst(%dma_wait3A_427 : memref<128x24xf32, #tpu.memory_space<vmem>>)
      %dma_wait3A_433 = arith.constant 256 : i32
      %dma_wait3A_434 = arith.constant 0 : i32
      %dma_wait3A_435 = tpu.memref_slice %arg18[%dma_wait3A_433, %dma_wait3A_434] : memref<1152x24xf32, #tpu.memory_space<vmem>> -> memref<128x24xf32, #tpu.memory_space<vmem>>
      %dma_wait3A_436 = arith.constant 0 : i32
      %dma_wait3A_437 = tpu.memref_slice %arg10[%dma_wait3A_436] : memref<18432xi32, #tpu.memory_space<vmem>> -> memref<128xi32, #tpu.memory_space<vmem>>
      %dma_wait3A_438 = arith.constant 0 : i32
      %dma_wait3A_439 = arith.constant 0 : i32
      %dma_wait3A_440 = tpu.memref_slice %arg3[%dma_wait3A_438, %dma_wait3A_439] : memref<100000x24xf32, #tpu.memory_space<hbm>> -> memref<100000x24xf32, #tpu.memory_space<hbm>>
      tpu.wait_indirect_dma semaphore(%arg21 : memref<!tpu.dma_semaphore, #tpu.memory_space<semaphore_mem>>) src(%dma_wait3A_440 : memref<100000x24xf32, #tpu.memory_space<hbm>>) dst(%dma_wait3A_435 : memref<128x24xf32, #tpu.memory_space<vmem>>)
      %dma_wait3A_441 = arith.constant 384 : i32
      %dma_wait3A_442 = arith.constant 0 : i32
      %dma_wait3A_443 = tpu.memref_slice %arg18[%dma_wait3A_441, %dma_wait3A_442] : memref<1152x24xf32, #tpu.memory_space<vmem>> -> memref<128x24xf32, #tpu.memory_space<vmem>>
      %dma_wait3A_444 = arith.constant 0 : i32
      %dma_wait3A_445 = tpu.memref_slice %arg10[%dma_wait3A_444] : memref<18432xi32, #tpu.memory_space<vmem>> -> memref<128xi32, #tpu.memory_space<vmem>>
      %dma_wait3A_446 = arith.constant 0 : i32
      %dma_wait3A_447 = arith.constant 0 : i32
      %dma_wait3A_448 = tpu.memref_slice %arg3[%dma_wait3A_446, %dma_wait3A_447] : memref<100000x24xf32, #tpu.memory_space<hbm>> -> memref<100000x24xf32, #tpu.memory_space<hbm>>
      tpu.wait_indirect_dma semaphore(%arg21 : memref<!tpu.dma_semaphore, #tpu.memory_space<semaphore_mem>>) src(%dma_wait3A_448 : memref<100000x24xf32, #tpu.memory_space<hbm>>) dst(%dma_wait3A_443 : memref<128x24xf32, #tpu.memory_space<vmem>>)
      %dma_wait3A_449 = arith.constant 512 : i32
      %dma_wait3A_450 = arith.constant 0 : i32
      %dma_wait3A_451 = tpu.memref_slice %arg18[%dma_wait3A_449, %dma_wait3A_450] : memref<1152x24xf32, #tpu.memory_space<vmem>> -> memref<128x24xf32, #tpu.memory_space<vmem>>
      %dma_wait3A_452 = arith.constant 0 : i32
      %dma_wait3A_453 = tpu.memref_slice %arg10[%dma_wait3A_452] : memref<18432xi32, #tpu.memory_space<vmem>> -> memref<128xi32, #tpu.memory_space<vmem>>
      %dma_wait3A_454 = arith.constant 0 : i32
      %dma_wait3A_455 = arith.constant 0 : i32
      %dma_wait3A_456 = tpu.memref_slice %arg3[%dma_wait3A_454, %dma_wait3A_455] : memref<100000x24xf32, #tpu.memory_space<hbm>> -> memref<100000x24xf32, #tpu.memory_space<hbm>>
      tpu.wait_indirect_dma semaphore(%arg21 : memref<!tpu.dma_semaphore, #tpu.memory_space<semaphore_mem>>) src(%dma_wait3A_456 : memref<100000x24xf32, #tpu.memory_space<hbm>>) dst(%dma_wait3A_451 : memref<128x24xf32, #tpu.memory_space<vmem>>)
      %dma_wait3A_457 = arith.constant 640 : i32
      %dma_wait3A_458 = arith.constant 0 : i32
      %dma_wait3A_459 = tpu.memref_slice %arg18[%dma_wait3A_457, %dma_wait3A_458] : memref<1152x24xf32, #tpu.memory_space<vmem>> -> memref<128x24xf32, #tpu.memory_space<vmem>>
      %dma_wait3A_460 = arith.constant 0 : i32
      %dma_wait3A_461 = tpu.memref_slice %arg10[%dma_wait3A_460] : memref<18432xi32, #tpu.memory_space<vmem>> -> memref<128xi32, #tpu.memory_space<vmem>>
      %dma_wait3A_462 = arith.constant 0 : i32
      %dma_wait3A_463 = arith.constant 0 : i32
      %dma_wait3A_464 = tpu.memref_slice %arg3[%dma_wait3A_462, %dma_wait3A_463] : memref<100000x24xf32, #tpu.memory_space<hbm>> -> memref<100000x24xf32, #tpu.memory_space<hbm>>
      tpu.wait_indirect_dma semaphore(%arg21 : memref<!tpu.dma_semaphore, #tpu.memory_space<semaphore_mem>>) src(%dma_wait3A_464 : memref<100000x24xf32, #tpu.memory_space<hbm>>) dst(%dma_wait3A_459 : memref<128x24xf32, #tpu.memory_space<vmem>>)
      %dma_wait3A_465 = arith.constant 768 : i32
      %dma_wait3A_466 = arith.constant 0 : i32
      %dma_wait3A_467 = tpu.memref_slice %arg18[%dma_wait3A_465, %dma_wait3A_466] : memref<1152x24xf32, #tpu.memory_space<vmem>> -> memref<128x24xf32, #tpu.memory_space<vmem>>
      %dma_wait3A_468 = arith.constant 0 : i32
      %dma_wait3A_469 = tpu.memref_slice %arg10[%dma_wait3A_468] : memref<18432xi32, #tpu.memory_space<vmem>> -> memref<128xi32, #tpu.memory_space<vmem>>
      %dma_wait3A_470 = arith.constant 0 : i32
      %dma_wait3A_471 = arith.constant 0 : i32
      %dma_wait3A_472 = tpu.memref_slice %arg3[%dma_wait3A_470, %dma_wait3A_471] : memref<100000x24xf32, #tpu.memory_space<hbm>> -> memref<100000x24xf32, #tpu.memory_space<hbm>>
      tpu.wait_indirect_dma semaphore(%arg21 : memref<!tpu.dma_semaphore, #tpu.memory_space<semaphore_mem>>) src(%dma_wait3A_472 : memref<100000x24xf32, #tpu.memory_space<hbm>>) dst(%dma_wait3A_467 : memref<128x24xf32, #tpu.memory_space<vmem>>)
      %dma_wait3A_473 = arith.constant 896 : i32
      %dma_wait3A_474 = arith.constant 0 : i32
      %dma_wait3A_475 = tpu.memref_slice %arg18[%dma_wait3A_473, %dma_wait3A_474] : memref<1152x24xf32, #tpu.memory_space<vmem>> -> memref<128x24xf32, #tpu.memory_space<vmem>>
      %dma_wait3A_476 = arith.constant 0 : i32
      %dma_wait3A_477 = tpu.memref_slice %arg10[%dma_wait3A_476] : memref<18432xi32, #tpu.memory_space<vmem>> -> memref<128xi32, #tpu.memory_space<vmem>>
      %dma_wait3A_478 = arith.constant 0 : i32
      %dma_wait3A_479 = arith.constant 0 : i32
      %dma_wait3A_480 = tpu.memref_slice %arg3[%dma_wait3A_478, %dma_wait3A_479] : memref<100000x24xf32, #tpu.memory_space<hbm>> -> memref<100000x24xf32, #tpu.memory_space<hbm>>
      tpu.wait_indirect_dma semaphore(%arg21 : memref<!tpu.dma_semaphore, #tpu.memory_space<semaphore_mem>>) src(%dma_wait3A_480 : memref<100000x24xf32, #tpu.memory_space<hbm>>) dst(%dma_wait3A_475 : memref<128x24xf32, #tpu.memory_space<vmem>>)
      %dma_wait3A_481 = arith.constant 1024 : i32
      %dma_wait3A_482 = arith.constant 0 : i32
      %dma_wait3A_483 = tpu.memref_slice %arg18[%dma_wait3A_481, %dma_wait3A_482] : memref<1152x24xf32, #tpu.memory_space<vmem>> -> memref<128x24xf32, #tpu.memory_space<vmem>>
      %dma_wait3A_484 = arith.constant 0 : i32
      %dma_wait3A_485 = tpu.memref_slice %arg10[%dma_wait3A_484] : memref<18432xi32, #tpu.memory_space<vmem>> -> memref<128xi32, #tpu.memory_space<vmem>>
      %dma_wait3A_486 = arith.constant 0 : i32
      %dma_wait3A_487 = arith.constant 0 : i32
      %dma_wait3A_488 = tpu.memref_slice %arg3[%dma_wait3A_486, %dma_wait3A_487] : memref<100000x24xf32, #tpu.memory_space<hbm>> -> memref<100000x24xf32, #tpu.memory_space<hbm>>
      tpu.wait_indirect_dma semaphore(%arg21 : memref<!tpu.dma_semaphore, #tpu.memory_space<semaphore_mem>>) src(%dma_wait3A_488 : memref<100000x24xf32, #tpu.memory_space<hbm>>) dst(%dma_wait3A_483 : memref<128x24xf32, #tpu.memory_space<vmem>>)
      %add3A_489 = arith.constant 1 : i32
      %add3A_490 = arith.addi %mul3A_127, %add3A_489 : i32
      %mul3A_491 = arith.constant 32 : i32
      %mul3A_492 = arith.muli %add3A_490, %mul3A_491 : i32
      %add3A_493 = arith.addi %mul3A_2, %mul3A_492 : i32
      %scan3A_494 = arith.constant 0.166666672 : f32
      %scan3A_495 = arith.constant 0 : i32
      %scan3A_496 = arith.constant 32 : i32
      %scan3A_497 = arith.addi %scan3A_495, %scan3A_496 : i32
      %scan3A_498 = arith.constant 1 : i32
      scf.for %scan3A_500 = %scan3A_495 to %scan3A_497 step %scan3A_498  : i32 {
        %mul3A_501 = arith.constant 1 : i32
        %mul3A_502 = arith.muli %scan3A_500, %mul3A_501 : i32
        %add3A_503 = arith.constant 0 : i32
        %add3A_504 = arith.addi %add3A_503, %mul3A_502 : i32
        %broadcast_in_dim3A = arith.constant 0.000000e+00 : f32
        %broadcast_in_dim3A_505 = vector.broadcast %broadcast_in_dim3A : f32 to vector<16xf32>
        %mul3A_506 = arith.constant 6 : i32
        %mul3A_507 = arith.muli %add3A_504, %mul3A_506 : i32
        %add3A_508 = arith.constant 0 : i32
        %add3A_509 = arith.addi %mul3A_507, %add3A_508 : i32
        %mul3A_510 = arith.constant 6 : i32
        %mul3A_511 = arith.muli %add3A_509, %mul3A_510 : i32
        %add3A_512 = arith.constant 0 : i32
        %add3A_513 = arith.addi %mul3A_511, %add3A_512 : i32
        %get3A = arith.index_cast %add3A_513 : i32 to index
        %get3A_514 = arith.constant 0 : index
        %get3A_515 = tpu.vector_load %arg18[%get3A, %get3A_514] {strides = array<i32>} : memref<1152x24xf32, #tpu.memory_space<vmem>>, vector<16xf32>,
        %add3A_516 = arith.addf %broadcast_in_dim3A_505, %get3A_515 : vector<16xf32>
        %get3A_517 = arith.index_cast %add3A_513 : i32 to index
        %get3A_518 = arith.constant 4 : index
        %get3A_519 = tpu.vector_load %arg18[%get3A_517, %get3A_518] {strides = array<i32>} : memref<1152x24xf32, #tpu.memory_space<vmem>>, vector<16xf32>,
        %add3A_520 = arith.addf %broadcast_in_dim3A_505, %get3A_519 : vector<16xf32>
        %mul3A_521 = arith.constant 6 : i32
        %mul3A_522 = arith.muli %add3A_509, %mul3A_521 : i32
        %add3A_523 = arith.constant 1 : i32
        %add3A_524 = arith.addi %mul3A_522, %add3A_523 : i32
        %get3A_525 = arith.index_cast %add3A_524 : i32 to index
        %get3A_526 = arith.constant 0 : index
        %get3A_527 = tpu.vector_load %arg18[%get3A_525, %get3A_526] {strides = array<i32>} : memref<1152x24xf32, #tpu.memory_space<vmem>>, vector<16xf32>,
        %add3A_528 = arith.addf %add3A_516, %get3A_527 : vector<16xf32>
        %get3A_529 = arith.index_cast %add3A_524 : i32 to index
        %get3A_530 = arith.constant 4 : index
        %get3A_531 = tpu.vector_load %arg18[%get3A_529, %get3A_530] {strides = array<i32>} : memref<1152x24xf32, #tpu.memory_space<vmem>>, vector<16xf32>,
        %add3A_532 = arith.addf %add3A_520, %get3A_531 : vector<16xf32>
        %mul3A_533 = arith.constant 6 : i32
        %mul3A_534 = arith.muli %add3A_509, %mul3A_533 : i32
        %add3A_535 = arith.constant 2 : i32
        %add3A_536 = arith.addi %mul3A_534, %add3A_535 : i32
        %get3A_537 = arith.index_cast %add3A_536 : i32 to index
        %get3A_538 = arith.constant 0 : index
        %get3A_539 = tpu.vector_load %arg18[%get3A_537, %get3A_538] {strides = array<i32>} : memref<1152x24xf32, #tpu.memory_space<vmem>>, vector<16xf32>,
        %add3A_540 = arith.addf %add3A_528, %get3A_539 : vector<16xf32>
        %get3A_541 = arith.index_cast %add3A_536 : i32 to index
        %get3A_542 = arith.constant 4 : index
        %get3A_543 = tpu.vector_load %arg18[%get3A_541, %get3A_542] {strides = array<i32>} : memref<1152x24xf32, #tpu.memory_space<vmem>>, vector<16xf32>,
        %add3A_544 = arith.addf %add3A_532, %get3A_543 : vector<16xf32>
        %mul3A_545 = arith.constant 6 : i32
        %mul3A_546 = arith.muli %add3A_509, %mul3A_545 : i32
        %add3A_547 = arith.constant 3 : i32
        %add3A_548 = arith.addi %mul3A_546, %add3A_547 : i32
        %get3A_549 = arith.index_cast %add3A_548 : i32 to index
        %get3A_550 = arith.constant 0 : index
        %get3A_551 = tpu.vector_load %arg18[%get3A_549, %get3A_550] {strides = array<i32>} : memref<1152x24xf32, #tpu.memory_space<vmem>>, vector<16xf32>,
        %add3A_552 = arith.addf %add3A_540, %get3A_551 : vector<16xf32>
        %get3A_553 = arith.index_cast %add3A_548 : i32 to index
        %get3A_554 = arith.constant 4 : index
        %get3A_555 = tpu.vector_load %arg18[%get3A_553, %get3A_554] {strides = array<i32>} : memref<1152x24xf32, #tpu.memory_space<vmem>>, vector<16xf32>,
        %add3A_556 = arith.addf %add3A_544, %get3A_555 : vector<16xf32>
        %mul3A_557 = arith.constant 6 : i32
        %mul3A_558 = arith.muli %add3A_509, %mul3A_557 : i32
        %add3A_559 = arith.constant 4 : i32
        %add3A_560 = arith.addi %mul3A_558, %add3A_559 : i32
        %get3A_561 = arith.index_cast %add3A_560 : i32 to index
        %get3A_562 = arith.constant 0 : index
        %get3A_563 = tpu.vector_load %arg18[%get3A_561, %get3A_562] {strides = array<i32>} : memref<1152x24xf32, #tpu.memory_space<vmem>>, vector<16xf32>,
        %add3A_564 = arith.addf %add3A_552, %get3A_563 : vector<16xf32>
        %get3A_565 = arith.index_cast %add3A_560 : i32 to index
        %get3A_566 = arith.constant 4 : index
        %get3A_567 = tpu.vector_load %arg18[%get3A_565, %get3A_566] {strides = array<i32>} : memref<1152x24xf32, #tpu.memory_space<vmem>>, vector<16xf32>,
        %add3A_568 = arith.addf %add3A_556, %get3A_567 : vector<16xf32>
        %mul3A_569 = arith.constant 6 : i32
        %mul3A_570 = arith.muli %add3A_509, %mul3A_569 : i32
        %add3A_571 = arith.constant 5 : i32
        %add3A_572 = arith.addi %mul3A_570, %add3A_571 : i32
        %get3A_573 = arith.index_cast %add3A_572 : i32 to index
        %get3A_574 = arith.constant 0 : index
        %get3A_575 = tpu.vector_load %arg18[%get3A_573, %get3A_574] {strides = array<i32>} : memref<1152x24xf32, #tpu.memory_space<vmem>>, vector<16xf32>,
        %add3A_576 = arith.addf %add3A_564, %get3A_575 : vector<16xf32>
        %get3A_577 = arith.index_cast %add3A_572 : i32 to index
        %get3A_578 = arith.constant 4 : index
        %get3A_579 = tpu.vector_load %arg18[%get3A_577, %get3A_578] {strides = array<i32>} : memref<1152x24xf32, #tpu.memory_space<vmem>>, vector<16xf32>,
        %add3A_580 = arith.addf %add3A_568, %get3A_579 : vector<16xf32>
        %get3A_581 = arith.index_cast %add3A_509 : i32 to index
        %get3A_582 = arith.constant 0 : index
        %get3A_583 = tpu.vector_load %arg16[%get3A_581, %get3A_582] {strides = array<i32>} : memref<192x24xf32, #tpu.memory_space<vmem>>, vector<16xf32>,
        %mul3A_584 = vector.broadcast %scan3A_494 : f32 to vector<16xf32>
        %mul3A_585 = arith.mulf %mul3A_584, %add3A_576 : vector<16xf32>
        %add3A_586 = arith.addf %get3A_583, %mul3A_585 : vector<16xf32>
        %max3A = arith.constant 0.000000e+00 : f32
        %max3A_587 = vector.broadcast %max3A : f32 to vector<16xf32>
        %max3A_588 = arith.maximumf %add3A_586, %max3A_587 : vector<16xf32>
        %get3A_589 = arith.index_cast %add3A_509 : i32 to index
        %get3A_590 = arith.constant 4 : index
        %get3A_591 = tpu.vector_load %arg16[%get3A_589, %get3A_590] {strides = array<i32>} : memref<192x24xf32, #tpu.memory_space<vmem>>, vector<16xf32>,
        %mul3A_592 = vector.broadcast %scan3A_494 : f32 to vector<16xf32>
        %mul3A_593 = arith.mulf %mul3A_592, %add3A_580 : vector<16xf32>
        %add3A_594 = arith.addf %get3A_591, %mul3A_593 : vector<16xf32>
        %max3A_595 = arith.constant 0.000000e+00 : f32
        %max3A_596 = vector.broadcast %max3A_595 : f32 to vector<16xf32>
        %max3A_597 = arith.maximumf %add3A_594, %max3A_596 : vector<16xf32>
        %add3A_598 = arith.addf %broadcast_in_dim3A_505, %max3A_588 : vector<16xf32>
        %add3A_599 = arith.addf %broadcast_in_dim3A_505, %max3A_597 : vector<16xf32>
        %get3A_600 = arith.index_cast %add3A_509 : i32 to index
        %get3A_601 = arith.constant 0 : index
        %get3A_602 = tpu.vector_load %arg17[%get3A_600, %get3A_601] {strides = array<i32>} : memref<192x24xf32, #tpu.memory_space<vmem>>, vector<16xf32>,
        %add3A_603 = arith.addf %broadcast_in_dim3A_505, %get3A_602 : vector<16xf32>
        %get3A_604 = arith.index_cast %add3A_509 : i32 to index
        %get3A_605 = arith.constant 4 : index
        %get3A_606 = tpu.vector_load %arg17[%get3A_604, %get3A_605] {strides = array<i32>} : memref<192x24xf32, #tpu.memory_space<vmem>>, vector<16xf32>,
        %add3A_607 = arith.addf %broadcast_in_dim3A_505, %get3A_606 : vector<16xf32>
        %mul3A_608 = arith.constant 6 : i32
        %mul3A_609 = arith.muli %add3A_504, %mul3A_608 : i32
        %add3A_610 = arith.constant 1 : i32
        %add3A_611 = arith.addi %mul3A_609, %add3A_610 : i32
        %mul3A_612 = arith.constant 6 : i32
        %mul3A_613 = arith.muli %add3A_611, %mul3A_612 : i32
        %add3A_614 = arith.constant 0 : i32
        %add3A_615 = arith.addi %mul3A_613, %add3A_614 : i32
        %get3A_616 = arith.index_cast %add3A_615 : i32 to index
        %get3A_617 = arith.constant 0 : index
        %get3A_618 = tpu.vector_load %arg18[%get3A_616, %get3A_617] {strides = array<i32>} : memref<1152x24xf32, #tpu.memory_space<vmem>>, vector<16xf32>,
        %add3A_619 = arith.addf %broadcast_in_dim3A_505, %get3A_618 : vector<16xf32>
        %get3A_620 = arith.index_cast %add3A_615 : i32 to index
        %get3A_621 = arith.constant 4 : index
        %get3A_622 = tpu.vector_load %arg18[%get3A_620, %get3A_621] {strides = array<i32>} : memref<1152x24xf32, #tpu.memory_space<vmem>>, vector<16xf32>,
        %add3A_623 = arith.addf %broadcast_in_dim3A_505, %get3A_622 : vector<16xf32>
        %mul3A_624 = arith.constant 6 : i32
        %mul3A_625 = arith.muli %add3A_611, %mul3A_624 : i32
        %add3A_626 = arith.constant 1 : i32
        %add3A_627 = arith.addi %mul3A_625, %add3A_626 : i32
        %get3A_628 = arith.index_cast %add3A_627 : i32 to index
        %get3A_629 = arith.constant 0 : index
        %get3A_630 = tpu.vector_load %arg18[%get3A_628, %get3A_629] {strides = array<i32>} : memref<1152x24xf32, #tpu.memory_space<vmem>>, vector<16xf32>,
        %add3A_631 = arith.addf %add3A_619, %get3A_630 : vector<16xf32>
        %get3A_632 = arith.index_cast %add3A_627 : i32 to index
        %get3A_633 = arith.constant 4 : index
        %get3A_634 = tpu.vector_load %arg18[%get3A_632, %get3A_633] {strides = array<i32>} : memref<1152x24xf32, #tpu.memory_space<vmem>>, vector<16xf32>,
        %add3A_635 = arith.addf %add3A_623, %get3A_634 : vector<16xf32>
        %mul3A_636 = arith.constant 6 : i32
        %mul3A_637 = arith.muli %add3A_611, %mul3A_636 : i32
        %add3A_638 = arith.constant 2 : i32
        %add3A_639 = arith.addi %mul3A_637, %add3A_638 : i32
        %get3A_640 = arith.index_cast %add3A_639 : i32 to index
        %get3A_641 = arith.constant 0 : index
        %get3A_642 = tpu.vector_load %arg18[%get3A_640, %get3A_641] {strides = array<i32>} : memref<1152x24xf32, #tpu.memory_space<vmem>>, vector<16xf32>,
        %add3A_643 = arith.addf %add3A_631, %get3A_642 : vector<16xf32>
        %get3A_644 = arith.index_cast %add3A_639 : i32 to index
        %get3A_645 = arith.constant 4 : index
        %get3A_646 = tpu.vector_load %arg18[%get3A_644, %get3A_645] {strides = array<i32>} : memref<1152x24xf32, #tpu.memory_space<vmem>>, vector<16xf32>,
        %add3A_647 = arith.addf %add3A_635, %get3A_646 : vector<16xf32>
        %mul3A_648 = arith.constant 6 : i32
        %mul3A_649 = arith.muli %add3A_611, %mul3A_648 : i32
        %add3A_650 = arith.constant 3 : i32
        %add3A_651 = arith.addi %mul3A_649, %add3A_650 : i32
        %get3A_652 = arith.index_cast %add3A_651 : i32 to index
        %get3A_653 = arith.constant 0 : index
        %get3A_654 = tpu.vector_load %arg18[%get3A_652, %get3A_653] {strides = array<i32>} : memref<1152x24xf32, #tpu.memory_space<vmem>>, vector<16xf32>,
        %add3A_655 = arith.addf %add3A_643, %get3A_654 : vector<16xf32>
        %get3A_656 = arith.index_cast %add3A_651 : i32 to index
        %get3A_657 = arith.constant 4 : index
        %get3A_658 = tpu.vector_load %arg18[%get3A_656, %get3A_657] {strides = array<i32>} : memref<1152x24xf32, #tpu.memory_space<vmem>>, vector<16xf32>,
        %add3A_659 = arith.addf %add3A_647, %get3A_658 : vector<16xf32>
        %mul3A_660 = arith.constant 6 : i32
        %mul3A_661 = arith.muli %add3A_611, %mul3A_660 : i32
        %add3A_662 = arith.constant 4 : i32
        %add3A_663 = arith.addi %mul3A_661, %add3A_662 : i32
        %get3A_664 = arith.index_cast %add3A_663 : i32 to index
        %get3A_665 = arith.constant 0 : index
        %get3A_666 = tpu.vector_load %arg18[%get3A_664, %get3A_665] {strides = array<i32>} : memref<1152x24xf32, #tpu.memory_space<vmem>>, vector<16xf32>,
        %add3A_667 = arith.addf %add3A_655, %get3A_666 : vector<16xf32>
        %get3A_668 = arith.index_cast %add3A_663 : i32 to index
        %get3A_669 = arith.constant 4 : index
        %get3A_670 = tpu.vector_load %arg18[%get3A_668, %get3A_669] {strides = array<i32>} : memref<1152x24xf32, #tpu.memory_space<vmem>>, vector<16xf32>,
        %add3A_671 = arith.addf %add3A_659, %get3A_670 : vector<16xf32>
        %mul3A_672 = arith.constant 6 : i32
        %mul3A_673 = arith.muli %add3A_611, %mul3A_672 : i32
        %add3A_674 = arith.constant 5 : i32
        %add3A_675 = arith.addi %mul3A_673, %add3A_674 : i32
        %get3A_676 = arith.index_cast %add3A_675 : i32 to index
        %get3A_677 = arith.constant 0 : index
        %get3A_678 = tpu.vector_load %arg18[%get3A_676, %get3A_677] {strides = array<i32>} : memref<1152x24xf32, #tpu.memory_space<vmem>>, vector<16xf32>,
        %add3A_679 = arith.addf %add3A_667, %get3A_678 : vector<16xf32>
        %get3A_680 = arith.index_cast %add3A_675 : i32 to index
        %get3A_681 = arith.constant 4 : index
        %get3A_682 = tpu.vector_load %arg18[%get3A_680, %get3A_681] {strides = array<i32>} : memref<1152x24xf32, #tpu.memory_space<vmem>>, vector<16xf32>,
        %add3A_683 = arith.addf %add3A_671, %get3A_682 : vector<16xf32>
        %get3A_684 = arith.index_cast %add3A_611 : i32 to index
        %get3A_685 = arith.constant 0 : index
        %get3A_686 = tpu.vector_load %arg16[%get3A_684, %get3A_685] {strides = array<i32>} : memref<192x24xf32, #tpu.memory_space<vmem>>, vector<16xf32>,
        %mul3A_687 = vector.broadcast %scan3A_494 : f32 to vector<16xf32>
        %mul3A_688 = arith.mulf %mul3A_687, %add3A_679 : vector<16xf32>
        %add3A_689 = arith.addf %get3A_686, %mul3A_688 : vector<16xf32>
        %max3A_690 = arith.constant 0.000000e+00 : f32
        %max3A_691 = vector.broadcast %max3A_690 : f32 to vector<16xf32>
        %max3A_692 = arith.maximumf %add3A_689, %max3A_691 : vector<16xf32>
        %get3A_693 = arith.index_cast %add3A_611 : i32 to index
        %get3A_694 = arith.constant 4 : index
        %get3A_695 = tpu.vector_load %arg16[%get3A_693, %get3A_694] {strides = array<i32>} : memref<192x24xf32, #tpu.memory_space<vmem>>, vector<16xf32>,
        %mul3A_696 = vector.broadcast %scan3A_494 : f32 to vector<16xf32>
        %mul3A_697 = arith.mulf %mul3A_696, %add3A_683 : vector<16xf32>
        %add3A_698 = arith.addf %get3A_695, %mul3A_697 : vector<16xf32>
        %max3A_699 = arith.constant 0.000000e+00 : f32
        %max3A_700 = vector.broadcast %max3A_699 : f32 to vector<16xf32>
        %max3A_701 = arith.maximumf %add3A_698, %max3A_700 : vector<16xf32>
        %add3A_702 = arith.addf %add3A_598, %max3A_692 : vector<16xf32>
        %add3A_703 = arith.addf %add3A_599, %max3A_701 : vector<16xf32>
        %get3A_704 = arith.index_cast %add3A_611 : i32 to index
        %get3A_705 = arith.constant 0 : index
        %get3A_706 = tpu.vector_load %arg17[%get3A_704, %get3A_705] {strides = array<i32>} : memref<192x24xf32, #tpu.memory_space<vmem>>, vector<16xf32>,
        %add3A_707 = arith.addf %add3A_603, %get3A_706 : vector<16xf32>
        %get3A_708 = arith.index_cast %add3A_611 : i32 to index
        %get3A_709 = arith.constant 4 : index
        %get3A_710 = tpu.vector_load %arg17[%get3A_708, %get3A_709] {strides = array<i32>} : memref<192x24xf32, #tpu.memory_space<vmem>>, vector<16xf32>,
        %add3A_711 = arith.addf %add3A_607, %get3A_710 : vector<16xf32>
        %mul3A_712 = arith.constant 6 : i32
        %mul3A_713 = arith.muli %add3A_504, %mul3A_712 : i32
        %add3A_714 = arith.constant 2 : i32
        %add3A_715 = arith.addi %mul3A_713, %add3A_714 : i32
        %mul3A_716 = arith.constant 6 : i32
        %mul3A_717 = arith.muli %add3A_715, %mul3A_716 : i32
        %add3A_718 = arith.constant 0 : i32
        %add3A_719 = arith.addi %mul3A_717, %add3A_718 : i32
        %get3A_720 = arith.index_cast %add3A_719 : i32 to index
        %get3A_721 = arith.constant 0 : index
        %get3A_722 = tpu.vector_load %arg18[%get3A_720, %get3A_721] {strides = array<i32>} : memref<1152x24xf32, #tpu.memory_space<vmem>>, vector<16xf32>,
        %add3A_723 = arith.addf %broadcast_in_dim3A_505, %get3A_722 : vector<16xf32>
        %get3A_724 = arith.index_cast %add3A_719 : i32 to index
        %get3A_725 = arith.constant 4 : index
        %get3A_726 = tpu.vector_load %arg18[%get3A_724, %get3A_725] {strides = array<i32>} : memref<1152x24xf32, #tpu.memory_space<vmem>>, vector<16xf32>,
        %add3A_727 = arith.addf %broadcast_in_dim3A_505, %get3A_726 : vector<16xf32>
        %mul3A_728 = arith.constant 6 : i32
        %mul3A_729 = arith.muli %add3A_715, %mul3A_728 : i32
        %add3A_730 = arith.constant 1 : i32
        %add3A_731 = arith.addi %mul3A_729, %add3A_730 : i32
        %get3A_732 = arith.index_cast %add3A_731 : i32 to index
        %get3A_733 = arith.constant 0 : index
        %get3A_734 = tpu.vector_load %arg18[%get3A_732, %get3A_733] {strides = array<i32>} : memref<1152x24xf32, #tpu.memory_space<vmem>>, vector<16xf32>,
        %add3A_735 = arith.addf %add3A_723, %get3A_734 : vector<16xf32>
        %get3A_736 = arith.index_cast %add3A_731 : i32 to index
        %get3A_737 = arith.constant 4 : index
        %get3A_738 = tpu.vector_load %arg18[%get3A_736, %get3A_737] {strides = array<i32>} : memref<1152x24xf32, #tpu.memory_space<vmem>>, vector<16xf32>,
        %add3A_739 = arith.addf %add3A_727, %get3A_738 : vector<16xf32>
        %mul3A_740 = arith.constant 6 : i32
        %mul3A_741 = arith.muli %add3A_715, %mul3A_740 : i32
        %add3A_742 = arith.constant 2 : i32
        %add3A_743 = arith.addi %mul3A_741, %add3A_742 : i32
        %get3A_744 = arith.index_cast %add3A_743 : i32 to index
        %get3A_745 = arith.constant 0 : index
        %get3A_746 = tpu.vector_load %arg18[%get3A_744, %get3A_745] {strides = array<i32>} : memref<1152x24xf32, #tpu.memory_space<vmem>>, vector<16xf32>,
        %add3A_747 = arith.addf %add3A_735, %get3A_746 : vector<16xf32>
        %get3A_748 = arith.index_cast %add3A_743 : i32 to index
        %get3A_749 = arith.constant 4 : index
        %get3A_750 = tpu.vector_load %arg18[%get3A_748, %get3A_749] {strides = array<i32>} : memref<1152x24xf32, #tpu.memory_space<vmem>>, vector<16xf32>,
        %add3A_751 = arith.addf %add3A_739, %get3A_750 : vector<16xf32>
        %mul3A_752 = arith.constant 6 : i32
        %mul3A_753 = arith.muli %add3A_715, %mul3A_752 : i32
        %add3A_754 = arith.constant 3 : i32
        %add3A_755 = arith.addi %mul3A_753, %add3A_754 : i32
        %get3A_756 = arith.index_cast %add3A_755 : i32 to index
        %get3A_757 = arith.constant 0 : index
        %get3A_758 = tpu.vector_load %arg18[%get3A_756, %get3A_757] {strides = array<i32>} : memref<1152x24xf32, #tpu.memory_space<vmem>>, vector<16xf32>,
        %add3A_759 = arith.addf %add3A_747, %get3A_758 : vector<16xf32>
        %get3A_760 = arith.index_cast %add3A_755 : i32 to index
        %get3A_761 = arith.constant 4 : index
        %get3A_762 = tpu.vector_load %arg18[%get3A_760, %get3A_761] {strides = array<i32>} : memref<1152x24xf32, #tpu.memory_space<vmem>>, vector<16xf32>,
        %add3A_763 = arith.addf %add3A_751, %get3A_762 : vector<16xf32>
        %mul3A_764 = arith.constant 6 : i32
        %mul3A_765 = arith.muli %add3A_715, %mul3A_764 : i32
        %add3A_766 = arith.constant 4 : i32
        %add3A_767 = arith.addi %mul3A_765, %add3A_766 : i32
        %get3A_768 = arith.index_cast %add3A_767 : i32 to index
        %get3A_769 = arith.constant 0 : index
        %get3A_770 = tpu.vector_load %arg18[%get3A_768, %get3A_769] {strides = array<i32>} : memref<1152x24xf32, #tpu.memory_space<vmem>>, vector<16xf32>,
        %add3A_771 = arith.addf %add3A_759, %get3A_770 : vector<16xf32>
        %get3A_772 = arith.index_cast %add3A_767 : i32 to index
        %get3A_773 = arith.constant 4 : index
        %get3A_774 = tpu.vector_load %arg18[%get3A_772, %get3A_773] {strides = array<i32>} : memref<1152x24xf32, #tpu.memory_space<vmem>>, vector<16xf32>,
        %add3A_775 = arith.addf %add3A_763, %get3A_774 : vector<16xf32>
        %mul3A_776 = arith.constant 6 : i32
        %mul3A_777 = arith.muli %add3A_715, %mul3A_776 : i32
        %add3A_778 = arith.constant 5 : i32
        %add3A_779 = arith.addi %mul3A_777, %add3A_778 : i32
        %get3A_780 = arith.index_cast %add3A_779 : i32 to index
        %get3A_781 = arith.constant 0 : index
        %get3A_782 = tpu.vector_load %arg18[%get3A_780, %get3A_781] {strides = array<i32>} : memref<1152x24xf32, #tpu.memory_space<vmem>>, vector<16xf32>,
        %add3A_783 = arith.addf %add3A_771, %get3A_782 : vector<16xf32>
        %get3A_784 = arith.index_cast %add3A_779 : i32 to index
        %get3A_785 = arith.constant 4 : index
        %get3A_786 = tpu.vector_load %arg18[%get3A_784, %get3A_785] {strides = array<i32>} : memref<1152x24xf32, #tpu.memory_space<vmem>>, vector<16xf32>,
        %add3A_787 = arith.addf %add3A_775, %get3A_786 : vector<16xf32>
        %get3A_788 = arith.index_cast %add3A_715 : i32 to index
        %get3A_789 = arith.constant 0 : index
        %get3A_790 = tpu.vector_load %arg16[%get3A_788, %get3A_789] {strides = array<i32>} : memref<192x24xf32, #tpu.memory_space<vmem>>, vector<16xf32>,
        %mul3A_791 = vector.broadcast %scan3A_494 : f32 to vector<16xf32>
        %mul3A_792 = arith.mulf %mul3A_791, %add3A_783 : vector<16xf32>
        %add3A_793 = arith.addf %get3A_790, %mul3A_792 : vector<16xf32>
        %max3A_794 = arith.constant 0.000000e+00 : f32
        %max3A_795 = vector.broadcast %max3A_794 : f32 to vector<16xf32>
        %max3A_796 = arith.maximumf %add3A_793, %max3A_795 : vector<16xf32>
        %get3A_797 = arith.index_cast %add3A_715 : i32 to index
        %get3A_798 = arith.constant 4 : index
        %get3A_799 = tpu.vector_load %arg16[%get3A_797, %get3A_798] {strides = array<i32>} : memref<192x24xf32, #tpu.memory_space<vmem>>, vector<16xf32>,
        %mul3A_800 = vector.broadcast %scan3A_494 : f32 to vector<16xf32>
        %mul3A_801 = arith.mulf %mul3A_800, %add3A_787 : vector<16xf32>
        %add3A_802 = arith.addf %get3A_799, %mul3A_801 : vector<16xf32>
        %max3A_803 = arith.constant 0.000000e+00 : f32
        %max3A_804 = vector.broadcast %max3A_803 : f32 to vector<16xf32>
        %max3A_805 = arith.maximumf %add3A_802, %max3A_804 : vector<16xf32>
        %add3A_806 = arith.addf %add3A_702, %max3A_796 : vector<16xf32>
        %add3A_807 = arith.addf %add3A_703, %max3A_805 : vector<16xf32>
        %get3A_808 = arith.index_cast %add3A_715 : i32 to index
        %get3A_809 = arith.constant 0 : index
        %get3A_810 = tpu.vector_load %arg17[%get3A_808, %get3A_809] {strides = array<i32>} : memref<192x24xf32, #tpu.memory_space<vmem>>, vector<16xf32>,
        %add3A_811 = arith.addf %add3A_707, %get3A_810 : vector<16xf32>
        %get3A_812 = arith.index_cast %add3A_715 : i32 to index
        %get3A_813 = arith.constant 4 : index
        %get3A_814 = tpu.vector_load %arg17[%get3A_812, %get3A_813] {strides = array<i32>} : memref<192x24xf32, #tpu.memory_space<vmem>>, vector<16xf32>,
        %add3A_815 = arith.addf %add3A_711, %get3A_814 : vector<16xf32>
        %mul3A_816 = arith.constant 6 : i32
        %mul3A_817 = arith.muli %add3A_504, %mul3A_816 : i32
        %add3A_818 = arith.constant 3 : i32
        %add3A_819 = arith.addi %mul3A_817, %add3A_818 : i32
        %mul3A_820 = arith.constant 6 : i32
        %mul3A_821 = arith.muli %add3A_819, %mul3A_820 : i32
        %add3A_822 = arith.constant 0 : i32
        %add3A_823 = arith.addi %mul3A_821, %add3A_822 : i32
        %get3A_824 = arith.index_cast %add3A_823 : i32 to index
        %get3A_825 = arith.constant 0 : index
        %get3A_826 = tpu.vector_load %arg18[%get3A_824, %get3A_825] {strides = array<i32>} : memref<1152x24xf32, #tpu.memory_space<vmem>>, vector<16xf32>,
        %add3A_827 = arith.addf %broadcast_in_dim3A_505, %get3A_826 : vector<16xf32>
        %get3A_828 = arith.index_cast %add3A_823 : i32 to index
        %get3A_829 = arith.constant 4 : index
        %get3A_830 = tpu.vector_load %arg18[%get3A_828, %get3A_829] {strides = array<i32>} : memref<1152x24xf32, #tpu.memory_space<vmem>>, vector<16xf32>,
        %add3A_831 = arith.addf %broadcast_in_dim3A_505, %get3A_830 : vector<16xf32>
        %mul3A_832 = arith.constant 6 : i32
        %mul3A_833 = arith.muli %add3A_819, %mul3A_832 : i32
        %add3A_834 = arith.constant 1 : i32
        %add3A_835 = arith.addi %mul3A_833, %add3A_834 : i32
        %get3A_836 = arith.index_cast %add3A_835 : i32 to index
        %get3A_837 = arith.constant 0 : index
        %get3A_838 = tpu.vector_load %arg18[%get3A_836, %get3A_837] {strides = array<i32>} : memref<1152x24xf32, #tpu.memory_space<vmem>>, vector<16xf32>,
        %add3A_839 = arith.addf %add3A_827, %get3A_838 : vector<16xf32>
        %get3A_840 = arith.index_cast %add3A_835 : i32 to index
        %get3A_841 = arith.constant 4 : index
        %get3A_842 = tpu.vector_load %arg18[%get3A_840, %get3A_841] {strides = array<i32>} : memref<1152x24xf32, #tpu.memory_space<vmem>>, vector<16xf32>,
        %add3A_843 = arith.addf %add3A_831, %get3A_842 : vector<16xf32>
        %mul3A_844 = arith.constant 6 : i32
        %mul3A_845 = arith.muli %add3A_819, %mul3A_844 : i32
        %add3A_846 = arith.constant 2 : i32
        %add3A_847 = arith.addi %mul3A_845, %add3A_846 : i32
        %get3A_848 = arith.index_cast %add3A_847 : i32 to index
        %get3A_849 = arith.constant 0 : index
        %get3A_850 = tpu.vector_load %arg18[%get3A_848, %get3A_849] {strides = array<i32>} : memref<1152x24xf32, #tpu.memory_space<vmem>>, vector<16xf32>,
        %add3A_851 = arith.addf %add3A_839, %get3A_850 : vector<16xf32>
        %get3A_852 = arith.index_cast %add3A_847 : i32 to index
        %get3A_853 = arith.constant 4 : index
        %get3A_854 = tpu.vector_load %arg18[%get3A_852, %get3A_853] {strides = array<i32>} : memref<1152x24xf32, #tpu.memory_space<vmem>>, vector<16xf32>,
        %add3A_855 = arith.addf %add3A_843, %get3A_854 : vector<16xf32>
        %mul3A_856 = arith.constant 6 : i32
        %mul3A_857 = arith.muli %add3A_819, %mul3A_856 : i32
        %add3A_858 = arith.constant 3 : i32
        %add3A_859 = arith.addi %mul3A_857, %add3A_858 : i32
        %get3A_860 = arith.index_cast %add3A_859 : i32 to index
        %get3A_861 = arith.constant 0 : index
        %get3A_862 = tpu.vector_load %arg18[%get3A_860, %get3A_861] {strides = array<i32>} : memref<1152x24xf32, #tpu.memory_space<vmem>>, vector<16xf32>,
        %add3A_863 = arith.addf %add3A_851, %get3A_862 : vector<16xf32>
        %get3A_864 = arith.index_cast %add3A_859 : i32 to index
        %get3A_865 = arith.constant 4 : index
        %get3A_866 = tpu.vector_load %arg18[%get3A_864, %get3A_865] {strides = array<i32>} : memref<1152x24xf32, #tpu.memory_space<vmem>>, vector<16xf32>,
        %add3A_867 = arith.addf %add3A_855, %get3A_866 : vector<16xf32>
        %mul3A_868 = arith.constant 6 : i32
        %mul3A_869 = arith.muli %add3A_819, %mul3A_868 : i32
        %add3A_870 = arith.constant 4 : i32
        %add3A_871 = arith.addi %mul3A_869, %add3A_870 : i32
        %get3A_872 = arith.index_cast %add3A_871 : i32 to index
        %get3A_873 = arith.constant 0 : index
        %get3A_874 = tpu.vector_load %arg18[%get3A_872, %get3A_873] {strides = array<i32>} : memref<1152x24xf32, #tpu.memory_space<vmem>>, vector<16xf32>,
        %add3A_875 = arith.addf %add3A_863, %get3A_874 : vector<16xf32>
        %get3A_876 = arith.index_cast %add3A_871 : i32 to index
        %get3A_877 = arith.constant 4 : index
        %get3A_878 = tpu.vector_load %arg18[%get3A_876, %get3A_877] {strides = array<i32>} : memref<1152x24xf32, #tpu.memory_space<vmem>>, vector<16xf32>,
        %add3A_879 = arith.addf %add3A_867, %get3A_878 : vector<16xf32>
        %mul3A_880 = arith.constant 6 : i32
        %mul3A_881 = arith.muli %add3A_819, %mul3A_880 : i32
        %add3A_882 = arith.constant 5 : i32
        %add3A_883 = arith.addi %mul3A_881, %add3A_882 : i32
        %get3A_884 = arith.index_cast %add3A_883 : i32 to index
        %get3A_885 = arith.constant 0 : index
        %get3A_886 = tpu.vector_load %arg18[%get3A_884, %get3A_885] {strides = array<i32>} : memref<1152x24xf32, #tpu.memory_space<vmem>>, vector<16xf32>,
        %add3A_887 = arith.addf %add3A_875, %get3A_886 : vector<16xf32>
        %get3A_888 = arith.index_cast %add3A_883 : i32 to index
        %get3A_889 = arith.constant 4 : index
        %get3A_890 = tpu.vector_load %arg18[%get3A_888, %get3A_889] {strides = array<i32>} : memref<1152x24xf32, #tpu.memory_space<vmem>>, vector<16xf32>,
        %add3A_891 = arith.addf %add3A_879, %get3A_890 : vector<16xf32>
        %get3A_892 = arith.index_cast %add3A_819 : i32 to index
        %get3A_893 = arith.constant 0 : index
        %get3A_894 = tpu.vector_load %arg16[%get3A_892, %get3A_893] {strides = array<i32>} : memref<192x24xf32, #tpu.memory_space<vmem>>, vector<16xf32>,
        %mul3A_895 = vector.broadcast %scan3A_494 : f32 to vector<16xf32>
        %mul3A_896 = arith.mulf %mul3A_895, %add3A_887 : vector<16xf32>
        %add3A_897 = arith.addf %get3A_894, %mul3A_896 : vector<16xf32>
        %max3A_898 = arith.constant 0.000000e+00 : f32
        %max3A_899 = vector.broadcast %max3A_898 : f32 to vector<16xf32>
        %max3A_900 = arith.maximumf %add3A_897, %max3A_899 : vector<16xf32>
        %get3A_901 = arith.index_cast %add3A_819 : i32 to index
        %get3A_902 = arith.constant 4 : index
        %get3A_903 = tpu.vector_load %arg16[%get3A_901, %get3A_902] {strides = array<i32>} : memref<192x24xf32, #tpu.memory_space<vmem>>, vector<16xf32>,
        %mul3A_904 = vector.broadcast %scan3A_494 : f32 to vector<16xf32>
        %mul3A_905 = arith.mulf %mul3A_904, %add3A_891 : vector<16xf32>
        %add3A_906 = arith.addf %get3A_903, %mul3A_905 : vector<16xf32>
        %max3A_907 = arith.constant 0.000000e+00 : f32
        %max3A_908 = vector.broadcast %max3A_907 : f32 to vector<16xf32>
        %max3A_909 = arith.maximumf %add3A_906, %max3A_908 : vector<16xf32>
        %add3A_910 = arith.addf %add3A_806, %max3A_900 : vector<16xf32>
        %add3A_911 = arith.addf %add3A_807, %max3A_909 : vector<16xf32>
        %get3A_912 = arith.index_cast %add3A_819 : i32 to index
        %get3A_913 = arith.constant 0 : index
        %get3A_914 = tpu.vector_load %arg17[%get3A_912, %get3A_913] {strides = array<i32>} : memref<192x24xf32, #tpu.memory_space<vmem>>, vector<16xf32>,
        %add3A_915 = arith.addf %add3A_811, %get3A_914 : vector<16xf32>
        %get3A_916 = arith.index_cast %add3A_819 : i32 to index
        %get3A_917 = arith.constant 4 : index
        %get3A_918 = tpu.vector_load %arg17[%get3A_916, %get3A_917] {strides = array<i32>} : memref<192x24xf32, #tpu.memory_space<vmem>>, vector<16xf32>,
        %add3A_919 = arith.addf %add3A_815, %get3A_918 : vector<16xf32>
        %mul3A_920 = arith.constant 6 : i32
        %mul3A_921 = arith.muli %add3A_504, %mul3A_920 : i32
        %add3A_922 = arith.constant 4 : i32
        %add3A_923 = arith.addi %mul3A_921, %add3A_922 : i32
        %mul3A_924 = arith.constant 6 : i32
        %mul3A_925 = arith.muli %add3A_923, %mul3A_924 : i32
        %add3A_926 = arith.constant 0 : i32
        %add3A_927 = arith.addi %mul3A_925, %add3A_926 : i32
        %get3A_928 = arith.index_cast %add3A_927 : i32 to index
        %get3A_929 = arith.constant 0 : index
        %get3A_930 = tpu.vector_load %arg18[%get3A_928, %get3A_929] {strides = array<i32>} : memref<1152x24xf32, #tpu.memory_space<vmem>>, vector<16xf32>,
        %add3A_931 = arith.addf %broadcast_in_dim3A_505, %get3A_930 : vector<16xf32>
        %get3A_932 = arith.index_cast %add3A_927 : i32 to index
        %get3A_933 = arith.constant 4 : index
        %get3A_934 = tpu.vector_load %arg18[%get3A_932, %get3A_933] {strides = array<i32>} : memref<1152x24xf32, #tpu.memory_space<vmem>>, vector<16xf32>,
        %add3A_935 = arith.addf %broadcast_in_dim3A_505, %get3A_934 : vector<16xf32>
        %mul3A_936 = arith.constant 6 : i32
        %mul3A_937 = arith.muli %add3A_923, %mul3A_936 : i32
        %add3A_938 = arith.constant 1 : i32
        %add3A_939 = arith.addi %mul3A_937, %add3A_938 : i32
        %get3A_940 = arith.index_cast %add3A_939 : i32 to index
        %get3A_941 = arith.constant 0 : index
        %get3A_942 = tpu.vector_load %arg18[%get3A_940, %get3A_941] {strides = array<i32>} : memref<1152x24xf32, #tpu.memory_space<vmem>>, vector<16xf32>,
        %add3A_943 = arith.addf %add3A_931, %get3A_942 : vector<16xf32>
        %get3A_944 = arith.index_cast %add3A_939 : i32 to index
        %get3A_945 = arith.constant 4 : index
        %get3A_946 = tpu.vector_load %arg18[%get3A_944, %get3A_945] {strides = array<i32>} : memref<1152x24xf32, #tpu.memory_space<vmem>>, vector<16xf32>,
        %add3A_947 = arith.addf %add3A_935, %get3A_946 : vector<16xf32>
        %mul3A_948 = arith.constant 6 : i32
        %mul3A_949 = arith.muli %add3A_923, %mul3A_948 : i32
        %add3A_950 = arith.constant 2 : i32
        %add3A_951 = arith.addi %mul3A_949, %add3A_950 : i32
        %get3A_952 = arith.index_cast %add3A_951 : i32 to index
        %get3A_953 = arith.constant 0 : index
        %get3A_954 = tpu.vector_load %arg18[%get3A_952, %get3A_953] {strides = array<i32>} : memref<1152x24xf32, #tpu.memory_space<vmem>>, vector<16xf32>,
        %add3A_955 = arith.addf %add3A_943, %get3A_954 : vector<16xf32>
        %get3A_956 = arith.index_cast %add3A_951 : i32 to index
        %get3A_957 = arith.constant 4 : index
        %get3A_958 = tpu.vector_load %arg18[%get3A_956, %get3A_957] {strides = array<i32>} : memref<1152x24xf32, #tpu.memory_space<vmem>>, vector<16xf32>,
        %add3A_959 = arith.addf %add3A_947, %get3A_958 : vector<16xf32>
        %mul3A_960 = arith.constant 6 : i32
        %mul3A_961 = arith.muli %add3A_923, %mul3A_960 : i32
        %add3A_962 = arith.constant 3 : i32
        %add3A_963 = arith.addi %mul3A_961, %add3A_962 : i32
        %get3A_964 = arith.index_cast %add3A_963 : i32 to index
        %get3A_965 = arith.constant 0 : index
        %get3A_966 = tpu.vector_load %arg18[%get3A_964, %get3A_965] {strides = array<i32>} : memref<1152x24xf32, #tpu.memory_space<vmem>>, vector<16xf32>,
        %add3A_967 = arith.addf %add3A_955, %get3A_966 : vector<16xf32>
        %get3A_968 = arith.index_cast %add3A_963 : i32 to index
        %get3A_969 = arith.constant 4 : index
        %get3A_970 = tpu.vector_load %arg18[%get3A_968, %get3A_969] {strides = array<i32>} : memref<1152x24xf32, #tpu.memory_space<vmem>>, vector<16xf32>,
        %add3A_971 = arith.addf %add3A_959, %get3A_970 : vector<16xf32>
        %mul3A_972 = arith.constant 6 : i32
        %mul3A_973 = arith.muli %add3A_923, %mul3A_972 : i32
        %add3A_974 = arith.constant 4 : i32
        %add3A_975 = arith.addi %mul3A_973, %add3A_974 : i32
        %get3A_976 = arith.index_cast %add3A_975 : i32 to index
        %get3A_977 = arith.constant 0 : index
        %get3A_978 = tpu.vector_load %arg18[%get3A_976, %get3A_977] {strides = array<i32>} : memref<1152x24xf32, #tpu.memory_space<vmem>>, vector<16xf32>,
        %add3A_979 = arith.addf %add3A_967, %get3A_978 : vector<16xf32>
        %get3A_980 = arith.index_cast %add3A_975 : i32 to index
        %get3A_981 = arith.constant 4 : index
        %get3A_982 = tpu.vector_load %arg18[%get3A_980, %get3A_981] {strides = array<i32>} : memref<1152x24xf32, #tpu.memory_space<vmem>>, vector<16xf32>,
        %add3A_983 = arith.addf %add3A_971, %get3A_982 : vector<16xf32>
        %mul3A_984 = arith.constant 6 : i32
        %mul3A_985 = arith.muli %add3A_923, %mul3A_984 : i32
        %add3A_986 = arith.constant 5 : i32
        %add3A_987 = arith.addi %mul3A_985, %add3A_986 : i32
        %get3A_988 = arith.index_cast %add3A_987 : i32 to index
        %get3A_989 = arith.constant 0 : index
        %get3A_990 = tpu.vector_load %arg18[%get3A_988, %get3A_989] {strides = array<i32>} : memref<1152x24xf32, #tpu.memory_space<vmem>>, vector<16xf32>,
        %add3A_991 = arith.addf %add3A_979, %get3A_990 : vector<16xf32>
        %get3A_992 = arith.index_cast %add3A_987 : i32 to index
        %get3A_993 = arith.constant 4 : index
        %get3A_994 = tpu.vector_load %arg18[%get3A_992, %get3A_993] {strides = array<i32>} : memref<1152x24xf32, #tpu.memory_space<vmem>>, vector<16xf32>,
        %add3A_995 = arith.addf %add3A_983, %get3A_994 : vector<16xf32>
        %get3A_996 = arith.index_cast %add3A_923 : i32 to index
        %get3A_997 = arith.constant 0 : index
        %get3A_998 = tpu.vector_load %arg16[%get3A_996, %get3A_997] {strides = array<i32>} : memref<192x24xf32, #tpu.memory_space<vmem>>, vector<16xf32>,
        %mul3A_999 = vector.broadcast %scan3A_494 : f32 to vector<16xf32>
        %mul3A_1000 = arith.mulf %mul3A_999, %add3A_991 : vector<16xf32>
        %add3A_1001 = arith.addf %get3A_998, %mul3A_1000 : vector<16xf32>
        %max3A_1002 = arith.constant 0.000000e+00 : f32
        %max3A_1003 = vector.broadcast %max3A_1002 : f32 to vector<16xf32>
        %max3A_1004 = arith.maximumf %add3A_1001, %max3A_1003 : vector<16xf32>
        %get3A_1005 = arith.index_cast %add3A_923 : i32 to index
        %get3A_1006 = arith.constant 4 : index
        %get3A_1007 = tpu.vector_load %arg16[%get3A_1005, %get3A_1006] {strides = array<i32>} : memref<192x24xf32, #tpu.memory_space<vmem>>, vector<16xf32>,
        %mul3A_1008 = vector.broadcast %scan3A_494 : f32 to vector<16xf32>
        %mul3A_1009 = arith.mulf %mul3A_1008, %add3A_995 : vector<16xf32>
        %add3A_1010 = arith.addf %get3A_1007, %mul3A_1009 : vector<16xf32>
        %max3A_1011 = arith.constant 0.000000e+00 : f32
        %max3A_1012 = vector.broadcast %max3A_1011 : f32 to vector<16xf32>
        %max3A_1013 = arith.maximumf %add3A_1010, %max3A_1012 : vector<16xf32>
        %add3A_1014 = arith.addf %add3A_910, %max3A_1004 : vector<16xf32>
        %add3A_1015 = arith.addf %add3A_911, %max3A_1013 : vector<16xf32>
        %get3A_1016 = arith.index_cast %add3A_923 : i32 to index
        %get3A_1017 = arith.constant 0 : index
        %get3A_1018 = tpu.vector_load %arg17[%get3A_1016, %get3A_1017] {strides = array<i32>} : memref<192x24xf32, #tpu.memory_space<vmem>>, vector<16xf32>,
        %add3A_1019 = arith.addf %add3A_915, %get3A_1018 : vector<16xf32>
        %get3A_1020 = arith.index_cast %add3A_923 : i32 to index
        %get3A_1021 = arith.constant 4 : index
        %get3A_1022 = tpu.vector_load %arg17[%get3A_1020, %get3A_1021] {strides = array<i32>} : memref<192x24xf32, #tpu.memory_space<vmem>>, vector<16xf32>,
        %add3A_1023 = arith.addf %add3A_919, %get3A_1022 : vector<16xf32>
        %mul3A_1024 = arith.constant 6 : i32
        %mul3A_1025 = arith.muli %add3A_504, %mul3A_1024 : i32
        %add3A_1026 = arith.constant 5 : i32
        %add3A_1027 = arith.addi %mul3A_1025, %add3A_1026 : i32
        %mul3A_1028 = arith.constant 6 : i32
        %mul3A_1029 = arith.muli %add3A_1027, %mul3A_1028 : i32
        %add3A_1030 = arith.constant 0 : i32
        %add3A_1031 = arith.addi %mul3A_1029, %add3A_1030 : i32
        %get3A_1032 = arith.index_cast %add3A_1031 : i32 to index
        %get3A_1033 = arith.constant 0 : index
        %get3A_1034 = tpu.vector_load %arg18[%get3A_1032, %get3A_1033] {strides = array<i32>} : memref<1152x24xf32, #tpu.memory_space<vmem>>, vector<16xf32>,
        %add3A_1035 = arith.addf %broadcast_in_dim3A_505, %get3A_1034 : vector<16xf32>
        %get3A_1036 = arith.index_cast %add3A_1031 : i32 to index
        %get3A_1037 = arith.constant 4 : index
        %get3A_1038 = tpu.vector_load %arg18[%get3A_1036, %get3A_1037] {strides = array<i32>} : memref<1152x24xf32, #tpu.memory_space<vmem>>, vector<16xf32>,
        %add3A_1039 = arith.addf %broadcast_in_dim3A_505, %get3A_1038 : vector<16xf32>
        %mul3A_1040 = arith.constant 6 : i32
        %mul3A_1041 = arith.muli %add3A_1027, %mul3A_1040 : i32
        %add3A_1042 = arith.constant 1 : i32
        %add3A_1043 = arith.addi %mul3A_1041, %add3A_1042 : i32
        %get3A_1044 = arith.index_cast %add3A_1043 : i32 to index
        %get3A_1045 = arith.constant 0 : index
        %get3A_1046 = tpu.vector_load %arg18[%get3A_1044, %get3A_1045] {strides = array<i32>} : memref<1152x24xf32, #tpu.memory_space<vmem>>, vector<16xf32>,
        %add3A_1047 = arith.addf %add3A_1035, %get3A_1046 : vector<16xf32>
        %get3A_1048 = arith.index_cast %add3A_1043 : i32 to index
        %get3A_1049 = arith.constant 4 : index
        %get3A_1050 = tpu.vector_load %arg18[%get3A_1048, %get3A_1049] {strides = array<i32>} : memref<1152x24xf32, #tpu.memory_space<vmem>>, vector<16xf32>,
        %add3A_1051 = arith.addf %add3A_1039, %get3A_1050 : vector<16xf32>
        %mul3A_1052 = arith.constant 6 : i32
        %mul3A_1053 = arith.muli %add3A_1027, %mul3A_1052 : i32
        %add3A_1054 = arith.constant 2 : i32
        %add3A_1055 = arith.addi %mul3A_1053, %add3A_1054 : i32
        %get3A_1056 = arith.index_cast %add3A_1055 : i32 to index
        %get3A_1057 = arith.constant 0 : index
        %get3A_1058 = tpu.vector_load %arg18[%get3A_1056, %get3A_1057] {strides = array<i32>} : memref<1152x24xf32, #tpu.memory_space<vmem>>, vector<16xf32>,
        %add3A_1059 = arith.addf %add3A_1047, %get3A_1058 : vector<16xf32>
        %get3A_1060 = arith.index_cast %add3A_1055 : i32 to index
        %get3A_1061 = arith.constant 4 : index
        %get3A_1062 = tpu.vector_load %arg18[%get3A_1060, %get3A_1061] {strides = array<i32>} : memref<1152x24xf32, #tpu.memory_space<vmem>>, vector<16xf32>,
        %add3A_1063 = arith.addf %add3A_1051, %get3A_1062 : vector<16xf32>
        %mul3A_1064 = arith.constant 6 : i32
        %mul3A_1065 = arith.muli %add3A_1027, %mul3A_1064 : i32
        %add3A_1066 = arith.constant 3 : i32
        %add3A_1067 = arith.addi %mul3A_1065, %add3A_1066 : i32
        %get3A_1068 = arith.index_cast %add3A_1067 : i32 to index
        %get3A_1069 = arith.constant 0 : index
        %get3A_1070 = tpu.vector_load %arg18[%get3A_1068, %get3A_1069] {strides = array<i32>} : memref<1152x24xf32, #tpu.memory_space<vmem>>, vector<16xf32>,
        %add3A_1071 = arith.addf %add3A_1059, %get3A_1070 : vector<16xf32>
        %get3A_1072 = arith.index_cast %add3A_1067 : i32 to index
        %get3A_1073 = arith.constant 4 : index
        %get3A_1074 = tpu.vector_load %arg18[%get3A_1072, %get3A_1073] {strides = array<i32>} : memref<1152x24xf32, #tpu.memory_space<vmem>>, vector<16xf32>,
        %add3A_1075 = arith.addf %add3A_1063, %get3A_1074 : vector<16xf32>
        %mul3A_1076 = arith.constant 6 : i32
        %mul3A_1077 = arith.muli %add3A_1027, %mul3A_1076 : i32
        %add3A_1078 = arith.constant 4 : i32
        %add3A_1079 = arith.addi %mul3A_1077, %add3A_1078 : i32
        %get3A_1080 = arith.index_cast %add3A_1079 : i32 to index
        %get3A_1081 = arith.constant 0 : index
        %get3A_1082 = tpu.vector_load %arg18[%get3A_1080, %get3A_1081] {strides = array<i32>} : memref<1152x24xf32, #tpu.memory_space<vmem>>, vector<16xf32>,
        %add3A_1083 = arith.addf %add3A_1071, %get3A_1082 : vector<16xf32>
        %get3A_1084 = arith.index_cast %add3A_1079 : i32 to index
        %get3A_1085 = arith.constant 4 : index
        %get3A_1086 = tpu.vector_load %arg18[%get3A_1084, %get3A_1085] {strides = array<i32>} : memref<1152x24xf32, #tpu.memory_space<vmem>>, vector<16xf32>,
        %add3A_1087 = arith.addf %add3A_1075, %get3A_1086 : vector<16xf32>
        %mul3A_1088 = arith.constant 6 : i32
        %mul3A_1089 = arith.muli %add3A_1027, %mul3A_1088 : i32
        %add3A_1090 = arith.constant 5 : i32
        %add3A_1091 = arith.addi %mul3A_1089, %add3A_1090 : i32
        %get3A_1092 = arith.index_cast %add3A_1091 : i32 to index
        %get3A_1093 = arith.constant 0 : index
        %get3A_1094 = tpu.vector_load %arg18[%get3A_1092, %get3A_1093] {strides = array<i32>} : memref<1152x24xf32, #tpu.memory_space<vmem>>, vector<16xf32>,
        %add3A_1095 = arith.addf %add3A_1083, %get3A_1094 : vector<16xf32>
        %get3A_1096 = arith.index_cast %add3A_1091 : i32 to index
        %get3A_1097 = arith.constant 4 : index
        %get3A_1098 = tpu.vector_load %arg18[%get3A_1096, %get3A_1097] {strides = array<i32>} : memref<1152x24xf32, #tpu.memory_space<vmem>>, vector<16xf32>,
        %add3A_1099 = arith.addf %add3A_1087, %get3A_1098 : vector<16xf32>
        %get3A_1100 = arith.index_cast %add3A_1027 : i32 to index
        %get3A_1101 = arith.constant 0 : index
        %get3A_1102 = tpu.vector_load %arg16[%get3A_1100, %get3A_1101] {strides = array<i32>} : memref<192x24xf32, #tpu.memory_space<vmem>>, vector<16xf32>,
        %mul3A_1103 = vector.broadcast %scan3A_494 : f32 to vector<16xf32>
        %mul3A_1104 = arith.mulf %mul3A_1103, %add3A_1095 : vector<16xf32>
        %add3A_1105 = arith.addf %get3A_1102, %mul3A_1104 : vector<16xf32>
        %max3A_1106 = arith.constant 0.000000e+00 : f32
        %max3A_1107 = vector.broadcast %max3A_1106 : f32 to vector<16xf32>
        %max3A_1108 = arith.maximumf %add3A_1105, %max3A_1107 : vector<16xf32>
        %get3A_1109 = arith.index_cast %add3A_1027 : i32 to index
        %get3A_1110 = arith.constant 4 : index
        %get3A_1111 = tpu.vector_load %arg16[%get3A_1109, %get3A_1110] {strides = array<i32>} : memref<192x24xf32, #tpu.memory_space<vmem>>, vector<16xf32>,
        %mul3A_1112 = vector.broadcast %scan3A_494 : f32 to vector<16xf32>
        %mul3A_1113 = arith.mulf %mul3A_1112, %add3A_1099 : vector<16xf32>
        %add3A_1114 = arith.addf %get3A_1111, %mul3A_1113 : vector<16xf32>
        %max3A_1115 = arith.constant 0.000000e+00 : f32
        %max3A_1116 = vector.broadcast %max3A_1115 : f32 to vector<16xf32>
        %max3A_1117 = arith.maximumf %add3A_1114, %max3A_1116 : vector<16xf32>
        %add3A_1118 = arith.addf %add3A_1014, %max3A_1108 : vector<16xf32>
        %add3A_1119 = arith.addf %add3A_1015, %max3A_1117 : vector<16xf32>
        %get3A_1120 = arith.index_cast %add3A_1027 : i32 to index
        %get3A_1121 = arith.constant 0 : index
        %get3A_1122 = tpu.vector_load %arg17[%get3A_1120, %get3A_1121] {strides = array<i32>} : memref<192x24xf32, #tpu.memory_space<vmem>>, vector<16xf32>,
        %add3A_1123 = arith.addf %add3A_1019, %get3A_1122 : vector<16xf32>
        %get3A_1124 = arith.index_cast %add3A_1027 : i32 to index
        %get3A_1125 = arith.constant 4 : index
        %get3A_1126 = tpu.vector_load %arg17[%get3A_1124, %get3A_1125] {strides = array<i32>} : memref<192x24xf32, #tpu.memory_space<vmem>>, vector<16xf32>,
        %add3A_1127 = arith.addf %add3A_1023, %get3A_1126 : vector<16xf32>
        %get3A_1128 = arith.index_cast %add3A_504 : i32 to index
        %get3A_1129 = arith.constant 0 : index
        %get3A_1130 = tpu.vector_load %arg15[%get3A_1128, %get3A_1129] {strides = array<i32>} : memref<32x24xf32, #tpu.memory_space<vmem>>, vector<16xf32>,
        %mul3A_1131 = vector.broadcast %scan3A_494 : f32 to vector<16xf32>
        %mul3A_1132 = arith.mulf %mul3A_1131, %add3A_1123 : vector<16xf32>
        %add3A_1133 = arith.addf %get3A_1130, %mul3A_1132 : vector<16xf32>
        %max3A_1134 = arith.constant 0.000000e+00 : f32
        %max3A_1135 = vector.broadcast %max3A_1134 : f32 to vector<16xf32>
        %max3A_1136 = arith.maximumf %add3A_1133, %max3A_1135 : vector<16xf32>
        %get3A_1137 = arith.index_cast %add3A_504 : i32 to index
        %get3A_1138 = arith.constant 4 : index
        %get3A_1139 = tpu.vector_load %arg15[%get3A_1137, %get3A_1138] {strides = array<i32>} : memref<32x24xf32, #tpu.memory_space<vmem>>, vector<16xf32>,
        %mul3A_1140 = vector.broadcast %scan3A_494 : f32 to vector<16xf32>
        %mul3A_1141 = arith.mulf %mul3A_1140, %add3A_1127 : vector<16xf32>
        %add3A_1142 = arith.addf %get3A_1139, %mul3A_1141 : vector<16xf32>
        %max3A_1143 = arith.constant 0.000000e+00 : f32
        %max3A_1144 = vector.broadcast %max3A_1143 : f32 to vector<16xf32>
        %max3A_1145 = arith.maximumf %add3A_1142, %max3A_1144 : vector<16xf32>
        %swap3A = arith.index_cast %add3A_504 : i32 to index
        %swap3A_1146 = arith.constant 0 : index
        %swap3A_1147 = tpu.vector_load %arg19[%swap3A, %swap3A_1146] {strides = array<i32>} : memref<32x128xf32, #tpu.memory_space<vmem>>, vector<16xf32>,
        tpu.vector_store %arg19[%swap3A, %swap3A_1146], %max3A_1136 {strides = array<i32>} : memref<32x128xf32, #tpu.memory_space<vmem>>, vector<16xf32>,
        %swap3A_1148 = arith.index_cast %add3A_504 : i32 to index
        %swap3A_1149 = arith.constant 4 : index
        %swap3A_1150 = tpu.vector_load %arg19[%swap3A_1148, %swap3A_1149] {strides = array<i32>} : memref<32x128xf32, #tpu.memory_space<vmem>>, vector<16xf32>,
        tpu.vector_store %arg19[%swap3A_1148, %swap3A_1149], %max3A_1145 {strides = array<i32>} : memref<32x128xf32, #tpu.memory_space<vmem>>, vector<16xf32>,
        %mul3A_1151 = vector.broadcast %scan3A_494 : f32 to vector<16xf32>
        %mul3A_1152 = arith.mulf %mul3A_1151, %add3A_1118 : vector<16xf32>
        %swap3A_1153 = arith.index_cast %add3A_504 : i32 to index
        %swap3A_1154 = arith.constant 20 : index
        %swap3A_1155 = tpu.vector_load %arg19[%swap3A_1153, %swap3A_1154] {strides = array<i32>} : memref<32x128xf32, #tpu.memory_space<vmem>>, vector<16xf32>,
        tpu.vector_store %arg19[%swap3A_1153, %swap3A_1154], %mul3A_1152 {strides = array<i32>} : memref<32x128xf32, #tpu.memory_space<vmem>>, vector<16xf32>,
        %mul3A_1156 = vector.broadcast %scan3A_494 : f32 to vector<16xf32>
        %mul3A_1157 = arith.mulf %mul3A_1156, %add3A_1119 : vector<16xf32>
        %swap3A_1158 = arith.index_cast %add3A_504 : i32 to index
        %swap3A_1159 = arith.constant 24 : index
        %swap3A_1160 = tpu.vector_load %arg19[%swap3A_1158, %swap3A_1159] {strides = array<i32>} : memref<32x128xf32, #tpu.memory_space<vmem>>, vector<16xf32>,
        tpu.vector_store %arg19[%swap3A_1158, %swap3A_1159], %mul3A_1157 {strides = array<i32>} : memref<32x128xf32, #tpu.memory_space<vmem>>, vector<16xf32>,
      }
      %scan3A_499 = arith.constant 32 : i32
      "tpu.region"() ({
        %run_scoped3A = tpu.sem_alloc : memref<!tpu.dma_semaphore, #tpu.memory_space<semaphore_mem>>
        %dma_start3A_500 = arith.constant 0 : i32
        %dma_start3A_501 = tpu.memref_slice %arg7[%add3A_493, %dma_start3A_500] : memref<16384x128xf32, #tpu.memory_space<hbm>> -> memref<32x128xf32, #tpu.memory_space<hbm>>
        %dma_start3A_502 = arith.constant 0 : i32
        %dma_start3A_503 = tpu.memref_slice %arg7[%add3A_493, %dma_start3A_502] : memref<16384x128xf32, #tpu.memory_space<hbm>> -> memref<32x128xf32, #tpu.memory_space<hbm>>
        tpu.enqueue_dma source(%arg19 : memref<32x128xf32, #tpu.memory_space<vmem>>) target(%dma_start3A_503 : memref<32x128xf32, #tpu.memory_space<hbm>>) target_semaphore(%run_scoped3A : memref<!tpu.dma_semaphore, #tpu.memory_space<semaphore_mem>>)
        %dma_wait3A_504 = arith.constant 0 : i32
        %dma_wait3A_505 = tpu.memref_slice %arg7[%add3A_493, %dma_wait3A_504] : memref<16384x128xf32, #tpu.memory_space<hbm>> -> memref<32x128xf32, #tpu.memory_space<hbm>>
        %dma_wait3A_506 = arith.constant 0 : i32
        %dma_wait3A_507 = tpu.memref_slice %arg7[%add3A_493, %dma_wait3A_506] : memref<16384x128xf32, #tpu.memory_space<hbm>> -> memref<32x128xf32, #tpu.memory_space<hbm>>
        tpu.wait_dma2 semaphore(%run_scoped3A : memref<!tpu.dma_semaphore, #tpu.memory_space<semaphore_mem>>) src(%arg19 : memref<32x128xf32, #tpu.memory_space<vmem>>) dst(%dma_wait3A_507 : memref<32x128xf32, #tpu.memory_space<hbm>>)
        tpu.yield
      }) : () -> ()
    }
    %scan3A_120 = arith.constant 8 : i32
    return
  }
}

module attributes {stable_mosaic.version = 14 : i64} {
  func.func @_table_body(%arg0: i32, %arg1: memref<8192x60xf32, #tpu.memory_space<vmem>>, %arg2: memref<60x24xf32, #tpu.memory_space<vmem>>, %arg3: memref<60x24xf32, #tpu.memory_space<vmem>>, %arg4: memref<1x24xf32, #tpu.memory_space<vmem>>, %arg5: memref<8192x24xf32, #tpu.memory_space<vmem>>, %arg6: memref<8192x24xf32, #tpu.memory_space<vmem>>) attributes {dimension_semantics = [#tpu.dimension_semantics<arbitrary>], iteration_bounds = array<i64: 13>, scalar_prefetch = 0 : i64, scratch_operands = 0 : i64, tpu.core_type = #tpu.core_type<tc>, window_params = [{transform_indices = @transform_0, window_bounds = array<i64: 8192, 60>}, {pipeline_mode = #tpu.pipeline_mode<synchronous>, transform_indices = @transform_1, window_bounds = array<i64: 60, 24>}, {pipeline_mode = #tpu.pipeline_mode<synchronous>, transform_indices = @transform_2, window_bounds = array<i64: 60, 24>}, {pipeline_mode = #tpu.pipeline_mode<synchronous>, transform_indices = @transform_3, window_bounds = array<i64: 1, 24>}, {transform_indices = @transform_4, window_bounds = array<i64: 8192, 24>}, {transform_indices = @transform_5, window_bounds = array<i64: 8192, 24>}]} {
    %get3A = arith.constant 0 : index
    %get3A_0 = arith.constant 0 : index
    %get3A_1 = vector.load %arg1[%get3A, %get3A_0] : memref<8192x60xf32, #tpu.memory_space<vmem>>, vector<8192x60xf32>
    %get3A_2 = arith.constant 0 : index
    %get3A_3 = arith.constant 0 : index
    %get3A_4 = vector.load %arg2[%get3A_2, %get3A_3] : memref<60x24xf32, #tpu.memory_space<vmem>>, vector<60x24xf32>
    %dot_general3A = arith.constant dense<0.000000e+00> : vector<8192x24xf32>
    %dot_general3A_5 = tpu.matmul %get3A_1, %get3A_4, %dot_general3A {dimension_numbers = #tpu.dot_dimension_numbers<[1], [0], [0], [1], [0, 0, 1, 1], [], []>, transpose_lhs_hint = false} : vector<8192x60xf32>, vector<60x24xf32>, vector<8192x24xf32> -> vector<8192x24xf32>
    %get3A_6 = arith.constant 0 : index
    %get3A_7 = arith.constant 0 : index
    %get3A_8 = vector.load %arg4[%get3A_6, %get3A_7] : memref<1x24xf32, #tpu.memory_space<vmem>>, vector<1x24xf32>
    %add3A = vector.broadcast %get3A_8 : vector<1x24xf32> to vector<8192x24xf32>
    %add3A_9 = arith.addf %dot_general3A_5, %add3A : vector<8192x24xf32>
    %swap3A = arith.constant 0 : index
    %swap3A_10 = arith.constant 0 : index
    %swap3A_11 = vector.load %arg5[%swap3A, %swap3A_10] : memref<8192x24xf32, #tpu.memory_space<vmem>>, vector<8192x24xf32>
    tpu.vector_store %arg5[%swap3A, %swap3A_10], %add3A_9 {strides = array<i32>} : memref<8192x24xf32, #tpu.memory_space<vmem>>, vector<8192x24xf32>,
    %get3A_12 = arith.constant 0 : index
    %get3A_13 = arith.constant 0 : index
    %get3A_14 = vector.load %arg3[%get3A_12, %get3A_13] : memref<60x24xf32, #tpu.memory_space<vmem>>, vector<60x24xf32>
    %dot_general3A_15 = arith.constant dense<0.000000e+00> : vector<8192x24xf32>
    %dot_general3A_16 = tpu.matmul %get3A_1, %get3A_14, %dot_general3A_15 {dimension_numbers = #tpu.dot_dimension_numbers<[1], [0], [0], [1], [0, 0, 1, 1], [], []>, transpose_lhs_hint = false} : vector<8192x60xf32>, vector<60x24xf32>, vector<8192x24xf32> -> vector<8192x24xf32>
    %swap3A_17 = arith.constant 0 : index
    %swap3A_18 = arith.constant 0 : index
    %swap3A_19 = vector.load %arg6[%swap3A_17, %swap3A_18] : memref<8192x24xf32, #tpu.memory_space<vmem>>, vector<8192x24xf32>
    tpu.vector_store %arg6[%swap3A_17, %swap3A_18], %dot_general3A_16 {strides = array<i32>} : memref<8192x24xf32, #tpu.memory_space<vmem>>, vector<8192x24xf32>,
    return
  }
  func.func @transform_0(%arg0: i32) -> (i32, i32) {
    %c0_i32 = arith.constant 0 : i32
    %c0_i32_0 = arith.constant 0 : i32
    return %arg0, %c0_i32 : i32, i32
  }
  func.func @transform_1(%arg0: i32) -> (i32, i32) {
    %c0_i32 = arith.constant 0 : i32
    %c0_i32_0 = arith.constant 0 : i32
    %c0_i32_1 = arith.constant 0 : i32
    return %c0_i32, %c0_i32_0 : i32, i32
  }
  func.func @transform_2(%arg0: i32) -> (i32, i32) {
    %c0_i32 = arith.constant 0 : i32
    %c0_i32_0 = arith.constant 0 : i32
    %c0_i32_1 = arith.constant 0 : i32
    return %c0_i32, %c0_i32_0 : i32, i32
  }
  func.func @transform_3(%arg0: i32) -> (i32, i32) {
    %c0_i32 = arith.constant 0 : i32
    %c0_i32_0 = arith.constant 0 : i32
    %c0_i32_1 = arith.constant 0 : i32
    return %c0_i32, %c0_i32_0 : i32, i32
  }
  func.func @transform_4(%arg0: i32) -> (i32, i32) {
    %c0_i32 = arith.constant 0 : i32
    %c0_i32_0 = arith.constant 0 : i32
    return %arg0, %c0_i32 : i32, i32
  }
  func.func @transform_5(%arg0: i32) -> (i32, i32) {
    %c0_i32 = arith.constant 0 : i32
    %c0_i32_0 = arith.constant 0 : i32
    return %arg0, %c0_i32 : i32, i32
  }
}

module attributes {stable_mosaic.version = 14 : i64} {
  func.func @_head_body(%arg0: i32, %arg1: memref<2048x128xf32, #tpu.memory_space<vmem>>, %arg2: memref<40x20xf32, #tpu.memory_space<vmem>>, %arg3: memref<1x20xf32, #tpu.memory_space<vmem>>, %arg4: memref<2048x20xf32, #tpu.memory_space<vmem>>) attributes {dimension_semantics = [#tpu.dimension_semantics<arbitrary>], iteration_bounds = array<i64: 8>, scalar_prefetch = 0 : i64, scratch_operands = 0 : i64, tpu.core_type = #tpu.core_type<tc>, window_params = [{transform_indices = @transform_0, window_bounds = array<i64: 2048, 128>}, {pipeline_mode = #tpu.pipeline_mode<synchronous>, transform_indices = @transform_1, window_bounds = array<i64: 40, 20>}, {pipeline_mode = #tpu.pipeline_mode<synchronous>, transform_indices = @transform_2, window_bounds = array<i64: 1, 20>}, {transform_indices = @transform_3, window_bounds = array<i64: 2048, 20>}]} {
    %get3A = arith.constant 0 : index
    %get3A_0 = arith.constant 0 : index
    %get3A_1 = vector.load %arg1[%get3A, %get3A_0] : memref<2048x128xf32, #tpu.memory_space<vmem>>, vector<2048x128xf32>
    %slice3A = vector.extract_strided_slice %get3A_1 {offsets = [0, 0], sizes = [2048, 40], strides = [1, 1]} : vector<2048x128xf32> to vector<2048x40xf32>
    %get3A_2 = arith.constant 0 : index
    %get3A_3 = arith.constant 0 : index
    %get3A_4 = vector.load %arg2[%get3A_2, %get3A_3] : memref<40x20xf32, #tpu.memory_space<vmem>>, vector<40x20xf32>
    %dot_general3A = arith.constant dense<0.000000e+00> : vector<2048x20xf32>
    %dot_general3A_5 = tpu.matmul %slice3A, %get3A_4, %dot_general3A {dimension_numbers = #tpu.dot_dimension_numbers<[1], [0], [0], [1], [0, 0, 1, 1], [], []>, transpose_lhs_hint = false} : vector<2048x40xf32>, vector<40x20xf32>, vector<2048x20xf32> -> vector<2048x20xf32>
    %get3A_6 = arith.constant 0 : index
    %get3A_7 = arith.constant 0 : index
    %get3A_8 = vector.load %arg3[%get3A_6, %get3A_7] : memref<1x20xf32, #tpu.memory_space<vmem>>, vector<1x20xf32>
    %add3A = vector.broadcast %get3A_8 : vector<1x20xf32> to vector<2048x20xf32>
    %add3A_9 = arith.addf %dot_general3A_5, %add3A : vector<2048x20xf32>
    %max3A = arith.constant 0.000000e+00 : f32
    %max3A_10 = vector.broadcast %max3A : f32 to vector<2048x20xf32>
    %max3A_11 = arith.maximumf %add3A_9, %max3A_10 : vector<2048x20xf32>
    %swap3A = arith.constant 0 : index
    %swap3A_12 = arith.constant 0 : index
    %swap3A_13 = vector.load %arg4[%swap3A, %swap3A_12] : memref<2048x20xf32, #tpu.memory_space<vmem>>, vector<2048x20xf32>
    tpu.vector_store %arg4[%swap3A, %swap3A_12], %max3A_11 {strides = array<i32>} : memref<2048x20xf32, #tpu.memory_space<vmem>>, vector<2048x20xf32>,
    return
  }
  func.func @transform_0(%arg0: i32) -> (i32, i32) {
    %c0_i32 = arith.constant 0 : i32
    %c0_i32_0 = arith.constant 0 : i32
    return %arg0, %c0_i32 : i32, i32
  }
  func.func @transform_1(%arg0: i32) -> (i32, i32) {
    %c0_i32 = arith.constant 0 : i32
    %c0_i32_0 = arith.constant 0 : i32
    %c0_i32_1 = arith.constant 0 : i32
    return %c0_i32, %c0_i32_0 : i32, i32
  }
  func.func @transform_2(%arg0: i32) -> (i32, i32) {
    %c0_i32 = arith.constant 0 : i32
    %c0_i32_0 = arith.constant 0 : i32
    %c0_i32_1 = arith.constant 0 : i32
    return %c0_i32, %c0_i32_0 : i32, i32
  }
  func.func @transform_3(%arg0: i32) -> (i32, i32) {
    %c0_i32 = arith.constant 0 : i32
    %c0_i32_0 = arith.constant 0 : i32
    return %arg0, %c0_i32 : i32, i32
  }
}

</mosaic_0001>

<sc_bundles>
// kernel: kernel.5.cloned.1.call-start
scs
__scs_entry_jumppad:
0x0: {  	(pc) =	sbr.rel $0x88, $3  }
0x1: {  	(tag) =	ssettag $0x0;
	lr =	simm.s32 $0x1  }
0x2: {  	[smem:$0x3F99] =	sst lr;
	_ =	strace $0xD0000000  }
0x3: {  	_ = 	snop  }
0x4: {  	_ = 	snop  }
0x5: {  	_ = 	snop  }
0x6: {  	_ = 	snop  }
0x7: {  	_ = 	snop  }
__scs_overlays_trampoline_lowered:
0x8: {  	[smem:$0x3FA8] =	sst s0  }
0x9: {  	[smem:$0x3FA9] =	sst s1  }
0xa: {  	[smem:$0x3FAA] =	sst s2  }
0xb: {  	[smem:$0x3FAB] =	sst s3  }
0xc: {  	[smem:$0x3FAC] =	sst s4  }
0xd: {  	[smem:$0x3FAD] =	sst s5  }
0xe: {  	[smem:$0x3FAE] =	sst s6  }
0xf: {  	[smem:$0x3FAF] =	sst s7  }
0x10: {  	[smem:$0x3FB0] =	sst s8  }
0x11: {  	[smem:$0x3FB1] =	sst s9;
	s0 =	simm.s32 @!p0 $0x0  }
0x12: {  	s1 =	sld [smem:$0x3F97];
	s0 =	simm.s32 @p0 $0x1  }
0x13: {  	[smem:$0x3FB2] =	sst s0;
	s0 =	simm.s32 @!p1 $0x0  }
0x14: {  	s2 =	sld [smem:$0x3F96];
	s0 =	simm.s32 @p1 $0x1  }
0x15: {  	[smem:$0x3FB3] =	sst s0;
	s0 =	simm.s32 @!p2 $0x0  }
0x16: {  	s3 =	sld [smem:$0x3FDB];
	s0 =	simm.s32 @p2 $0x1  }
0x17: {  	s4 =	simm.s32 $0x1BF5;
	[smem:$0x3FB5] =	sst s0  }
0x18: {  	s0 =	sld [smem:$0x3F98];
	_ =	swait.ge [sflag:s4], $0x0  }
0x19: {  	s7 =	sld [smem:$0x3F99]  }
0x1a: {  	s8 =	sadd.s32 $0xFFFFE003, lr  }
0x1b: {  	s9 =	sadd.s32 $0xFFFFFEF7, lr;
	s5 =	simm.s32 $0xFFFFFFFF;
	p2 =	slt.u32 s8, $0xFFFFF086  }
0x1c: {  	p1 =	slt.u32 s9, $0xF7A;
	s5 =	simm.s32 @!p2 $0x0  }
0x1d: {  	s5 =	simm.s32 @p1 $0x1;
	p0 =	seq.s32 s7, s2  }
0x1e: {  	s7 =	smul.u32 @!p0 $0xF7A, s2;
	p2 =	seq.s32 @!p0 s5, $0x0  }
0x1f: {  	s9 =	smul.u32 $0xF7A, s1;
	s8 =	simm.s32 @!p0 $0x1BF5;
	p2 =	por !p2, p0  }
0x20: {  	[sflag:s8] =	ssyncset.s32 @!p0 $0xFFFFF086;
	s6 =	sadd.s32 @!p0 s3, s7;
	s7 =	simm.s32 @!p0 $0x108  }
0x21: {  	s3 =	sadd.s32 s3, s9;
	s6 =	sadd.s32 @!p0 $0x88, s6;
	s7 =	simm.s32 @p2 $0x1082  }
0x22: {  	[simem:s7], [sflag:s8] =	dma.local @!p0 [hbm:s6], $0xF7A  }
0x23: {  	s9 =	sor.u32 $0xD0000000, s2;
	s6 =	simm.s32 $0x108;
	_ =	swait.ge @!p0 [sflag:s8], $0x0  }
0x24: {  	s3 =	sadd.s32 $0x88, s3;
	s6 =	simm.s32 @!p1 $0x1082;
	[sflag:s4] =	ssyncset.s32 $0xFFFFF086  }
0x25: {  	[simem:s6], [sflag:s4] =	dma.local [hbm:s3], $0xF7A  }
0x26: {  	[smem:$0x3F99] =	sst s1;
	(tag) =	ssettag s2;
	_ =	strace s9  }
0x27: {  	s1 =	sld [smem:$0x3FA9]  }
0x28: {  	s2 =	sld [smem:$0x3FAA]  }
0x29: {  	s4 =	sld [smem:$0x3FAC]  }
0x2a: {  	p0 =	seq.s32 s5, $0x0;
	s5 =	sld [smem:$0x3FAD]  }
0x2b: {  	s6 =	sld [smem:$0x3FAE]  }
0x2c: {  	s7 =	sld [smem:$0x3FAF]  }
0x2d: {  	s3 =	simm.s32 $0x108;
	s8 =	sld [smem:$0x3FB0]  }
0x2e: {  	s3 =	simm.s32 @!p0 $0x1082;
	s9 =	sld [smem:$0x3FB1]  }
0x2f: {  	lr =	sadd.s32 s0, s3;
	s0 =	sld [smem:$0x3FA8]  }
0x30: {  	s3 =	sld [smem:$0x3FAB]  }
0x31: {  	[smem:$0x3FB4] =	sst s10  }
0x32: {  	s10 =	sld [smem:$0x3FB2];
	_ =	sdelay $0x3  }
0x33: {  	p0 =	seq.s32 s10, $0x1;
	s10 =	sld [smem:$0x3FB4];
	_ =	sdelay $0x3  }
0x34: {  	[smem:$0x3FB4] =	sst s10  }
0x35: {  	s10 =	sld [smem:$0x3FB3];
	_ =	sdelay $0x3  }
0x36: {  	p1 =	seq.s32 s10, $0x1;
	s10 =	sld [smem:$0x3FB4];
	_ =	sdelay $0x3  }
0x37: {  	[smem:$0x3FB4] =	sst s10  }
0x38: {  	s10 =	sld [smem:$0x3FB5]  }
0x39: {  	_ = 	snop;
	(pc) =	sbr.ind lr, $3  }
0x3a: {  	_ = 	snop  }
0x3b: {  	_ = 	snop  }
0x3c: {  	p2 =	seq.s32 s10, $0x1;
	s10 =	sld [smem:$0x3FB4]  }
0x3d: {  	_ =	shalt  }
0x3e: {  	_ =	shalt  }
0x3f: {  	_ =	shalt  }
0x40: {  	_ =	shalt  }
0x41: {  	_ =	shalt  }
0x42: {  	_ =	shalt  }
0x43: {  	_ =	shalt  }
0x44: {  	_ =	shalt  }
0x45: {  	_ =	shalt  }
0x46: {  	_ =	shalt  }
0x47: {  	_ =	shalt  }
0x48: {  	_ =	shalt  }
0x49: {  	_ =	shalt  }
0x4a: {  	_ =	shalt  }
0x4b: {  	_ =	shalt  }
0x4c: {  	_ =	shalt  }
0x4d: {  	_ =	shalt  }
0x4e: {  	_ =	shalt  }
0x4f: {  	_ =	shalt  }
0x50: {  	_ =	shalt  }
0x51: {  	_ =	shalt  }
0x52: {  	_ =	shalt  }
0x53: {  	_ =	shalt  }
0x54: {  	_ =	shalt  }
0x55: {  	_ =	shalt  }
0x56: {  	_ =	shalt  }
0x57: {  	_ =	shalt  }
0x58: {  	_ =	shalt  }
0x59: {  	_ =	shalt  }
0x5a: {  	_ =	shalt  }
0x5b: {  	_ =	shalt  }
0x5c: {  	_ =	shalt  }
0x5d: {  	_ =	shalt  }
0x5e: {  	_ =	shalt  }
0x5f: {  	_ =	shalt  }
0x60: {  	_ =	shalt  }
0x61: {  	_ =	shalt  }
0x62: {  	_ =	shalt  }
0x63: {  	_ =	shalt  }
0x64: {  	_ =	shalt  }
0x65: {  	_ =	shalt  }
0x66: {  	_ =	shalt  }
0x67: {  	_ =	shalt  }
0x68: {  	_ =	shalt  }
0x69: {  	_ =	shalt  }
0x6a: {  	_ =	shalt  }
0x6b: {  	_ =	shalt  }
0x6c: {  	_ =	shalt  }
0x6d: {  	_ =	shalt  }
0x6e: {  	_ =	shalt  }
0x6f: {  	_ =	shalt  }
0x70: {  	_ =	shalt  }
0x71: {  	_ =	shalt  }
0x72: {  	_ =	shalt  }
0x73: {  	_ =	shalt  }
0x74: {  	_ =	shalt  }
0x75: {  	_ =	shalt  }
0x76: {  	_ =	shalt  }
0x77: {  	_ =	shalt  }
0x78: {  	_ =	shalt  }
0x79: {  	_ =	shalt  }
0x7a: {  	_ =	shalt  }
0x7b: {  	_ =	shalt  }
0x7c: {  	_ =	shalt  }
0x7d: {  	_ =	shalt  }
0x7e: {  	_ =	shalt  }
0x7f: {  	_ =	shalt  }
0x80: {  	_ =	shalt  }
0x81: {  	_ =	shalt  }
0x82: {  	_ =	shalt  }
0x83: {  	_ =	shalt  }
0x84: {  	_ =	shalt  }
0x85: {  	_ =	shalt  }
0x86: {  	_ =	shalt  }
0x87: {  	_ =	shalt  }
.Lfunc_end0:
.L_simem_size_0:
called_computation_lowered:
.L_overlay_start_0:
0x88: {  	s2 =	sld [smem:$0x3FD9]  }
0x89: {  	s3 =	sld [smem:$0x3FFE];
	_ =	sdelay $0x1  }
0x8a: {  	s1 =	srdreg.scid  }
0x8b: {  	s0 =	sand.u32 $0x1, s1  }
0x8c: {  	s17 =	sshll.u32 s0, $0xA;
	s2 =	sadd.s32 s3, s2  }
0x8d: {  	s2 =	sadd.s32 s2, s17  }
0x8e: {  	[smem:$0x3FC0] =	sst s2  }
0x8f: {  	_ = 	snop  }
0x90: {  	s2 =	sld [smem:$0x3FC8]  }
0x91: {  	s18 =	sld [smem:$0x3FD0];
	(tm) =	ssettm $0x1  }
0x92: {  	s4 =	sld [smem:$0x3FFB];
	_ =	sdelay $0x3  }
0x93: {  	_ =	strace s4  }
0x94: {  	s4 =	sld [smem:$0x3FFC];
	_ =	sdelay $0x3  }
0x95: {  	_ =	strace s4  }
0x96: {  	s4 =	sld [smem:$0x3FFD];
	_ =	sdelay $0x3  }
0x97: {  	_ =	strace s4  }
0x98: {  	_ =	strace $0x8FFFFFFF  }
0x99: {  	s19 =	sld [smem:$0x3FDB];
	_ =	sdelay $0x1  }
0x9a: {  	s5 =	simm.s32 $_scs_section_size  }
0x9b: {  	s6 =	simm.s32 $_size__tile_overlayer_lowered;
	s7 =	simm.s32 $_tile_overlayer_lowered  }
0x9c: {  	s22 =	simm.s32 $0x1BFF;
	s21 =	sshll.u32 s7, $0x1;
	s4 =	sadd.s32 s5, s19  }
0x9d: {  	s8 =	simm.s32 $0x0;
	s20 =	sshll.u32 s6, $0x1;
	s6 =	sadd.s32 s21, s4  }
0x9e: {  	[timem:s8], [sflag:s22] =	dma.local [hbm:s6], s20  }
0x9f: {  	_ =	swait.ge [sflag:s22], s20  }
0xa0: {  	s5 =	ssub.s32 $0x0, s20;
	[sflag:s22] =	ssyncset.done $0x0  }
0xa1: {  	[sflag:s22] =	ssyncadd.s32 s5;
	_ =	sdelay $0x1  }
0xa2: {  	s23 =	simm.s32 $0x1B8B  }
0xa3: {  	_ =	swait.ge [sflag:s23], $0x1  }
0xa4: {  	[sflag:s23] =	ssyncset.done $0x0  }
0xa5: {  	s25 =	simm.s32 $0x1B8E;
	s24 =	sld [smem:$0x3FFE];
	[sflag:s23] =	ssyncadd.s32 $0xFFFFFFFF  }
0xa6: {  	s26 =	simm.s32 $execute0_lowered;
	[smem:$0x3FD2] =	sst s25  }
0xa7: {  	s6 =	sshll.u32 s26, $0x1;
	_ =	strace $0x80000046;
	[dreg:$0x1] =	wrdreg $0xFFFFFFFF  }
0xa8: {  	s28 =	simm.s32 $_size_execute0_lowered;
	s4 =	sadd.s32 s4, s6;
	[dreg:$0x0] =	wrdreg $0x0  }
0xa9: {  	s6 =	sshll.u32 s28, $0x1;
	[dreg:$0x2] =	wrdreg s4  }
0xaa: {  	[dreg:$0x3] =	wrdreg s6  }
0xab: {  	[dreg:$0x4] =	wrdreg $0xC0  }
0xac: {  	_ =	task [dreg:s8], $0x5FFFF  }
0xad: {  	[dreg:$0x1] =	wrdreg $0xFFFFFFFF  }
0xae: {  	[dreg:$0x0] =	wrdreg $0x60  }
0xaf: {  	[dreg:$0x2] =	wrdreg s24  }
0xb0: {  	[dreg:$0x3] =	wrdreg s2  }
0xb1: {  	[dreg:$0x4] =	wrdreg s18  }
0xb2: {  	[dreg:$0x5] =	wrdreg $0x9  }
0xb3: {  	_ =	task.clear_ibuf [dreg:s8], $0x6FFFF;
	_ =	strace $0x90000046  }
0xb4: {  	s29 =	simm.s32 $0x9;
	_ =	strace $0x80000048  }
0xb5: {  	_ =	swait.ge [sflag:s29], $0x1  }
0xb6: {  	[sflag:s29] =	ssyncadd.s32 $0xFFFFFFFF  }
0xb7: {  	_ =	strace $0x90000048  }
0xb8: {  	_ =	sfence  }
0xb9: {  	s30 =	sld [smem:$0x0];
	_ =	sdelay $0x2  }
0xba: {  	s31 =	sshll.u32 s1, $0xD;
	s1 =	sshrl.u32 s1, $0x2  }
0xbb: {  	s3 =	sand.u32 $0x4000, s31;
	s1 =	sadd.s32 s1, s30  }
0xbc: {  	s0 =	sor.u32 s3, s0;
	s1 =	sshll.u32 s1, $0x11  }
0xbd: {  	s0 =	sor.u32 s1, s0  }
0xbe: {  	s0 =	sadd.s32 $0x8F2B, s0  }
0xbf: {  	[sflag:s0] =	ssyncadd.remote.s32 $0x1  }
0xc0: {  	_ =	sfence.sel $0xFFFF  }
0xc1: {  	[dreg:$0x0] =	wrdreg $0xFFFFFFFF;
	(pc) =	sbr.abs _section_cstart, $3  }
0xc2: {  	[dreg:$0x1] =	wrdreg $0xFFFFFFFF  }
0xc3: {  	_ =	task.clear_ibuf [dreg:s8], $0x2FFFF;
	_ =	strace $0x9FFFFFFF  }
0xc4: {  	(tm) =	ssettm $0x7FFFFFFF  }
0xc5: {  	_ =	shalt  }
tec
execute0_lowered:
.L_overlay_start_1:
0x0: {  	(tag) =	ssettag $0x1  }
0x1: {  	s0 =	rddreg [dreg:$0x0]  }
0x2: {  	s1 =	rddreg [dreg:$0x1];
	s2 =	srdreg.scid  }
0x3: {  	s3 =	stileid.u32;
	s5 =	rddreg [dreg:$0x2];
	s15 =	simm.s32 $0x80  }
0x4: {  	s17 =	simm.s32 $0x40;
	s28 =	simm.s32 $0x10A00;
	s29 =	simm.s32 $0x11000  }
0x5: {  	s30 =	simm.s32 $0x11C00;
	s31 =	simm.s32 $0x12800;
	s14 =	simm.s32 $0x14C00  }
0x6: {  	s16 =	simm.s32 $0x15800;
	s19 =	simm.s32 $0x16400;
	s20 =	simm.s32 $0x17000  }
0x7: {  	s21 =	simm.s32 $0x1;
	s22 =	simm.s32 $0x17C00;
	s12 =	simm.s32 $0x2  }
0x8: {  	s6 =	sand.u32 $0x1, s2;
	s3 =	sshll.u32 s3, $0x1;
	s2 =	simm.s32 $0x0  }
0x9: {  	s4 =	sadd.s32 $0x1400, s0;
	s7 =	sor.u32 s6, s3;
	[smem:$0x7FF] =	sst s2  }
0xa: {  	s3 =	sadd.s32 $0x4A800, s0;
	s6 =	ssub.s32 $0x2, s6;
	s8 =	smul.u32 $0x900, s7  }
0xb: {  	_ =	strace $0x80000047;
	s9 =	sshll.u32 s7, $0xD;
	s10 =	sshrl.u32 s6, $0x1  }
0xc: {  	s11 =	sshll.u32 s7, $0x6;
	s7 =	smul.u32 $0x180, s7;
	s6 =	ssub.s32 s6, s10  }
0xd: {  	s1 =	sadd.s32 s1, s11;
	s10 =	simm.s32 $0x3;
	s8 =	sadd.s32 s8, s0  }
0xe: {  	s0 =	sadd.s32 s9, s0;
	[dreg:$0x4] =	wrdreg s1;
	s24 =	sadd.s32 s5, s7  }
0xf: {  	s26 =	smax.u32 s6, $0x1;
	s1 =	simm.s32 $0x13400;
	s6 =	simm.s32 $0x0  }
0x10: {  	[dreg:$0x5] =	wrdreg s24;
	s25 =	sadd.s32 $0x293C00, s8;
	s8 =	sadd.s32 $0x93C00, s0  }
0x11: {  	[dreg:$0x7] =	wrdreg s26;
	s24 =	simm.s32 $0xEC00;
	s26 =	simm.s32 $0xFE00  }
0x12: {  	s0 =	simm.s32 $0x14000;
	[dreg:$0x6] =	wrdreg s25;
	s25 =	simm.s32 $0xF800  }
.LBB2_1:
0x13: {  	[dreg:$0x8] =	wrdreg s6  }
0x14: {  	s5 =	rddreg [dreg:$0x4]  }
0x15: {  	[tilespmem:s2], [sflag:$0x3] =	stream.linear.gather [hbm4b:s5+s2], $0x200, $0x38;
	[tilespmem:$0x18C00] =	vst v63  }
0x16: {  	_ =	swait.ge [sflag:s10], $0x200  }
0x17: {  	[sflag:s10] =	ssyncset.done $0x0  }
0x18: {  	s6 =	simm.s32 $0x200;
	s13 =	rddreg [dreg:$0x5];
	[sflag:s10] =	ssyncadd.s32 $0xFFFFFE00  }
0x19: {  	[tilespmem:s6], [sflag:$0x3] =	stream.linear.gather [hbm4b:s13+s2], $0xC00, $0x38;
	[tilespmem:$0x18C00] =	vst v63  }
0x1a: {  	_ =	swait.ge [sflag:s10], $0xC00  }
0x1b: {  	[sflag:s10] =	ssyncset.done $0x0  }
0x1c: {  	s7 =	simm.s32 $0xE00;
	s18 =	rddreg [dreg:$0x6];
	[sflag:s10] =	ssyncadd.s32 $0xFFFFF400  }
0x1d: {  	[tilespmem:s7], [sflag:$0x3] =	stream.linear.gather [hbm4b:s18+s2], $0x4800, $0x38;
	[tilespmem:$0x18C00] =	vst v63  }
0x1e: {  	_ =	swait.ge [sflag:s10], $0x4800  }
0x1f: {  	[sflag:s10] =	ssyncset.done $0x0  }
0x20: {  	s23 =	simm.s32 $0x20;
	s9 =	simm.s32 $0x5600;
	[sflag:s10] =	ssyncadd.s32 $0xFFFFB800  }
0x21: {  	[tilespmem:s9], [sflag:$0x1] =	stream.indirect.gather [hbm4b:s3+s23], $0x18, s2, s23, $0xb8;
	[tilespmem:$0x18C00] =	vst v63  }
0x22: {  	s9 =	simm.s32 $0x5900  }
0x23: {  	[tilespmem:s9], [sflag:$0x1] =	stream.indirect.gather [hbm4b:s3+s15], $0x18, s6, s15, $0xb8;
	[tilespmem:$0x18C00] =	vst v63  }
0x24: {  	s11 =	simm.s32 $0x280;
	s13 =	simm.s32 $0x6500  }
0x25: {  	[tilespmem:s13], [sflag:$0x1] =	stream.indirect.gather [hbm4b:s3+s17], $0x18, s11, s17, $0xb8;
	[tilespmem:$0x18C00] =	vst v63  }
0x26: {  	s18 =	simm.s32 $0x6B00  }
0x27: {  	[tilespmem:s18], [sflag:$0x1] =	stream.indirect.gather [hbm4b:s4+s15], $0x18, s6, s15, $0xb8;
	[tilespmem:$0x18C00] =	vst v63  }
0x28: {  	s23 =	simm.s32 $0x7700  }
0x29: {  	[tilespmem:s23], [sflag:$0x1] =	stream.indirect.gather [hbm4b:s4+s17], $0x18, s11, s17, $0xb8;
	[tilespmem:$0x18C00] =	vst v63  }
0x2a: {  	s9 =	simm.s32 $0x7D00  }
0x2b: {  	[tilespmem:s9], [sflag:$0x1] =	stream.indirect.gather [hbm4b:s4+s15], $0x18, s7, s15, $0xb8;
	[tilespmem:$0x18C00] =	vst v63  }
0x2c: {  	s13 =	simm.s32 $0x8900;
	s11 =	simm.s32 $0xE80  }
0x2d: {  	[tilespmem:s13], [sflag:$0x1] =	stream.indirect.gather [hbm4b:s4+s15], $0x18, s11, s15, $0xb8;
	[tilespmem:$0x18C00] =	vst v63  }
0x2e: {  	s18 =	simm.s32 $0xF00;
	s23 =	simm.s32 $0x9500  }
0x2f: {  	[tilespmem:s23], [sflag:$0x1] =	stream.indirect.gather [hbm4b:s4+s15], $0x18, s18, s15, $0xb8;
	[tilespmem:$0x18C00] =	vst v63  }
0x30: {  	s7 =	simm.s32 $0xF80;
	s9 =	simm.s32 $0xA100  }
0x31: {  	[tilespmem:s9], [sflag:$0x1] =	stream.indirect.gather [hbm4b:s4+s15], $0x18, s7, s15, $0xb8;
	[tilespmem:$0x18C00] =	vst v63  }
0x32: {  	s11 =	simm.s32 $0x1000;
	s13 =	simm.s32 $0xAD00  }
0x33: {  	[tilespmem:s13], [sflag:$0x1] =	stream.indirect.gather [hbm4b:s4+s15], $0x18, s11, s15, $0xb8;
	[tilespmem:$0x18C00] =	vst v63  }
0x34: {  	s18 =	simm.s32 $0x1080;
	s23 =	simm.s32 $0xB900  }
0x35: {  	[tilespmem:s23], [sflag:$0x1] =	stream.indirect.gather [hbm4b:s4+s15], $0x18, s18, s15, $0xb8;
	[tilespmem:$0x18C00] =	vst v63  }
0x36: {  	s7 =	simm.s32 $0x1100;
	s9 =	simm.s32 $0xC500  }
0x37: {  	[tilespmem:s9], [sflag:$0x1] =	stream.indirect.gather [hbm4b:s4+s15], $0x18, s7, s15, $0xb8;
	[tilespmem:$0x18C00] =	vst v63  }
0x38: {  	s11 =	simm.s32 $0x1180;
	s13 =	simm.s32 $0xD100  }
0x39: {  	[tilespmem:s13], [sflag:$0x1] =	stream.indirect.gather [hbm4b:s4+s15], $0x18, s11, s15, $0xb8;
	[tilespmem:$0x18C00] =	vst v63  }
0x3a: {  	s6 =	simm.s32 $0x0;
	s18 =	simm.s32 $0x1200;
	s23 =	simm.s32 $0xDD00  }
0x3b: {  	[tilespmem:s23], [sflag:$0x1] =	stream.indirect.gather [hbm4b:s4+s15], $0x18, s18, s15, $0xb8;
	[tilespmem:$0x18C00] =	vst v63  }
.LBB2_2:
0x3c: {  	s18 =	sshllo.u32 s6, $0x1  }
0x3d: {  	s9 =	simm.s32 $0x20;
	s5 =	sshll.u32 s18, $0x5  }
0x3e: {  	s11 =	simm.s32 $0xE900;
	s7 =	smul.u32 $0x300, s18;
	s5 =	sand.u32 $0x3FFFFFE0, s5  }
0x3f: {  	[tilespmem:s11], [sflag:$0x2] =	stream.indirect.gather [hbm4b:s3+s9], $0x18, s5, s9, $0xb8;
	[tilespmem:$0x18C00] =	vst v63  }
0x40: {  	s23 =	sshra.s32 s7, $0x2  }
0x41: {  	s7 =	sadd.s32 $0x200, s23  }
0x42: {  	[tilespmem:s24], [sflag:$0x2] =	stream.indirect.gather [hbm4b:s3+s15], $0x18, s7, s15, $0xb8;
	[tilespmem:$0x18C00] =	vst v63  }
0x43: {  	s5 =	sadd.s32 $0x280, s23  }
0x44: {  	[tilespmem:s25], [sflag:$0x2] =	stream.indirect.gather [hbm4b:s3+s17], $0x18, s5, s17, $0xb8;
	[tilespmem:$0x18C00] =	vst v63  }
0x45: {  	_ = 	snop  }
0x46: {  	[tilespmem:s26], [sflag:$0x2] =	stream.indirect.gather [hbm4b:s4+s15], $0x18, s7, s15, $0xb8;
	[tilespmem:$0x18C00] =	vst v63  }
0x47: {  	s9 =	smul.u32 $0x1200, s18  }
0x48: {  	[tilespmem:s28], [sflag:$0x2] =	stream.indirect.gather [hbm4b:s4+s17], $0x18, s5, s17, $0xb8;
	[tilespmem:$0x18C00] =	vst v63  }
0x49: {  	s5 =	sshra.s32 s9, $0x2  }
0x4a: {  	s7 =	sadd.s32 $0xE00, s5  }
0x4b: {  	[tilespmem:s29], [sflag:$0x2] =	stream.indirect.gather [hbm4b:s4+s15], $0x18, s7, s15, $0xb8;
	[tilespmem:$0x18C00] =	vst v63  }
0x4c: {  	s11 =	sadd.s32 $0xE80, s5  }
0x4d: {  	[tilespmem:s30], [sflag:$0x2] =	stream.indirect.gather [hbm4b:s4+s15], $0x18, s11, s15, $0xb8;
	[tilespmem:$0x18C00] =	vst v63  }
0x4e: {  	s13 =	sadd.s32 $0xF00, s5  }
0x4f: {  	[tilespmem:s31], [sflag:$0x2] =	stream.indirect.gather [hbm4b:s4+s15], $0x18, s13, s15, $0xb8;
	[tilespmem:$0x18C00] =	vst v63  }
0x50: {  	s23 =	sadd.s32 $0xF80, s5  }
0x51: {  	[tilespmem:s1], [sflag:$0x2] =	stream.indirect.gather [hbm4b:s4+s15], $0x18, s23, s15, $0xb8;
	[tilespmem:$0x18C00] =	vst v63  }
0x52: {  	s9 =	sadd.s32 $0x1000, s5  }
0x53: {  	[tilespmem:s0], [sflag:$0x2] =	stream.indirect.gather [hbm4b:s4+s15], $0x18, s9, s15, $0xb8;
	[tilespmem:$0x18C00] =	vst v63  }
0x54: {  	s11 =	sadd.s32 $0x1080, s5  }
0x55: {  	[tilespmem:s14], [sflag:$0x2] =	stream.indirect.gather [hbm4b:s4+s15], $0x18, s11, s15, $0xb8;
	[tilespmem:$0x18C00] =	vst v63  }
0x56: {  	s13 =	sadd.s32 $0x1100, s5  }
0x57: {  	[tilespmem:s16], [sflag:$0x2] =	stream.indirect.gather [hbm4b:s4+s15], $0x18, s13, s15, $0xb8;
	[tilespmem:$0x18C00] =	vst v63  }
0x58: {  	s23 =	sadd.s32 $0x1180, s5  }
0x59: {  	[tilespmem:s19], [sflag:$0x2] =	stream.indirect.gather [hbm4b:s4+s15], $0x18, s23, s15, $0xb8;
	[tilespmem:$0x18C00] =	vst v63  }
0x5a: {  	s5 =	sadd.s32 $0x1200, s5  }
0x5b: {  	[tilespmem:s20], [sflag:$0x2] =	stream.indirect.gather [hbm4b:s4+s15], $0x18, s5, s15, $0xb8;
	[tilespmem:$0x18C00] =	vst v63  }
0x5c: {  	_ =	swait.ge [sflag:s21], $0x300  }
0x5d: {  	[sflag:s21] =	ssyncset.done $0x0  }
0x5e: {  	[sflag:s21] =	ssyncadd.s32 $0xFFFFFD00  }
0x5f: {  	_ =	swait.ge [sflag:s21], $0xC00  }
0x60: {  	[sflag:s21] =	ssyncset.done $0x0  }
0x61: {  	[sflag:s21] =	ssyncadd.s32 $0xFFFFF400  }
0x62: {  	_ =	swait.ge [sflag:s21], $0x600  }
0x63: {  	[sflag:s21] =	ssyncset.done $0x0  }
0x64: {  	[sflag:s21] =	ssyncadd.s32 $0xFFFFFA00  }
0x65: {  	_ =	swait.ge [sflag:s21], $0xC00  }
0x66: {  	[sflag:s21] =	ssyncset.done $0x0  }
0x67: {  	[sflag:s21] =	ssyncadd.s32 $0xFFFFF400  }
0x68: {  	_ =	swait.ge [sflag:s21], $0x600  }
0x69: {  	[sflag:s21] =	ssyncset.done $0x0  }
0x6a: {  	[sflag:s21] =	ssyncadd.s32 $0xFFFFFA00  }
0x6b: {  	_ =	swait.ge [sflag:s21], $0xC00  }
0x6c: {  	[sflag:s21] =	ssyncset.done $0x0  }
0x6d: {  	[sflag:s21] =	ssyncadd.s32 $0xFFFFF400  }
0x6e: {  	_ =	swait.ge [sflag:s21], $0xC00  }
0x6f: {  	[sflag:s21] =	ssyncset.done $0x0  }
0x70: {  	[sflag:s21] =	ssyncadd.s32 $0xFFFFF400  }
0x71: {  	_ =	swait.ge [sflag:s21], $0xC00  }
0x72: {  	[sflag:s21] =	ssyncset.done $0x0  }
0x73: {  	[sflag:s21] =	ssyncadd.s32 $0xFFFFF400  }
0x74: {  	_ =	swait.ge [sflag:s21], $0xC00  }
0x75: {  	[sflag:s21] =	ssyncset.done $0x0  }
0x76: {  	[sflag:s21] =	ssyncadd.s32 $0xFFFFF400  }
0x77: {  	_ =	swait.ge [sflag:s21], $0xC00  }
0x78: {  	[sflag:s21] =	ssyncset.done $0x0  }
0x79: {  	[sflag:s21] =	ssyncadd.s32 $0xFFFFF400  }
0x7a: {  	_ =	swait.ge [sflag:s21], $0xC00  }
0x7b: {  	[sflag:s21] =	ssyncset.done $0x0  }
0x7c: {  	[sflag:s21] =	ssyncadd.s32 $0xFFFFF400  }
0x7d: {  	_ =	swait.ge [sflag:s21], $0xC00  }
0x7e: {  	[sflag:s21] =	ssyncset.done $0x0  }
0x7f: {  	[sflag:s21] =	ssyncadd.s32 $0xFFFFF400  }
0x80: {  	_ =	swait.ge [sflag:s21], $0xC00  }
0x81: {  	[sflag:s21] =	ssyncset.done $0x0  }
0x82: {  	[sflag:s21] =	ssyncadd.s32 $0xFFFFF400  }
0x83: {  	s7 =	sshll.u32 s6, $0x1;
	_ =	swait.ge [sflag:s21], $0xC00  }
0x84: {  	s9 =	simm.s32 $0x0;
	s11 =	simm.s32 $0x17C18;
	[sflag:s21] =	ssyncset.done $0x0  }
0x85: {  	s13 =	simm.s32 $0x7EB0;
	s5 =	simm.s32 $0x5604;
	[sflag:s21] =	ssyncadd.s32 $0xFFFFF400  }
.LBB2_3:
0x86: {  	v0 =	vld [tilespmem:s13+$0xFFFFFE50]  }
0x87: {  	v1 =	vld [tilespmem:s13+$0xFFFFFE54]  }
0x88: {  	v2 =	vld [tilespmem:s13+$0xFFFFFE68]  }
0x89: {  	v3 =	vld [tilespmem:s13+$0xFFFFFE6C]  }
0x8a: {  	v4 =	vld [tilespmem:s13+$0xFFFFFE80]  }
0x8b: {  	v5 =	vld [tilespmem:s13+$0xFFFFFE84]  }
0x8c: {  	v6 =	vld [tilespmem:s13+$0xFFFFFE98]  }
0x8d: {  	v7 =	vld [tilespmem:s13+$0xFFFFFE9C]  }
0x8e: {  	v8 =	vld [tilespmem:s13+$0xFFFFFEB0]  }
0x8f: {  	v9 =	vld [tilespmem:s13+$0xFFFFFEB4]  }
0x90: {  	v10 =	vld [tilespmem:s13+$0xFFFFFEC8]  }
0x91: {  	v11 =	vld [tilespmem:s13+$0xFFFFFECC]  }
0x92: {  	v16 =	vld [tilespmem:s13+$0xFFFFFEE0]  }
0x93: {  	v17 =	vld [tilespmem:s13+$0xFFFFFEE4]  }
0x94: {  	v18 =	vld [tilespmem:s13+$0xFFFFFEF8]  }
0x95: {  	v19 =	vld [tilespmem:s13+$0xFFFFFEFC]  }
0x96: {  	v20 =	vld [tilespmem:s13+$0xFFFFFF10]  }
0x97: {  	v21 =	vld [tilespmem:s13+$0xFFFFFF14]  }
0x98: {  	v22 =	vld [tilespmem:s13+$0xFFFFFF28]  }
0x99: {  	v23 =	vld [tilespmem:s13+$0xFFFFFF2C]  }
0x9a: {  	v24 =	vld [tilespmem:s13+$0xFFFFFF40]  }
0x9b: {  	v25 =	vld [tilespmem:s13+$0xFFFFFF44]  }
0x9c: {  	v26 =	vld [tilespmem:s13+$0xFFFFFF58]  }
0x9d: {  	v27 =	vld [tilespmem:s13+$0xFFFFFF5C]  }
0x9e: {  	v32 =	vld [tilespmem:s13+$0xFFFFFF70]  }
0x9f: {  	v33 =	vld [tilespmem:s13+$0xFFFFFF74]  }
0xa0: {  	v34 =	vld [tilespmem:s13+$0xFFFFFF88]  }
0xa1: {  	v35 =	vld [tilespmem:s13+$0xFFFFFF8C]  }
0xa2: {  	v36 =	vld [tilespmem:s13+$0xFFFFFFA0]  }
0xa3: {  	v37 =	vld [tilespmem:s13+$0xFFFFFFA4]  }
0xa4: {  	v38 =	vld [tilespmem:s13+$0xFFFFFFB8]  }
0xa5: {  	v39 =	vld [tilespmem:s13+$0xFFFFFFBC]  }
0xa6: {  	v40 =	vld [tilespmem:s13+$0xFFFFFFD0]  }
0xa7: {  	v41 =	vld [tilespmem:s13+$0xFFFFFFD4]  }
0xa8: {  	v42 =	vld [tilespmem:s13+$0xFFFFFFE8]  }
0xa9: {  	v43 =	vld [tilespmem:s13+$0xFFFFFFEC]  }
0xaa: {  	v54 =	vld [tilespmem:s13+$0x0]  }
0xab: {  	v55 =	vld [tilespmem:s13+$0x4]  }
0xac: {  	v56 =	vld [tilespmem:s13+$0x18]  }
0xad: {  	v57 =	vld [tilespmem:s13+$0x1C]  }
0xae: {  	v58 =	vld [tilespmem:s13+$0x30]  }
0xaf: {  	v59 =	vld [tilespmem:s13+$0x34]  }
0xb0: {  	v60 =	vld [tilespmem:s13+$0x48]  }
0xb1: {  	s23 =	sshra.s32 s9, $0x2;
	v61 =	vld [tilespmem:s13+$0x4C]  }
0xb2: {  	v14 =	vld [tilespmem:s23+$0x6B00]  }
0xb3: {  	v15 =	vld [tilespmem:s23+$0x6B04]  }
0xb4: {  	v62 =	vld [tilespmem:s13+$0x60]  }
0xb5: {  	v30 =	vld [tilespmem:s23+$0x6B18];
	v0 =	vadd.f32 $0.0e+00, v0;
	v1 =	vadd.f32 $0.0e+00, v1  }
0xb6: {  	v31 =	vld [tilespmem:s23+$0x6B1C];
	v52 =	vadd.f32 $0.0e+00, v16;
	v53 =	vadd.f32 $0.0e+00, v17  }
0xb7: {  	v63 =	vld [tilespmem:s13+$0x64];
	v45 =	vadd.f32 $0.0e+00, v32;
	v47 =	vadd.f32 $0.0e+00, v33  }
0xb8: {  	v12 =	vld [tilespmem:s23+$0x5900];
	v14 =	vadd.f32 $0.0e+00, v14;
	v15 =	vadd.f32 $0.0e+00, v15  }
0xb9: {  	v16 =	vld [tilespmem:s23+$0x6B30];
	v0 =	vadd.f32 v2, v0;
	v1 =	vadd.f32 v3, v1  }
0xba: {  	v17 =	vld [tilespmem:s23+$0x6B34];
	v3 =	vadd.f32 v19, v53;
	v50 =	vadd.f32 v35, v47  }
0xbb: {  	v13 =	vld [tilespmem:s23+$0x5904];
	v14 =	vadd.f32 v30, v14;
	v15 =	vadd.f32 v31, v15  }
0xbc: {  	v28 =	vld [tilespmem:s23+$0x5918];
	v0 =	vadd.f32 v4, v0;
	v4 =	vadd.f32 v18, v52  }
0xbd: {  	v29 =	vld [tilespmem:s23+$0x591C];
	v1 =	vadd.f32 v5, v1;
	v3 =	vadd.f32 v21, v3  }
0xbe: {  	v44 =	vld [tilespmem:s23+$0x5934];
	v21 =	vadd.f32 v34, v45;
	v5 =	vadd.f32 $0.0e+00, v55  }
0xbf: {  	v46 =	vld [tilespmem:s23+$0x5948];
	v14 =	vadd.f32 v16, v14;
	v15 =	vadd.f32 v17, v15  }
0xc0: {  	v48 =	vld [tilespmem:s23+$0x594C];
	v0 =	vadd.f32 v6, v0;
	v4 =	vadd.f32 v20, v4  }
0xc1: {  	v49 =	vld [tilespmem:s23+$0x6B48];
	v1 =	vadd.f32 v7, v1;
	v3 =	vadd.f32 v23, v3  }
0xc2: {  	v2 =	vld [tilespmem:s23+$0x5930];
	v0 =	vadd.f32 v8, v0;
	v4 =	vadd.f32 v22, v4  }
0xc3: {  	v53 =	vld [tilespmem:s13+$0x94];
	v51 =	vadd.f32 v36, v21;
	v1 =	vadd.f32 v9, v1  }
0xc4: {  	v47 =	vld [tilespmem:s13+$0x168];
	v0 =	vadd.f32 v10, v0;
	v4 =	vadd.f32 v24, v4  }
0xc5: {  	v30 =	vld [tilespmem:s23+$0x5960];
	v3 =	vadd.f32 v25, v3;
	v1 =	vadd.f32 v11, v1  }
0xc6: {  	v52 =	vld [tilespmem:s13+$0x90];
	v6 =	vadd.f32 $0.0e+00, v54;
	v0 =	vmul.f32 $1.666666720e-01, v0;
	v4 =	vadd.f32 v26, v4  }
0xc7: {  	v55 =	vld [tilespmem:s13+$0xAC];
	v5 =	vadd.f32 v57, v5;
	v3 =	vadd.f32 v27, v3;
	v1 =	vmul.f32 $1.666666720e-01, v1  }
0xc8: {  	v34 =	vld [tilespmem:s23+$0x6B60];
	v6 =	vadd.f32 v56, v6;
	v0 =	vadd.f32 v0, v12;
	v4 =	vmul.f32 $1.666666720e-01, v4  }
0xc9: {  	v45 =	vld [tilespmem:s13+$0x154];
	v14 =	vadd.f32 v49, v14;
	v3 =	vmul.f32 $1.666666720e-01, v3;
	v1 =	vadd.f32 v1, v13  }
0xca: {  	v20 =	vld [tilespmem:s13+$0x78];
	v6 =	vadd.f32 v58, v6;
	v0 =	vmax.f32 v0, $0.0e+00;
	v4 =	vadd.f32 v4, v28  }
0xcb: {  	v23 =	vld [tilespmem:s23+$0x6B4C];
	v3 =	vadd.f32 v3, v29;
	v1 =	vmax.f32 v1, $0.0e+00;
	v0 =	vadd.f32 $0.0e+00, v0  }
0xcc: {  	v54 =	vld [tilespmem:s13+$0xA8];
	v6 =	vadd.f32 v60, v6;
	v1 =	vadd.f32 $0.0e+00, v1;
	v4 =	vmax.f32 v4, $0.0e+00  }
0xcd: {  	v57 =	vld [tilespmem:s13+$0xC4];
	v3 =	vmax.f32 v3, $0.0e+00;
	v0 =	vadd.f32 v4, v0;
	v4 =	vadd.f32 v37, v50  }
0xce: {  	v36 =	vld [tilespmem:s23+$0x6B64];
	v1 =	vadd.f32 v3, v1;
	v3 =	vadd.f32 v38, v51  }
0xcf: {  	v49 =	vld [tilespmem:s13+$0x180];
	v5 =	vadd.f32 v59, v5;
	v4 =	vadd.f32 v39, v4  }
0xd0: {  	v13 =	vld [tilespmem:s13+$0x7C];
	v6 =	vadd.f32 v62, v6;
	v3 =	vadd.f32 v40, v3  }
0xd1: {  	v56 =	vld [tilespmem:s13+$0xC0];
	v5 =	vadd.f32 v61, v5;
	v4 =	vadd.f32 v41, v4  }
0xd2: {  	v6 =	vadd.f32 v20, v6;
	v37 =	vld [tilespmem:s13+$0x120];
	v3 =	vadd.f32 v42, v3  }
0xd3: {  	v63 =	vadd.f32 v63, v5;
	v38 =	vld [tilespmem:s13+$0x124];
	v4 =	vadd.f32 v43, v4  }
0xd4: {  	v59 =	vld [tilespmem:s13+$0xDC];
	v21 =	vadd.f32 $0.0e+00, v52;
	v6 =	vmul.f32 $1.666666720e-01, v6;
	v3 =	vmul.f32 $1.666666720e-01, v3  }
0xd5: {  	v15 =	vadd.f32 v23, v15;
	v40 =	vld [tilespmem:s13+$0x138];
	v62 =	vmul.f32 $1.666666720e-01, v4;
	v4 =	vadd.f32 v13, v63  }
0xd6: {  	v35 =	vadd.f32 v6, v46;
	v42 =	vld [tilespmem:s13+$0x13C];
	v2 =	vadd.f32 v3, v2  }
0xd7: {  	v52 =	vld [tilespmem:s13+$0x198];
	v39 =	vadd.f32 v54, v21;
	v3 =	vadd.f32 v62, v44;
	v33 =	vmul.f32 $1.666666720e-01, v4  }
0xd8: {  	v58 =	vld [tilespmem:s13+$0xD8];
	v46 =	vadd.f32 $0.0e+00, v38;
	v2 =	vmax.f32 v2, $0.0e+00;
	v44 =	vadd.f32 $0.0e+00, v37  }
0xd9: {  	v61 =	vld [tilespmem:s13+$0xF4];
	v0 =	vadd.f32 v2, v0;
	v3 =	vmax.f32 v3, $0.0e+00;
	v2 =	vadd.f32 v33, v48  }
0xda: {  	v41 =	vadd.f32 $0.0e+00, v53;
	v43 =	vld [tilespmem:s13+$0x150];
	v1 =	vadd.f32 v3, v1  }
0xdb: {  	v60 =	vld [tilespmem:s13+$0xF0];
	v9 =	vadd.f32 v42, v46;
	v8 =	vadd.f32 v40, v44;
	v2 =	vmax.f32 v2, $0.0e+00  }
0xdc: {  	v29 =	vld [tilespmem:s13+$0x10C];
	v3 =	vmax.f32 v35, $0.0e+00;
	v1 =	vadd.f32 v2, v1;
	v2 =	vadd.f32 v55, v41  }
0xdd: {  	v48 =	vld [tilespmem:s13+$0x16C];
	v0 =	vadd.f32 v3, v0;
	v3 =	vadd.f32 v56, v39  }
0xde: {  	v28 =	vld [tilespmem:s13+$0x108];
	v4 =	vadd.f32 v34, v14;
	v2 =	vadd.f32 v57, v2  }
0xdf: {  	v50 =	vld [tilespmem:s13+$0x184];
	v7 =	vadd.f32 v43, v8;
	v3 =	vadd.f32 v58, v3  }
0xe0: {  	v54 =	vld [tilespmem:s23+$0x6B78];
	v51 =	vadd.f32 v45, v9;
	v2 =	vadd.f32 v59, v2  }
0xe1: {  	v53 =	vld [tilespmem:s13+$0x19C];
	v7 =	vadd.f32 v47, v7;
	v3 =	vadd.f32 v60, v3  }
0xe2: {  	v55 =	vld [tilespmem:s23+$0x6B7C];
	v5 =	vadd.f32 v48, v51;
	v2 =	vadd.f32 v61, v2  }
0xe3: {  	v32 =	vld [tilespmem:s23+$0x5964];
	v7 =	vadd.f32 v49, v7;
	v3 =	vadd.f32 v28, v3  }
0xe4: {  	v56 =	vld [tilespmem:s23+$0x5978];
	v5 =	vadd.f32 v50, v5;
	v2 =	vadd.f32 v29, v2  }
0xe5: {  	v6 =	vadd.f32 v36, v15;
	v57 =	vld [tilespmem:s23+$0x597C];
	v7 =	vadd.f32 v52, v7;
	v3 =	vmul.f32 $1.666666720e-01, v3  }
0xe6: {  	v4 =	vadd.f32 v54, v4;
	v58 =	vld [tilespmem:s5+$0xFFFFFFFC];
	v5 =	vadd.f32 v53, v5;
	v2 =	vmul.f32 $1.666666720e-01, v2  }
0xe7: {  	v59 =	vld [tilespmem:s5+$0x0];
	v6 =	vadd.f32 v55, v6;
	v7 =	vmul.f32 $1.666666720e-01, v7;
	v3 =	vadd.f32 v3, v30  }
0xe8: {  	v4 =	vmul.f32 $1.666666720e-01, v4;
	v5 =	vmul.f32 $1.666666720e-01, v5;
	v2 =	vadd.f32 v2, v32  }
0xe9: {  	v6 =	vmul.f32 $1.666666720e-01, v6;
	v60 =	vadd.f32 v7, v56;
	v3 =	vmax.f32 v3, $0.0e+00  }
0xea: {  	v5 =	vadd.f32 v5, v57;
	v0 =	vadd.f32 v3, v0;
	v2 =	vmax.f32 v2, $0.0e+00  }
0xeb: {  	v61 =	vadd.f32 v4, v58;
	v3 =	vmax.f32 v60, $0.0e+00;
	v1 =	vadd.f32 v2, v1  }
0xec: {  	p0 =	sne.s32 s9, $0x45C0;
	v63 =	vadd.f32 v6, v59;
	v62 =	vmax.f32 v5, $0.0e+00;
	v0 =	vadd.f32 v3, v0  }
.Ltmp0:
0xed: {  	v2 =	vmax.f32 v61, $0.0e+00;
	v1 =	vadd.f32 v62, v1;
	(pc) =	sbr.rel @p0 .LBB2_3-.Ltmp0, $4  }
0xee: {  	v3 =	vmax.f32 v63, $0.0e+00;
	[tilespmem:s11+$0xFFFFFFE8] =	vst v2;
	v0 =	vmul.f32 $1.666666720e-01, v0  }
0xef: {  	[tilespmem:s11+$0xFFFFFFEC] =	vst v3;
	v1 =	vmul.f32 $1.666666720e-01, v1  }
0xf0: {  	s9 =	sadd.s32 $0x240, s9;
	[tilespmem:s11+$0xFFFFFFFC] =	vst v0  }
0xf1: {  	s13 =	sadd.s32 $0x360, s13;
	s5 =	sadd.s32 $0x18, s5;
	[tilespmem:s11+$0x0] =	vst v1;
	s11 =	sadd.s32 $0x80, s11  }
0xf2: {  	s5 =	sshll.u32 s6, $0xA  }
0xf3: {  	p0 =	seq.s32 s6, $0x7;
	s5 =	sadd.s32 s5, s8  }
0xf4: {  	[hbm4b:s5+s2] =	stream.linear.scatter [tilespmem:s22], [sflag:$0x3], $0x1000, $0x38;
	[tilespmem:$0x18C00] =	vst v63  }
0xf5: {  	s9 =	simm.s32 @!p0 $0x20;
	s5 =	sadd.s32 @!p0 $0x2, s7;
	_ =	swait.ge [sflag:s10], $0x1000  }
0xf6: {  	s11 =	simm.s32 @!p0 $0x5600;
	s7 =	sshll.u32 @!p0 s5, $0x5;
	[sflag:s10] =	ssyncset.done $0x0  }
0xf7: {  	s13 =	smul.u32 @!p0 $0x300, s5;
	s7 =	sand.u32 @!p0 $0x3FFFFFE0, s7;
	[sflag:s10] =	ssyncadd.s32 $0xFFFFF000  }
0xf8: {  	[tilespmem:s11], [sflag:$0x1] =	stream.indirect.gather @!p0 [hbm4b:s3+s9], $0x18, s7, s9, $0xb8;
	[tilespmem:$0x18C00] =	vst v63  }
0xf9: {  	s7 =	sshra.s32 @!p0 s13, $0x2  }
0xfa: {  	s11 =	simm.s32 @!p0 $0x80;
	s13 =	simm.s32 @!p0 $0x5900;
	s9 =	sadd.s32 @!p0 $0x200, s7  }
0xfb: {  	[tilespmem:s13], [sflag:$0x1] =	stream.indirect.gather @!p0 [hbm4b:s3+s11], $0x18, s9, s11, $0xb8;
	[tilespmem:$0x18C00] =	vst v63  }
0xfc: {  	s23 =	simm.s32 @!p0 $0x6500;
	s7 =	sadd.s32 @!p0 $0x280, s7;
	s13 =	simm.s32 @!p0 $0x40  }
0xfd: {  	[tilespmem:s23], [sflag:$0x1] =	stream.indirect.gather @!p0 [hbm4b:s3+s13], $0x18, s7, s13, $0xb8;
	[tilespmem:$0x18C00] =	vst v63  }
0xfe: {  	s5 =	smul.u32 @!p0 $0x1200, s5;
	s23 =	simm.s32 @!p0 $0x6B00  }
0xff: {  	[tilespmem:s23], [sflag:$0x1] =	stream.indirect.gather @!p0 [hbm4b:s4+s11], $0x18, s9, s11, $0xb8;
	[tilespmem:$0x18C00] =	vst v63  }
0x100: {  	s5 =	sshra.s32 @!p0 s5, $0x2;
	s9 =	simm.s32 @!p0 $0x7700  }
0x101: {  	[tilespmem:s9], [sflag:$0x1] =	stream.indirect.gather @!p0 [hbm4b:s4+s13], $0x18, s7, s13, $0xb8;
	[tilespmem:$0x18C00] =	vst v63  }
0x102: {  	s7 =	sadd.s32 @!p0 $0xE00, s5;
	s9 =	simm.s32 @!p0 $0x7D00  }
0x103: {  	[tilespmem:s9], [sflag:$0x1] =	stream.indirect.gather @!p0 [hbm4b:s4+s11], $0x18, s7, s11, $0xb8;
	[tilespmem:$0x18C00] =	vst v63  }
0x104: {  	s7 =	sadd.s32 @!p0 $0xE80, s5;
	s9 =	simm.s32 @!p0 $0x8900  }
0x105: {  	[tilespmem:s9], [sflag:$0x1] =	stream.indirect.gather @!p0 [hbm4b:s4+s11], $0x18, s7, s11, $0xb8;
	[tilespmem:$0x18C00] =	vst v63  }
0x106: {  	s7 =	sadd.s32 @!p0 $0xF00, s5;
	s9 =	simm.s32 @!p0 $0x9500  }
0x107: {  	[tilespmem:s9], [sflag:$0x1] =	stream.indirect.gather @!p0 [hbm4b:s4+s11], $0x18, s7, s11, $0xb8;
	[tilespmem:$0x18C00] =	vst v63  }
0x108: {  	s7 =	sadd.s32 @!p0 $0xF80, s5;
	s9 =	simm.s32 @!p0 $0xA100  }
0x109: {  	[tilespmem:s9], [sflag:$0x1] =	stream.indirect.gather @!p0 [hbm4b:s4+s11], $0x18, s7, s11, $0xb8;
	[tilespmem:$0x18C00] =	vst v63  }
0x10a: {  	s7 =	sadd.s32 @!p0 $0x1000, s5;
	s9 =	simm.s32 @!p0 $0xAD00  }
0x10b: {  	[tilespmem:s9], [sflag:$0x1] =	stream.indirect.gather @!p0 [hbm4b:s4+s11], $0x18, s7, s11, $0xb8;
	[tilespmem:$0x18C00] =	vst v63  }
0x10c: {  	s7 =	sadd.s32 @!p0 $0x1080, s5;
	s9 =	simm.s32 @!p0 $0xB900  }
0x10d: {  	[tilespmem:s9], [sflag:$0x1] =	stream.indirect.gather @!p0 [hbm4b:s4+s11], $0x18, s7, s11, $0xb8;
	[tilespmem:$0x18C00] =	vst v63  }
0x10e: {  	s7 =	sadd.s32 @!p0 $0x1100, s5;
	s9 =	simm.s32 @!p0 $0xC500  }
0x10f: {  	[tilespmem:s9], [sflag:$0x1] =	stream.indirect.gather @!p0 [hbm4b:s4+s11], $0x18, s7, s11, $0xb8;
	[tilespmem:$0x18C00] =	vst v63  }
0x110: {  	s7 =	sadd.s32 @!p0 $0x1180, s5;
	s9 =	simm.s32 @!p0 $0xD100  }
0x111: {  	[tilespmem:s9], [sflag:$0x1] =	stream.indirect.gather @!p0 [hbm4b:s4+s11], $0x18, s7, s11, $0xb8;
	[tilespmem:$0x18C00] =	vst v63  }
0x112: {  	s5 =	sadd.s32 @!p0 $0x1200, s5;
	s7 =	simm.s32 @!p0 $0xDD00  }
0x113: {  	[tilespmem:s7], [sflag:$0x1] =	stream.indirect.gather @!p0 [hbm4b:s4+s11], $0x18, s5, s11, $0xb8;
	[tilespmem:$0x18C00] =	vst v63  }
0x114: {  	_ =	swait.ge [sflag:s12], $0x300  }
0x115: {  	[sflag:s12] =	ssyncset.done $0x0  }
0x116: {  	[sflag:s12] =	ssyncadd.s32 $0xFFFFFD00  }
0x117: {  	_ =	swait.ge [sflag:s12], $0xC00  }
0x118: {  	[sflag:s12] =	ssyncset.done $0x0  }
0x119: {  	[sflag:s12] =	ssyncadd.s32 $0xFFFFF400  }
0x11a: {  	_ =	swait.ge [sflag:s12], $0x600  }
0x11b: {  	[sflag:s12] =	ssyncset.done $0x0  }
0x11c: {  	[sflag:s12] =	ssyncadd.s32 $0xFFFFFA00  }
0x11d: {  	_ =	swait.ge [sflag:s12], $0xC00  }
0x11e: {  	[sflag:s12] =	ssyncset.done $0x0  }
0x11f: {  	[sflag:s12] =	ssyncadd.s32 $0xFFFFF400  }
0x120: {  	_ =	swait.ge [sflag:s12], $0x600  }
0x121: {  	[sflag:s12] =	ssyncset.done $0x0  }
0x122: {  	[sflag:s12] =	ssyncadd.s32 $0xFFFFFA00  }
0x123: {  	_ =	swait.ge [sflag:s12], $0xC00  }
0x124: {  	[sflag:s12] =	ssyncset.done $0x0  }
0x125: {  	[sflag:s12] =	ssyncadd.s32 $0xFFFFF400  }
0x126: {  	_ =	swait.ge [sflag:s12], $0xC00  }
0x127: {  	[sflag:s12] =	ssyncset.done $0x0  }
0x128: {  	[sflag:s12] =	ssyncadd.s32 $0xFFFFF400  }
0x129: {  	_ =	swait.ge [sflag:s12], $0xC00  }
0x12a: {  	[sflag:s12] =	ssyncset.done $0x0  }
0x12b: {  	[sflag:s12] =	ssyncadd.s32 $0xFFFFF400  }
0x12c: {  	_ =	swait.ge [sflag:s12], $0xC00  }
0x12d: {  	[sflag:s12] =	ssyncset.done $0x0  }
0x12e: {  	[sflag:s12] =	ssyncadd.s32 $0xFFFFF400  }
0x12f: {  	_ =	swait.ge [sflag:s12], $0xC00  }
0x130: {  	[sflag:s12] =	ssyncset.done $0x0  }
0x131: {  	[sflag:s12] =	ssyncadd.s32 $0xFFFFF400  }
0x132: {  	_ =	swait.ge [sflag:s12], $0xC00  }
0x133: {  	[sflag:s12] =	ssyncset.done $0x0  }
0x134: {  	[sflag:s12] =	ssyncadd.s32 $0xFFFFF400  }
0x135: {  	_ =	swait.ge [sflag:s12], $0xC00  }
0x136: {  	[sflag:s12] =	ssyncset.done $0x0  }
0x137: {  	[sflag:s12] =	ssyncadd.s32 $0xFFFFF400  }
0x138: {  	_ =	swait.ge [sflag:s12], $0xC00  }
0x139: {  	[sflag:s12] =	ssyncset.done $0x0  }
0x13a: {  	[sflag:s12] =	ssyncadd.s32 $0xFFFFF400  }
0x13b: {  	s6 =	sadd.s32 $0x1, s6;
	_ =	swait.ge [sflag:s12], $0xC00  }
0x13c: {  	s9 =	simm.s32 $0x17C18;
	s7 =	simm.s32 $0x0;
	[sflag:s12] =	ssyncset.done $0x0  }
0x13d: {  	s5 =	simm.s32 $0xE904;
	s11 =	simm.s32 $0x111B0;
	[sflag:s12] =	ssyncadd.s32 $0xFFFFF400  }
.LBB2_5:
0x13e: {  	v0 =	vld [tilespmem:s11+$0xFFFFFE50]  }
0x13f: {  	v1 =	vld [tilespmem:s11+$0xFFFFFE54]  }
0x140: {  	v2 =	vld [tilespmem:s11+$0xFFFFFE68]  }
0x141: {  	v3 =	vld [tilespmem:s11+$0xFFFFFE6C]  }
0x142: {  	v4 =	vld [tilespmem:s11+$0xFFFFFE80]  }
0x143: {  	v5 =	vld [tilespmem:s11+$0xFFFFFE84]  }
0x144: {  	v6 =	vld [tilespmem:s11+$0xFFFFFE98]  }
0x145: {  	v7 =	vld [tilespmem:s11+$0xFFFFFE9C]  }
0x146: {  	v8 =	vld [tilespmem:s11+$0xFFFFFEB0]  }
0x147: {  	v9 =	vld [tilespmem:s11+$0xFFFFFEB4]  }
0x148: {  	v10 =	vld [tilespmem:s11+$0xFFFFFEC8]  }
0x149: {  	v11 =	vld [tilespmem:s11+$0xFFFFFECC]  }
0x14a: {  	v16 =	vld [tilespmem:s11+$0xFFFFFEE0]  }
0x14b: {  	v17 =	vld [tilespmem:s11+$0xFFFFFEE4]  }
0x14c: {  	v18 =	vld [tilespmem:s11+$0xFFFFFEF8]  }
0x14d: {  	v19 =	vld [tilespmem:s11+$0xFFFFFEFC]  }
0x14e: {  	v20 =	vld [tilespmem:s11+$0xFFFFFF10]  }
0x14f: {  	v21 =	vld [tilespmem:s11+$0xFFFFFF14]  }
0x150: {  	v22 =	vld [tilespmem:s11+$0xFFFFFF28]  }
0x151: {  	v23 =	vld [tilespmem:s11+$0xFFFFFF2C]  }
0x152: {  	v24 =	vld [tilespmem:s11+$0xFFFFFF40]  }
0x153: {  	v25 =	vld [tilespmem:s11+$0xFFFFFF44]  }
0x154: {  	v26 =	vld [tilespmem:s11+$0xFFFFFF58]  }
0x155: {  	v27 =	vld [tilespmem:s11+$0xFFFFFF5C]  }
0x156: {  	v32 =	vld [tilespmem:s11+$0xFFFFFF70]  }
0x157: {  	v33 =	vld [tilespmem:s11+$0xFFFFFF74]  }
0x158: {  	v34 =	vld [tilespmem:s11+$0xFFFFFF88]  }
0x159: {  	v35 =	vld [tilespmem:s11+$0xFFFFFF8C]  }
0x15a: {  	v36 =	vld [tilespmem:s11+$0xFFFFFFA0]  }
0x15b: {  	v37 =	vld [tilespmem:s11+$0xFFFFFFA4]  }
0x15c: {  	v38 =	vld [tilespmem:s11+$0xFFFFFFB8]  }
0x15d: {  	v39 =	vld [tilespmem:s11+$0xFFFFFFBC]  }
0x15e: {  	v40 =	vld [tilespmem:s11+$0xFFFFFFD0]  }
0x15f: {  	v41 =	vld [tilespmem:s11+$0xFFFFFFD4]  }
0x160: {  	v42 =	vld [tilespmem:s11+$0xFFFFFFE8]  }
0x161: {  	v43 =	vld [tilespmem:s11+$0xFFFFFFEC]  }
0x162: {  	v54 =	vld [tilespmem:s11+$0x0]  }
0x163: {  	v55 =	vld [tilespmem:s11+$0x4]  }
0x164: {  	v56 =	vld [tilespmem:s11+$0x18]  }
0x165: {  	v57 =	vld [tilespmem:s11+$0x1C]  }
0x166: {  	v58 =	vld [tilespmem:s11+$0x30]  }
0x167: {  	v59 =	vld [tilespmem:s11+$0x34]  }
0x168: {  	v60 =	vld [tilespmem:s11+$0x48]  }
0x169: {  	s13 =	sshra.s32 s7, $0x2;
	v61 =	vld [tilespmem:s11+$0x4C]  }
0x16a: {  	v14 =	vld [tilespmem:s13+$0xFE00]  }
0x16b: {  	v15 =	vld [tilespmem:s13+$0xFE04]  }
0x16c: {  	v62 =	vld [tilespmem:s11+$0x60]  }
0x16d: {  	v30 =	vld [tilespmem:s13+$0xFE18];
	v0 =	vadd.f32 $0.0e+00, v0;
	v1 =	vadd.f32 $0.0e+00, v1  }
0x16e: {  	v31 =	vld [tilespmem:s13+$0xFE1C];
	v52 =	vadd.f32 $0.0e+00, v16;
	v53 =	vadd.f32 $0.0e+00, v17  }
0x16f: {  	v63 =	vld [tilespmem:s11+$0x64];
	v45 =	vadd.f32 $0.0e+00, v32;
	v47 =	vadd.f32 $0.0e+00, v33  }
0x170: {  	v12 =	vld [tilespmem:s13+$0xEC00];
	v14 =	vadd.f32 $0.0e+00, v14;
	v15 =	vadd.f32 $0.0e+00, v15  }
0x171: {  	v16 =	vld [tilespmem:s13+$0xFE30];
	v0 =	vadd.f32 v2, v0;
	v1 =	vadd.f32 v3, v1  }
0x172: {  	v17 =	vld [tilespmem:s13+$0xFE34];
	v3 =	vadd.f32 v19, v53;
	v50 =	vadd.f32 v35, v47  }
0x173: {  	v13 =	vld [tilespmem:s13+$0xEC04];
	v14 =	vadd.f32 v30, v14;
	v15 =	vadd.f32 v31, v15  }
0x174: {  	v28 =	vld [tilespmem:s13+$0xEC18];
	v0 =	vadd.f32 v4, v0;
	v4 =	vadd.f32 v18, v52  }
0x175: {  	v29 =	vld [tilespmem:s13+$0xEC1C];
	v1 =	vadd.f32 v5, v1;
	v3 =	vadd.f32 v21, v3  }
0x176: {  	v44 =	vld [tilespmem:s13+$0xEC34];
	v21 =	vadd.f32 v34, v45;
	v5 =	vadd.f32 $0.0e+00, v55  }
0x177: {  	v46 =	vld [tilespmem:s13+$0xEC48];
	v14 =	vadd.f32 v16, v14;
	v15 =	vadd.f32 v17, v15  }
0x178: {  	v48 =	vld [tilespmem:s13+$0xEC4C];
	v0 =	vadd.f32 v6, v0;
	v4 =	vadd.f32 v20, v4  }
0x179: {  	v49 =	vld [tilespmem:s13+$0xFE48];
	v1 =	vadd.f32 v7, v1;
	v3 =	vadd.f32 v23, v3  }
0x17a: {  	v2 =	vld [tilespmem:s13+$0xEC30];
	v0 =	vadd.f32 v8, v0;
	v4 =	vadd.f32 v22, v4  }
0x17b: {  	v53 =	vld [tilespmem:s11+$0x94];
	v51 =	vadd.f32 v36, v21;
	v1 =	vadd.f32 v9, v1  }
0x17c: {  	v47 =	vld [tilespmem:s11+$0x168];
	v0 =	vadd.f32 v10, v0;
	v4 =	vadd.f32 v24, v4  }
0x17d: {  	v30 =	vld [tilespmem:s13+$0xEC60];
	v3 =	vadd.f32 v25, v3;
	v1 =	vadd.f32 v11, v1  }
0x17e: {  	v52 =	vld [tilespmem:s11+$0x90];
	v6 =	vadd.f32 $0.0e+00, v54;
	v0 =	vmul.f32 $1.666666720e-01, v0;
	v4 =	vadd.f32 v26, v4  }
0x17f: {  	v55 =	vld [tilespmem:s11+$0xAC];
	v5 =	vadd.f32 v57, v5;
	v3 =	vadd.f32 v27, v3;
	v1 =	vmul.f32 $1.666666720e-01, v1  }
0x180: {  	v34 =	vld [tilespmem:s13+$0xFE60];
	v6 =	vadd.f32 v56, v6;
	v0 =	vadd.f32 v0, v12;
	v4 =	vmul.f32 $1.666666720e-01, v4  }
0x181: {  	v45 =	vld [tilespmem:s11+$0x154];
	v14 =	vadd.f32 v49, v14;
	v3 =	vmul.f32 $1.666666720e-01, v3;
	v1 =	vadd.f32 v1, v13  }
0x182: {  	v20 =	vld [tilespmem:s11+$0x78];
	v6 =	vadd.f32 v58, v6;
	v0 =	vmax.f32 v0, $0.0e+00;
	v4 =	vadd.f32 v4, v28  }
0x183: {  	v23 =	vld [tilespmem:s13+$0xFE4C];
	v3 =	vadd.f32 v3, v29;
	v1 =	vmax.f32 v1, $0.0e+00;
	v0 =	vadd.f32 $0.0e+00, v0  }
0x184: {  	v54 =	vld [tilespmem:s11+$0xA8];
	v6 =	vadd.f32 v60, v6;
	v1 =	vadd.f32 $0.0e+00, v1;
	v4 =	vmax.f32 v4, $0.0e+00  }
0x185: {  	v57 =	vld [tilespmem:s11+$0xC4];
	v3 =	vmax.f32 v3, $0.0e+00;
	v0 =	vadd.f32 v4, v0;
	v4 =	vadd.f32 v37, v50  }
0x186: {  	v36 =	vld [tilespmem:s13+$0xFE64];
	v1 =	vadd.f32 v3, v1;
	v3 =	vadd.f32 v38, v51  }
0x187: {  	v49 =	vld [tilespmem:s11+$0x180];
	v5 =	vadd.f32 v59, v5;
	v4 =	vadd.f32 v39, v4  }
0x188: {  	v13 =	vld [tilespmem:s11+$0x7C];
	v6 =	vadd.f32 v62, v6;
	v3 =	vadd.f32 v40, v3  }
0x189: {  	v56 =	vld [tilespmem:s11+$0xC0];
	v5 =	vadd.f32 v61, v5;
	v4 =	vadd.f32 v41, v4  }
0x18a: {  	v6 =	vadd.f32 v20, v6;
	v37 =	vld [tilespmem:s11+$0x120];
	v3 =	vadd.f32 v42, v3  }
0x18b: {  	v63 =	vadd.f32 v63, v5;
	v38 =	vld [tilespmem:s11+$0x124];
	v4 =	vadd.f32 v43, v4  }
0x18c: {  	v59 =	vld [tilespmem:s11+$0xDC];
	v21 =	vadd.f32 $0.0e+00, v52;
	v6 =	vmul.f32 $1.666666720e-01, v6;
	v3 =	vmul.f32 $1.666666720e-01, v3  }
0x18d: {  	v15 =	vadd.f32 v23, v15;
	v40 =	vld [tilespmem:s11+$0x138];
	v62 =	vmul.f32 $1.666666720e-01, v4;
	v4 =	vadd.f32 v13, v63  }
0x18e: {  	v35 =	vadd.f32 v6, v46;
	v42 =	vld [tilespmem:s11+$0x13C];
	v2 =	vadd.f32 v3, v2  }
0x18f: {  	v52 =	vld [tilespmem:s11+$0x198];
	v39 =	vadd.f32 v54, v21;
	v3 =	vadd.f32 v62, v44;
	v33 =	vmul.f32 $1.666666720e-01, v4  }
0x190: {  	v58 =	vld [tilespmem:s11+$0xD8];
	v46 =	vadd.f32 $0.0e+00, v38;
	v2 =	vmax.f32 v2, $0.0e+00;
	v44 =	vadd.f32 $0.0e+00, v37  }
0x191: {  	v61 =	vld [tilespmem:s11+$0xF4];
	v0 =	vadd.f32 v2, v0;
	v3 =	vmax.f32 v3, $0.0e+00;
	v2 =	vadd.f32 v33, v48  }
0x192: {  	v41 =	vadd.f32 $0.0e+00, v53;
	v43 =	vld [tilespmem:s11+$0x150];
	v1 =	vadd.f32 v3, v1  }
0x193: {  	v60 =	vld [tilespmem:s11+$0xF0];
	v9 =	vadd.f32 v42, v46;
	v8 =	vadd.f32 v40, v44;
	v2 =	vmax.f32 v2, $0.0e+00  }
0x194: {  	v29 =	vld [tilespmem:s11+$0x10C];
	v3 =	vmax.f32 v35, $0.0e+00;
	v1 =	vadd.f32 v2, v1;
	v2 =	vadd.f32 v55, v41  }
0x195: {  	v48 =	vld [tilespmem:s11+$0x16C];
	v0 =	vadd.f32 v3, v0;
	v3 =	vadd.f32 v56, v39  }
0x196: {  	v28 =	vld [tilespmem:s11+$0x108];
	v4 =	vadd.f32 v34, v14;
	v2 =	vadd.f32 v57, v2  }
0x197: {  	v50 =	vld [tilespmem:s11+$0x184];
	v7 =	vadd.f32 v43, v8;
	v3 =	vadd.f32 v58, v3  }
0x198: {  	v54 =	vld [tilespmem:s13+$0xFE78];
	v51 =	vadd.f32 v45, v9;
	v2 =	vadd.f32 v59, v2  }
0x199: {  	v53 =	vld [tilespmem:s11+$0x19C];
	v7 =	vadd.f32 v47, v7;
	v3 =	vadd.f32 v60, v3  }
0x19a: {  	v55 =	vld [tilespmem:s13+$0xFE7C];
	v5 =	vadd.f32 v48, v51;
	v2 =	vadd.f32 v61, v2  }
0x19b: {  	v32 =	vld [tilespmem:s13+$0xEC64];
	v7 =	vadd.f32 v49, v7;
	v3 =	vadd.f32 v28, v3  }
0x19c: {  	v56 =	vld [tilespmem:s13+$0xEC78];
	v5 =	vadd.f32 v50, v5;
	v2 =	vadd.f32 v29, v2  }
0x19d: {  	v6 =	vadd.f32 v36, v15;
	v57 =	vld [tilespmem:s13+$0xEC7C];
	v7 =	vadd.f32 v52, v7;
	v3 =	vmul.f32 $1.666666720e-01, v3  }
0x19e: {  	v4 =	vadd.f32 v54, v4;
	v58 =	vld [tilespmem:s5+$0xFFFFFFFC];
	v5 =	vadd.f32 v53, v5;
	v2 =	vmul.f32 $1.666666720e-01, v2  }
0x19f: {  	v59 =	vld [tilespmem:s5+$0x0];
	v6 =	vadd.f32 v55, v6;
	v7 =	vmul.f32 $1.666666720e-01, v7;
	v3 =	vadd.f32 v3, v30  }
0x1a0: {  	v4 =	vmul.f32 $1.666666720e-01, v4;
	v5 =	vmul.f32 $1.666666720e-01, v5;
	v2 =	vadd.f32 v2, v32  }
0x1a1: {  	v6 =	vmul.f32 $1.666666720e-01, v6;
	v60 =	vadd.f32 v7, v56;
	v3 =	vmax.f32 v3, $0.0e+00  }
0x1a2: {  	v5 =	vadd.f32 v5, v57;
	v0 =	vadd.f32 v3, v0;
	v2 =	vmax.f32 v2, $0.0e+00  }
0x1a3: {  	v61 =	vadd.f32 v4, v58;
	v3 =	vmax.f32 v60, $0.0e+00;
	v1 =	vadd.f32 v2, v1  }
0x1a4: {  	p0 =	sne.s32 s7, $0x45C0;
	v63 =	vadd.f32 v6, v59;
	v62 =	vmax.f32 v5, $0.0e+00;
	v0 =	vadd.f32 v3, v0  }
.Ltmp1:
0x1a5: {  	v2 =	vmax.f32 v61, $0.0e+00;
	v1 =	vadd.f32 v62, v1;
	(pc) =	sbr.rel @p0 .LBB2_5-.Ltmp1, $4  }
0x1a6: {  	v3 =	vmax.f32 v63, $0.0e+00;
	[tilespmem:s9+$0xFFFFFFE8] =	vst v2;
	v0 =	vmul.f32 $1.666666720e-01, v0  }
0x1a7: {  	[tilespmem:s9+$0xFFFFFFEC] =	vst v3;
	v1 =	vmul.f32 $1.666666720e-01, v1  }
0x1a8: {  	s7 =	sadd.s32 $0x240, s7;
	[tilespmem:s9+$0xFFFFFFFC] =	vst v0  }
0x1a9: {  	s11 =	sadd.s32 $0x360, s11;
	s5 =	sadd.s32 $0x18, s5;
	[tilespmem:s9+$0x0] =	vst v1;
	s9 =	sadd.s32 $0x80, s9  }
0x1aa: {  	s5 =	sshll.u32 s18, $0x9;
	p0 =	sne.s32 s6, $0x8  }
.Ltmp2:
0x1ab: {  	s5 =	sadd.s32 s5, s8;
	(pc) =	sbr.rel @p0 .LBB2_2-.Ltmp2, $4  }
0x1ac: {  	[hbm4b:s5+s2] =	stream.linear.scatter [tilespmem:s22], [sflag:$0x3], $0x1000, $0x38;
	[tilespmem:$0x18C00] =	vst v63  }
0x1ad: {  	_ =	swait.ge [sflag:s10], $0x1000  }
0x1ae: {  	[sflag:s10] =	ssyncset.done $0x0  }
0x1af: {  	[sflag:s10] =	ssyncadd.s32 $0xFFFFF000  }
0x1b0: {  	s6 =	rddreg [dreg:$0x8]  }
0x1b1: {  	s5 =	rddreg [dreg:$0x7];
	s6 =	sadd.s32 $0x1, s6  }
0x1b2: {  	p0 =	sne.s32 s6, s5  }
.Ltmp3:
0x1b3: {  	_ = 	snop;
	(pc) =	sbr.rel @p0 .LBB2_1-.Ltmp3, $1  }
0x1b4: {  	_ =	sdelay $0x3  }
0x1b5: {  	_ =	sfence.sel $0x180000  }
0x1b6: {  	[bflag:$0x0] =	sbarrier.arrive $0xFFFF  }
0x1b7: {  	_ =	strace $0x90000047  }
0x1b8: {  	s0 =	stileid.u32;
	[bflag:$0x2] =	sbarrier.arrive $0xFFFF  }
0x1b9: {  	p0 =	sne.s32 s0, $0x0;
	s0 =	rddreg [dreg:$0x3]  }
0x1ba: {  	s0 =	sadd.s32 @!p0 $0x100000, s0  }
0x1bb: {  	[sflag:s0] =	ssyncadd.tile.s32 @!p0 $0x1;
	_ =	shalt  }
.Lfunc_end2:
_tile_overlayer_lowered:
.L_overlay_start_2:
0x1bc: {  	(tag) =	ssettag $0x2  }
0x1bd: {  	s0 =	rddreg [dreg:$0x0];
	s2 =	stileid.u32  }
0x1be: {  	s1 =	rddreg [dreg:$0x1];
	p0 =	sne.s32 s2, $0x0  }
0x1bf: {  	s3 =	rddreg [dreg:$0x2];
	[bflag:$0x3] =	sbarrier.arrive $0xFFFF;
	s2 =	simm.s32 @!p0 $0x1C03  }
0x1c0: {  	[timem:s3], [sflag:s2] =	dma.local @!p0 [hbm:s0], s1  }
0x1c1: {  	s0 =	simm.s32 @!p0 $0x3  }
0x1c2: {  	_ =	swait.ge @!p0 [sflag:s0], s1  }
0x1c3: {  	s1 =	ssub.s32 @!p0 $0x0, s1;
	[sflag:s0] =	ssyncset.done @!p0 $0x0  }
0x1c4: {  	[sflag:s0] =	ssyncadd.s32 @!p0 s1  }
0x1c5: {  	[bflag:$0x3] =	sbarrier.arrive $0xFFFF  }
0x1c6: {  	_ =	shalt  }

</sc_bundles>
